<compile_context>
chip_gen: v7x
topology: tpu7x:2x2x1
jax: 0.10.2.dev20260603
libtpu: 0.0.44.dev20260713+nightly
codegen_flags: <defaults>
</compile_context>

<pallas_src>
import functools

import jax
import jax.numpy as jnp
from jax import lax
from jax.experimental import pallas as pl
from jax.experimental.pallas import tpu as pltpu
from jax.experimental.pallas import tpu_sc as plsc


def kernel(x, pos_embedding):
    S, N = x.shape
    _, D = pos_embedding.shape

    info = plsc.get_sparse_core_info()
    NW = info.num_cores * info.num_subcores
    rows_per_w = S // NW
    BS = 32
    NBUF = 3
    n_chunks = rows_per_w // BS

    mesh = plsc.VectorSubcoreMesh(core_axis_name="c", subcore_axis_name="s")

    @functools.partial(
        pl.kernel,
        out_type=jax.ShapeDtypeStruct((S, N, D), jnp.float32),
        mesh=mesh,
        scratch_types=(
            [pltpu.VMEM((BS, D), jnp.float32)] * NBUF
            + [pltpu.SemaphoreType.DMA] * (2 * NBUF)
        ),
        compiler_params=pltpu.CompilerParams(use_tc_tiling_on_sc=True),
    )
    def body(table_hbm, out_hbm, *scr):
        bufs = scr[:NBUF]
        rsems = scr[NBUF:2 * NBUF]
        wsems = scr[2 * NBUF:]
        wid = lax.axis_index("s") * info.num_cores + lax.axis_index("c")
        base0 = wid * rows_per_w

        read_h = [None] * n_chunks
        write_h = [[] for _ in range(n_chunks)]
        for c in range(min(NBUF, n_chunks)):
            read_h[c] = pltpu.async_copy(
                table_hbm.at[pl.ds(base0 + c * BS, BS)], bufs[c], rsems[c])
        for c in range(n_chunks):
            b = c % NBUF
            read_h[c].wait()
            for n in range(N):
                write_h[c].append(pltpu.async_copy(
                    bufs[b], out_hbm.at[pl.ds(base0 + c * BS, BS), n],
                    wsems[b]))
            nxt = c + NBUF
            if nxt < n_chunks:
                for h in write_h[c]:
                    h.wait()
                read_h[nxt] = pltpu.async_copy(
                    table_hbm.at[pl.ds(base0 + nxt * BS, BS)], bufs[b], rsems[b])
        for c in range(max(0, n_chunks - NBUF), n_chunks):
            for h in write_h[c]:
                h.wait()

    return body(pos_embedding)

# --- scband reference (transcript-rebuilt; emitter-appended) ---
"""Pipeline reference for scband-positional-encoding-68796786147619 (READ-ONLY COPY).

The authoritative reference and input builder live on the scoring server;
editing this copy changes nothing except your own understanding.
"""

import jax, jax.numpy as jnp
import numpy as np

D_MODEL = 1024
MAX_LEN = 8192
S = 8192
N = 4

def setup_inputs(seed: int = 0) -> dict:
    key = jax.random.key(seed)
    k1, k2 = jax.random.split(key)
    # x is only used for its shape/device in the original module; values are irrelevant
    x = jax.random.randint(k1, (S, N), 0, 1000)
    # learned positional embedding table, as in nn.Embedding(max_len, d_model)
    pos_embedding = jax.random.normal(k2, (MAX_LEN, D_MODEL), dtype=jnp.float32) * 0.02
    return {"x": x, "pos_embedding": pos_embedding}

def reference(x, pos_embedding):
    # Faithful translation of forward:
    # S, N = x.size(); pos = arange(S).unsqueeze(0).expand((N, S)).t(); return emb(pos)
    S_, N_ = x.shape
    pos = jnp.broadcast_to(jnp.arange(S_, dtype=jnp.int32)[:, None], (S_, N_))
    return jnp.take(pos_embedding, pos, axis=0)

if __name__ == "__main__":
    import jax
    _d = setup_inputs()
    print(jax.jit(kernel)(*tuple(_d.values())))

</pallas_src>

<mosaic_0001>
#map = affine_map<(d0, d1) -> (0, 0)>
#map1 = affine_map<(d0, d1) -> (0, 0, 0)>
module attributes {stable_mosaic.version = 14 : i64} {
  func.func @body(%arg0: i32, %arg1: i32, %arg2: memref<8192x1024xf32, #tpu.memory_space<hbm>>, %arg3: memref<8192x4x1024xf32, #tpu.memory_space<hbm>>, %arg4: memref<32x1024xf32, #tpu.memory_space<vmem>>, %arg5: memref<32x1024xf32, #tpu.memory_space<vmem>>, %arg6: memref<32x1024xf32, #tpu.memory_space<vmem>>, %arg7: memref<!tpu.dma_semaphore, #tpu.memory_space<semaphore_mem>>, %arg8: memref<!tpu.dma_semaphore, #tpu.memory_space<semaphore_mem>>, %arg9: memref<!tpu.dma_semaphore, #tpu.memory_space<semaphore_mem>>, %arg10: memref<!tpu.dma_semaphore, #tpu.memory_space<semaphore_mem>>, %arg11: memref<!tpu.dma_semaphore, #tpu.memory_space<semaphore_mem>>, %arg12: memref<!tpu.dma_semaphore, #tpu.memory_space<semaphore_mem>>) attributes {dimension_semantics = [#tpu.dimension_semantics<core_parallel>, #tpu.dimension_semantics<subcore_parallel>], iteration_bounds = array<i64: 2, 16>, scalar_prefetch = 0 : i64, scratch_operands = 9 : i64, tpu.core_type = #tpu.core_type<sc_vector_subcore>, window_params = [{transform_indices = #map}, {transform_indices = #map1}]} {
    %mul3A = arith.constant 2 : i32
    %mul3A_0 = arith.muli %arg1, %mul3A : i32
    %add3A = arith.addi %mul3A_0, %arg0 : i32
    %mul3A_1 = arith.constant 256 : i32
    %mul3A_2 = arith.muli %add3A, %mul3A_1 : i32
    %add3A_3 = arith.constant 0 : i32
    %add3A_4 = arith.addi %mul3A_2, %add3A_3 : i32
    %dma_start3A = arith.constant 0 : i32
    %dma_start3A_5 = tpu.memref_slice %arg2[%add3A_4, %dma_start3A] : memref<8192x1024xf32, #tpu.memory_space<hbm>> -> memref<32x1024xf32, #tpu.memory_space<hbm>>
    %dma_start3A_6 = arith.constant 0 : i32
    %dma_start3A_7 = tpu.memref_slice %arg2[%add3A_4, %dma_start3A_6] : memref<8192x1024xf32, #tpu.memory_space<hbm>> -> memref<32x1024xf32, #tpu.memory_space<hbm>>
    tpu.enqueue_dma source(%dma_start3A_7 : memref<32x1024xf32, #tpu.memory_space<hbm>>) target(%arg4 : memref<32x1024xf32, #tpu.memory_space<vmem>>) target_semaphore(%arg7 : memref<!tpu.dma_semaphore, #tpu.memory_space<semaphore_mem>>)
    %add3A_8 = arith.constant 32 : i32
    %add3A_9 = arith.addi %mul3A_2, %add3A_8 : i32
    %dma_start3A_10 = arith.constant 0 : i32
    %dma_start3A_11 = tpu.memref_slice %arg2[%add3A_9, %dma_start3A_10] : memref<8192x1024xf32, #tpu.memory_space<hbm>> -> memref<32x1024xf32, #tpu.memory_space<hbm>>
    %dma_start3A_12 = arith.constant 0 : i32
    %dma_start3A_13 = tpu.memref_slice %arg2[%add3A_9, %dma_start3A_12] : memref<8192x1024xf32, #tpu.memory_space<hbm>> -> memref<32x1024xf32, #tpu.memory_space<hbm>>
    tpu.enqueue_dma source(%dma_start3A_13 : memref<32x1024xf32, #tpu.memory_space<hbm>>) target(%arg5 : memref<32x1024xf32, #tpu.memory_space<vmem>>) target_semaphore(%arg8 : memref<!tpu.dma_semaphore, #tpu.memory_space<semaphore_mem>>)
    %add3A_14 = arith.constant 64 : i32
    %add3A_15 = arith.addi %mul3A_2, %add3A_14 : i32
    %dma_start3A_16 = arith.constant 0 : i32
    %dma_start3A_17 = tpu.memref_slice %arg2[%add3A_15, %dma_start3A_16] : memref<8192x1024xf32, #tpu.memory_space<hbm>> -> memref<32x1024xf32, #tpu.memory_space<hbm>>
    %dma_start3A_18 = arith.constant 0 : i32
    %dma_start3A_19 = tpu.memref_slice %arg2[%add3A_15, %dma_start3A_18] : memref<8192x1024xf32, #tpu.memory_space<hbm>> -> memref<32x1024xf32, #tpu.memory_space<hbm>>
    tpu.enqueue_dma source(%dma_start3A_19 : memref<32x1024xf32, #tpu.memory_space<hbm>>) target(%arg6 : memref<32x1024xf32, #tpu.memory_space<vmem>>) target_semaphore(%arg9 : memref<!tpu.dma_semaphore, #tpu.memory_space<semaphore_mem>>)
    %dma_wait3A = arith.constant 0 : i32
    %dma_wait3A_20 = tpu.memref_slice %arg2[%add3A_4, %dma_wait3A] : memref<8192x1024xf32, #tpu.memory_space<hbm>> -> memref<32x1024xf32, #tpu.memory_space<hbm>>
    %dma_wait3A_21 = arith.constant 0 : i32
    %dma_wait3A_22 = tpu.memref_slice %arg2[%add3A_4, %dma_wait3A_21] : memref<8192x1024xf32, #tpu.memory_space<hbm>> -> memref<32x1024xf32, #tpu.memory_space<hbm>>
    tpu.wait_dma2 semaphore(%arg7 : memref<!tpu.dma_semaphore, #tpu.memory_space<semaphore_mem>>) src(%dma_wait3A_22 : memref<32x1024xf32, #tpu.memory_space<hbm>>) dst(%arg4 : memref<32x1024xf32, #tpu.memory_space<vmem>>)
    %add3A_23 = arith.constant 0 : i32
    %add3A_24 = arith.addi %mul3A_2, %add3A_23 : i32
    %dma_start3A_25 = arith.constant 0 : i32
    %dma_start3A_26 = arith.constant 0 : i32
    %dma_start3A_27 = tpu.memref_slice %arg3[%add3A_24, %dma_start3A_25, %dma_start3A_26] : memref<8192x4x1024xf32, #tpu.memory_space<hbm>> -> memref<32x1x1024xf32, #tpu.memory_space<hbm>>
    %dma_start3A_28 = tpu.memref_squeeze %dma_start3A_27 : memref<32x1x1024xf32, #tpu.memory_space<hbm>> -> memref<32x1024xf32, #tpu.memory_space<hbm>>
    %dma_start3A_29 = arith.constant 0 : i32
    %dma_start3A_30 = tpu.memref_slice %arg3[%add3A_24, %dma_start3A_25, %dma_start3A_29] : memref<8192x4x1024xf32, #tpu.memory_space<hbm>> -> memref<32x1x1024xf32, #tpu.memory_space<hbm>>
    %dma_start3A_31 = tpu.memref_squeeze %dma_start3A_30 : memref<32x1x1024xf32, #tpu.memory_space<hbm>> -> memref<32x1024xf32, #tpu.memory_space<hbm>>
    tpu.enqueue_dma source(%arg4 : memref<32x1024xf32, #tpu.memory_space<vmem>>) target(%dma_start3A_31 : memref<32x1024xf32, #tpu.memory_space<hbm>>) target_semaphore(%arg10 : memref<!tpu.dma_semaphore, #tpu.memory_space<semaphore_mem>>)
    %add3A_32 = arith.constant 0 : i32
    %add3A_33 = arith.addi %mul3A_2, %add3A_32 : i32
    %dma_start3A_34 = arith.constant 1 : i32
    %dma_start3A_35 = arith.constant 0 : i32
    %dma_start3A_36 = tpu.memref_slice %arg3[%add3A_33, %dma_start3A_34, %dma_start3A_35] : memref<8192x4x1024xf32, #tpu.memory_space<hbm>> -> memref<32x1x1024xf32, #tpu.memory_space<hbm>>
    %dma_start3A_37 = tpu.memref_squeeze %dma_start3A_36 : memref<32x1x1024xf32, #tpu.memory_space<hbm>> -> memref<32x1024xf32, #tpu.memory_space<hbm>>
    %dma_start3A_38 = arith.constant 0 : i32
    %dma_start3A_39 = tpu.memref_slice %arg3[%add3A_33, %dma_start3A_34, %dma_start3A_38] : memref<8192x4x1024xf32, #tpu.memory_space<hbm>> -> memref<32x1x1024xf32, #tpu.memory_space<hbm>>
    %dma_start3A_40 = tpu.memref_squeeze %dma_start3A_39 : memref<32x1x1024xf32, #tpu.memory_space<hbm>> -> memref<32x1024xf32, #tpu.memory_space<hbm>>
    tpu.enqueue_dma source(%arg4 : memref<32x1024xf32, #tpu.memory_space<vmem>>) target(%dma_start3A_40 : memref<32x1024xf32, #tpu.memory_space<hbm>>) target_semaphore(%arg10 : memref<!tpu.dma_semaphore, #tpu.memory_space<semaphore_mem>>)
    %add3A_41 = arith.constant 0 : i32
    %add3A_42 = arith.addi %mul3A_2, %add3A_41 : i32
    %dma_start3A_43 = arith.constant 2 : i32
    %dma_start3A_44 = arith.constant 0 : i32
    %dma_start3A_45 = tpu.memref_slice %arg3[%add3A_42, %dma_start3A_43, %dma_start3A_44] : memref<8192x4x1024xf32, #tpu.memory_space<hbm>> -> memref<32x1x1024xf32, #tpu.memory_space<hbm>>
    %dma_start3A_46 = tpu.memref_squeeze %dma_start3A_45 : memref<32x1x1024xf32, #tpu.memory_space<hbm>> -> memref<32x1024xf32, #tpu.memory_space<hbm>>
    %dma_start3A_47 = arith.constant 0 : i32
    %dma_start3A_48 = tpu.memref_slice %arg3[%add3A_42, %dma_start3A_43, %dma_start3A_47] : memref<8192x4x1024xf32, #tpu.memory_space<hbm>> -> memref<32x1x1024xf32, #tpu.memory_space<hbm>>
    %dma_start3A_49 = tpu.memref_squeeze %dma_start3A_48 : memref<32x1x1024xf32, #tpu.memory_space<hbm>> -> memref<32x1024xf32, #tpu.memory_space<hbm>>
    tpu.enqueue_dma source(%arg4 : memref<32x1024xf32, #tpu.memory_space<vmem>>) target(%dma_start3A_49 : memref<32x1024xf32, #tpu.memory_space<hbm>>) target_semaphore(%arg10 : memref<!tpu.dma_semaphore, #tpu.memory_space<semaphore_mem>>)
    %add3A_50 = arith.constant 0 : i32
    %add3A_51 = arith.addi %mul3A_2, %add3A_50 : i32
    %dma_start3A_52 = arith.constant 3 : i32
    %dma_start3A_53 = arith.constant 0 : i32
    %dma_start3A_54 = tpu.memref_slice %arg3[%add3A_51, %dma_start3A_52, %dma_start3A_53] : memref<8192x4x1024xf32, #tpu.memory_space<hbm>> -> memref<32x1x1024xf32, #tpu.memory_space<hbm>>
    %dma_start3A_55 = tpu.memref_squeeze %dma_start3A_54 : memref<32x1x1024xf32, #tpu.memory_space<hbm>> -> memref<32x1024xf32, #tpu.memory_space<hbm>>
    %dma_start3A_56 = arith.constant 0 : i32
    %dma_start3A_57 = tpu.memref_slice %arg3[%add3A_51, %dma_start3A_52, %dma_start3A_56] : memref<8192x4x1024xf32, #tpu.memory_space<hbm>> -> memref<32x1x1024xf32, #tpu.memory_space<hbm>>
    %dma_start3A_58 = tpu.memref_squeeze %dma_start3A_57 : memref<32x1x1024xf32, #tpu.memory_space<hbm>> -> memref<32x1024xf32, #tpu.memory_space<hbm>>
    tpu.enqueue_dma source(%arg4 : memref<32x1024xf32, #tpu.memory_space<vmem>>) target(%dma_start3A_58 : memref<32x1024xf32, #tpu.memory_space<hbm>>) target_semaphore(%arg10 : memref<!tpu.dma_semaphore, #tpu.memory_space<semaphore_mem>>)
    %dma_wait3A_59 = arith.constant 0 : i32
    %dma_wait3A_60 = arith.constant 0 : i32
    %dma_wait3A_61 = tpu.memref_slice %arg3[%add3A_24, %dma_wait3A_59, %dma_wait3A_60] : memref<8192x4x1024xf32, #tpu.memory_space<hbm>> -> memref<32x1x1024xf32, #tpu.memory_space<hbm>>
    %dma_wait3A_62 = tpu.memref_squeeze %dma_wait3A_61 : memref<32x1x1024xf32, #tpu.memory_space<hbm>> -> memref<32x1024xf32, #tpu.memory_space<hbm>>
    %dma_wait3A_63 = arith.constant 0 : i32
    %dma_wait3A_64 = tpu.memref_slice %arg3[%add3A_24, %dma_wait3A_59, %dma_wait3A_63] : memref<8192x4x1024xf32, #tpu.memory_space<hbm>> -> memref<32x1x1024xf32, #tpu.memory_space<hbm>>
    %dma_wait3A_65 = tpu.memref_squeeze %dma_wait3A_64 : memref<32x1x1024xf32, #tpu.memory_space<hbm>> -> memref<32x1024xf32, #tpu.memory_space<hbm>>
    tpu.wait_dma2 semaphore(%arg10 : memref<!tpu.dma_semaphore, #tpu.memory_space<semaphore_mem>>) src(%arg4 : memref<32x1024xf32, #tpu.memory_space<vmem>>) dst(%dma_wait3A_65 : memref<32x1024xf32, #tpu.memory_space<hbm>>)
    %dma_wait3A_66 = arith.constant 1 : i32
    %dma_wait3A_67 = arith.constant 0 : i32
    %dma_wait3A_68 = tpu.memref_slice %arg3[%add3A_33, %dma_wait3A_66, %dma_wait3A_67] : memref<8192x4x1024xf32, #tpu.memory_space<hbm>> -> memref<32x1x1024xf32, #tpu.memory_space<hbm>>
    %dma_wait3A_69 = tpu.memref_squeeze %dma_wait3A_68 : memref<32x1x1024xf32, #tpu.memory_space<hbm>> -> memref<32x1024xf32, #tpu.memory_space<hbm>>
    %dma_wait3A_70 = arith.constant 0 : i32
    %dma_wait3A_71 = tpu.memref_slice %arg3[%add3A_33, %dma_wait3A_66, %dma_wait3A_70] : memref<8192x4x1024xf32, #tpu.memory_space<hbm>> -> memref<32x1x1024xf32, #tpu.memory_space<hbm>>
    %dma_wait3A_72 = tpu.memref_squeeze %dma_wait3A_71 : memref<32x1x1024xf32, #tpu.memory_space<hbm>> -> memref<32x1024xf32, #tpu.memory_space<hbm>>
    tpu.wait_dma2 semaphore(%arg10 : memref<!tpu.dma_semaphore, #tpu.memory_space<semaphore_mem>>) src(%arg4 : memref<32x1024xf32, #tpu.memory_space<vmem>>) dst(%dma_wait3A_72 : memref<32x1024xf32, #tpu.memory_space<hbm>>)
    %dma_wait3A_73 = arith.constant 2 : i32
    %dma_wait3A_74 = arith.constant 0 : i32
    %dma_wait3A_75 = tpu.memref_slice %arg3[%add3A_42, %dma_wait3A_73, %dma_wait3A_74] : memref<8192x4x1024xf32, #tpu.memory_space<hbm>> -> memref<32x1x1024xf32, #tpu.memory_space<hbm>>
    %dma_wait3A_76 = tpu.memref_squeeze %dma_wait3A_75 : memref<32x1x1024xf32, #tpu.memory_space<hbm>> -> memref<32x1024xf32, #tpu.memory_space<hbm>>
    %dma_wait3A_77 = arith.constant 0 : i32
    %dma_wait3A_78 = tpu.memref_slice %arg3[%add3A_42, %dma_wait3A_73, %dma_wait3A_77] : memref<8192x4x1024xf32, #tpu.memory_space<hbm>> -> memref<32x1x1024xf32, #tpu.memory_space<hbm>>
    %dma_wait3A_79 = tpu.memref_squeeze %dma_wait3A_78 : memref<32x1x1024xf32, #tpu.memory_space<hbm>> -> memref<32x1024xf32, #tpu.memory_space<hbm>>
    tpu.wait_dma2 semaphore(%arg10 : memref<!tpu.dma_semaphore, #tpu.memory_space<semaphore_mem>>) src(%arg4 : memref<32x1024xf32, #tpu.memory_space<vmem>>) dst(%dma_wait3A_79 : memref<32x1024xf32, #tpu.memory_space<hbm>>)
    %dma_wait3A_80 = arith.constant 3 : i32
    %dma_wait3A_81 = arith.constant 0 : i32
    %dma_wait3A_82 = tpu.memref_slice %arg3[%add3A_51, %dma_wait3A_80, %dma_wait3A_81] : memref<8192x4x1024xf32, #tpu.memory_space<hbm>> -> memref<32x1x1024xf32, #tpu.memory_space<hbm>>
    %dma_wait3A_83 = tpu.memref_squeeze %dma_wait3A_82 : memref<32x1x1024xf32, #tpu.memory_space<hbm>> -> memref<32x1024xf32, #tpu.memory_space<hbm>>
    %dma_wait3A_84 = arith.constant 0 : i32
    %dma_wait3A_85 = tpu.memref_slice %arg3[%add3A_51, %dma_wait3A_80, %dma_wait3A_84] : memref<8192x4x1024xf32, #tpu.memory_space<hbm>> -> memref<32x1x1024xf32, #tpu.memory_space<hbm>>
    %dma_wait3A_86 = tpu.memref_squeeze %dma_wait3A_85 : memref<32x1x1024xf32, #tpu.memory_space<hbm>> -> memref<32x1024xf32, #tpu.memory_space<hbm>>
    tpu.wait_dma2 semaphore(%arg10 : memref<!tpu.dma_semaphore, #tpu.memory_space<semaphore_mem>>) src(%arg4 : memref<32x1024xf32, #tpu.memory_space<vmem>>) dst(%dma_wait3A_86 : memref<32x1024xf32, #tpu.memory_space<hbm>>)
    %add3A_87 = arith.constant 96 : i32
    %add3A_88 = arith.addi %mul3A_2, %add3A_87 : i32
    %dma_start3A_89 = arith.constant 0 : i32
    %dma_start3A_90 = tpu.memref_slice %arg2[%add3A_88, %dma_start3A_89] : memref<8192x1024xf32, #tpu.memory_space<hbm>> -> memref<32x1024xf32, #tpu.memory_space<hbm>>
    %dma_start3A_91 = arith.constant 0 : i32
    %dma_start3A_92 = tpu.memref_slice %arg2[%add3A_88, %dma_start3A_91] : memref<8192x1024xf32, #tpu.memory_space<hbm>> -> memref<32x1024xf32, #tpu.memory_space<hbm>>
    tpu.enqueue_dma source(%dma_start3A_92 : memref<32x1024xf32, #tpu.memory_space<hbm>>) target(%arg4 : memref<32x1024xf32, #tpu.memory_space<vmem>>) target_semaphore(%arg7 : memref<!tpu.dma_semaphore, #tpu.memory_space<semaphore_mem>>)
    %dma_wait3A_93 = arith.constant 0 : i32
    %dma_wait3A_94 = tpu.memref_slice %arg2[%add3A_9, %dma_wait3A_93] : memref<8192x1024xf32, #tpu.memory_space<hbm>> -> memref<32x1024xf32, #tpu.memory_space<hbm>>
    %dma_wait3A_95 = arith.constant 0 : i32
    %dma_wait3A_96 = tpu.memref_slice %arg2[%add3A_9, %dma_wait3A_95] : memref<8192x1024xf32, #tpu.memory_space<hbm>> -> memref<32x1024xf32, #tpu.memory_space<hbm>>
    tpu.wait_dma2 semaphore(%arg8 : memref<!tpu.dma_semaphore, #tpu.memory_space<semaphore_mem>>) src(%dma_wait3A_96 : memref<32x1024xf32, #tpu.memory_space<hbm>>) dst(%arg5 : memref<32x1024xf32, #tpu.memory_space<vmem>>)
    %add3A_97 = arith.constant 32 : i32
    %add3A_98 = arith.addi %mul3A_2, %add3A_97 : i32
    %dma_start3A_99 = arith.constant 0 : i32
    %dma_start3A_100 = arith.constant 0 : i32
    %dma_start3A_101 = tpu.memref_slice %arg3[%add3A_98, %dma_start3A_99, %dma_start3A_100] : memref<8192x4x1024xf32, #tpu.memory_space<hbm>> -> memref<32x1x1024xf32, #tpu.memory_space<hbm>>
    %dma_start3A_102 = tpu.memref_squeeze %dma_start3A_101 : memref<32x1x1024xf32, #tpu.memory_space<hbm>> -> memref<32x1024xf32, #tpu.memory_space<hbm>>
    %dma_start3A_103 = arith.constant 0 : i32
    %dma_start3A_104 = tpu.memref_slice %arg3[%add3A_98, %dma_start3A_99, %dma_start3A_103] : memref<8192x4x1024xf32, #tpu.memory_space<hbm>> -> memref<32x1x1024xf32, #tpu.memory_space<hbm>>
    %dma_start3A_105 = tpu.memref_squeeze %dma_start3A_104 : memref<32x1x1024xf32, #tpu.memory_space<hbm>> -> memref<32x1024xf32, #tpu.memory_space<hbm>>
    tpu.enqueue_dma source(%arg5 : memref<32x1024xf32, #tpu.memory_space<vmem>>) target(%dma_start3A_105 : memref<32x1024xf32, #tpu.memory_space<hbm>>) target_semaphore(%arg11 : memref<!tpu.dma_semaphore, #tpu.memory_space<semaphore_mem>>)
    %add3A_106 = arith.constant 32 : i32
    %add3A_107 = arith.addi %mul3A_2, %add3A_106 : i32
    %dma_start3A_108 = arith.constant 1 : i32
    %dma_start3A_109 = arith.constant 0 : i32
    %dma_start3A_110 = tpu.memref_slice %arg3[%add3A_107, %dma_start3A_108, %dma_start3A_109] : memref<8192x4x1024xf32, #tpu.memory_space<hbm>> -> memref<32x1x1024xf32, #tpu.memory_space<hbm>>
    %dma_start3A_111 = tpu.memref_squeeze %dma_start3A_110 : memref<32x1x1024xf32, #tpu.memory_space<hbm>> -> memref<32x1024xf32, #tpu.memory_space<hbm>>
    %dma_start3A_112 = arith.constant 0 : i32
    %dma_start3A_113 = tpu.memref_slice %arg3[%add3A_107, %dma_start3A_108, %dma_start3A_112] : memref<8192x4x1024xf32, #tpu.memory_space<hbm>> -> memref<32x1x1024xf32, #tpu.memory_space<hbm>>
    %dma_start3A_114 = tpu.memref_squeeze %dma_start3A_113 : memref<32x1x1024xf32, #tpu.memory_space<hbm>> -> memref<32x1024xf32, #tpu.memory_space<hbm>>
    tpu.enqueue_dma source(%arg5 : memref<32x1024xf32, #tpu.memory_space<vmem>>) target(%dma_start3A_114 : memref<32x1024xf32, #tpu.memory_space<hbm>>) target_semaphore(%arg11 : memref<!tpu.dma_semaphore, #tpu.memory_space<semaphore_mem>>)
    %add3A_115 = arith.constant 32 : i32
    %add3A_116 = arith.addi %mul3A_2, %add3A_115 : i32
    %dma_start3A_117 = arith.constant 2 : i32
    %dma_start3A_118 = arith.constant 0 : i32
    %dma_start3A_119 = tpu.memref_slice %arg3[%add3A_116, %dma_start3A_117, %dma_start3A_118] : memref<8192x4x1024xf32, #tpu.memory_space<hbm>> -> memref<32x1x1024xf32, #tpu.memory_space<hbm>>
    %dma_start3A_120 = tpu.memref_squeeze %dma_start3A_119 : memref<32x1x1024xf32, #tpu.memory_space<hbm>> -> memref<32x1024xf32, #tpu.memory_space<hbm>>
    %dma_start3A_121 = arith.constant 0 : i32
    %dma_start3A_122 = tpu.memref_slice %arg3[%add3A_116, %dma_start3A_117, %dma_start3A_121] : memref<8192x4x1024xf32, #tpu.memory_space<hbm>> -> memref<32x1x1024xf32, #tpu.memory_space<hbm>>
    %dma_start3A_123 = tpu.memref_squeeze %dma_start3A_122 : memref<32x1x1024xf32, #tpu.memory_space<hbm>> -> memref<32x1024xf32, #tpu.memory_space<hbm>>
    tpu.enqueue_dma source(%arg5 : memref<32x1024xf32, #tpu.memory_space<vmem>>) target(%dma_start3A_123 : memref<32x1024xf32, #tpu.memory_space<hbm>>) target_semaphore(%arg11 : memref<!tpu.dma_semaphore, #tpu.memory_space<semaphore_mem>>)
    %add3A_124 = arith.constant 32 : i32
    %add3A_125 = arith.addi %mul3A_2, %add3A_124 : i32
    %dma_start3A_126 = arith.constant 3 : i32
    %dma_start3A_127 = arith.constant 0 : i32
    %dma_start3A_128 = tpu.memref_slice %arg3[%add3A_125, %dma_start3A_126, %dma_start3A_127] : memref<8192x4x1024xf32, #tpu.memory_space<hbm>> -> memref<32x1x1024xf32, #tpu.memory_space<hbm>>
    %dma_start3A_129 = tpu.memref_squeeze %dma_start3A_128 : memref<32x1x1024xf32, #tpu.memory_space<hbm>> -> memref<32x1024xf32, #tpu.memory_space<hbm>>
    %dma_start3A_130 = arith.constant 0 : i32
    %dma_start3A_131 = tpu.memref_slice %arg3[%add3A_125, %dma_start3A_126, %dma_start3A_130] : memref<8192x4x1024xf32, #tpu.memory_space<hbm>> -> memref<32x1x1024xf32, #tpu.memory_space<hbm>>
    %dma_start3A_132 = tpu.memref_squeeze %dma_start3A_131 : memref<32x1x1024xf32, #tpu.memory_space<hbm>> -> memref<32x1024xf32, #tpu.memory_space<hbm>>
    tpu.enqueue_dma source(%arg5 : memref<32x1024xf32, #tpu.memory_space<vmem>>) target(%dma_start3A_132 : memref<32x1024xf32, #tpu.memory_space<hbm>>) target_semaphore(%arg11 : memref<!tpu.dma_semaphore, #tpu.memory_space<semaphore_mem>>)
    %dma_wait3A_133 = arith.constant 0 : i32
    %dma_wait3A_134 = arith.constant 0 : i32
    %dma_wait3A_135 = tpu.memref_slice %arg3[%add3A_98, %dma_wait3A_133, %dma_wait3A_134] : memref<8192x4x1024xf32, #tpu.memory_space<hbm>> -> memref<32x1x1024xf32, #tpu.memory_space<hbm>>
    %dma_wait3A_136 = tpu.memref_squeeze %dma_wait3A_135 : memref<32x1x1024xf32, #tpu.memory_space<hbm>> -> memref<32x1024xf32, #tpu.memory_space<hbm>>
    %dma_wait3A_137 = arith.constant 0 : i32
    %dma_wait3A_138 = tpu.memref_slice %arg3[%add3A_98, %dma_wait3A_133, %dma_wait3A_137] : memref<8192x4x1024xf32, #tpu.memory_space<hbm>> -> memref<32x1x1024xf32, #tpu.memory_space<hbm>>
    %dma_wait3A_139 = tpu.memref_squeeze %dma_wait3A_138 : memref<32x1x1024xf32, #tpu.memory_space<hbm>> -> memref<32x1024xf32, #tpu.memory_space<hbm>>
    tpu.wait_dma2 semaphore(%arg11 : memref<!tpu.dma_semaphore, #tpu.memory_space<semaphore_mem>>) src(%arg5 : memref<32x1024xf32, #tpu.memory_space<vmem>>) dst(%dma_wait3A_139 : memref<32x1024xf32, #tpu.memory_space<hbm>>)
    %dma_wait3A_140 = arith.constant 1 : i32
    %dma_wait3A_141 = arith.constant 0 : i32
    %dma_wait3A_142 = tpu.memref_slice %arg3[%add3A_107, %dma_wait3A_140, %dma_wait3A_141] : memref<8192x4x1024xf32, #tpu.memory_space<hbm>> -> memref<32x1x1024xf32, #tpu.memory_space<hbm>>
    %dma_wait3A_143 = tpu.memref_squeeze %dma_wait3A_142 : memref<32x1x1024xf32, #tpu.memory_space<hbm>> -> memref<32x1024xf32, #tpu.memory_space<hbm>>
    %dma_wait3A_144 = arith.constant 0 : i32
    %dma_wait3A_145 = tpu.memref_slice %arg3[%add3A_107, %dma_wait3A_140, %dma_wait3A_144] : memref<8192x4x1024xf32, #tpu.memory_space<hbm>> -> memref<32x1x1024xf32, #tpu.memory_space<hbm>>
    %dma_wait3A_146 = tpu.memref_squeeze %dma_wait3A_145 : memref<32x1x1024xf32, #tpu.memory_space<hbm>> -> memref<32x1024xf32, #tpu.memory_space<hbm>>
    tpu.wait_dma2 semaphore(%arg11 : memref<!tpu.dma_semaphore, #tpu.memory_space<semaphore_mem>>) src(%arg5 : memref<32x1024xf32, #tpu.memory_space<vmem>>) dst(%dma_wait3A_146 : memref<32x1024xf32, #tpu.memory_space<hbm>>)
    %dma_wait3A_147 = arith.constant 2 : i32
    %dma_wait3A_148 = arith.constant 0 : i32
    %dma_wait3A_149 = tpu.memref_slice %arg3[%add3A_116, %dma_wait3A_147, %dma_wait3A_148] : memref<8192x4x1024xf32, #tpu.memory_space<hbm>> -> memref<32x1x1024xf32, #tpu.memory_space<hbm>>
    %dma_wait3A_150 = tpu.memref_squeeze %dma_wait3A_149 : memref<32x1x1024xf32, #tpu.memory_space<hbm>> -> memref<32x1024xf32, #tpu.memory_space<hbm>>
    %dma_wait3A_151 = arith.constant 0 : i32
    %dma_wait3A_152 = tpu.memref_slice %arg3[%add3A_116, %dma_wait3A_147, %dma_wait3A_151] : memref<8192x4x1024xf32, #tpu.memory_space<hbm>> -> memref<32x1x1024xf32, #tpu.memory_space<hbm>>
    %dma_wait3A_153 = tpu.memref_squeeze %dma_wait3A_152 : memref<32x1x1024xf32, #tpu.memory_space<hbm>> -> memref<32x1024xf32, #tpu.memory_space<hbm>>
    tpu.wait_dma2 semaphore(%arg11 : memref<!tpu.dma_semaphore, #tpu.memory_space<semaphore_mem>>) src(%arg5 : memref<32x1024xf32, #tpu.memory_space<vmem>>) dst(%dma_wait3A_153 : memref<32x1024xf32, #tpu.memory_space<hbm>>)
    %dma_wait3A_154 = arith.constant 3 : i32
    %dma_wait3A_155 = arith.constant 0 : i32
    %dma_wait3A_156 = tpu.memref_slice %arg3[%add3A_125, %dma_wait3A_154, %dma_wait3A_155] : memref<8192x4x1024xf32, #tpu.memory_space<hbm>> -> memref<32x1x1024xf32, #tpu.memory_space<hbm>>
    %dma_wait3A_157 = tpu.memref_squeeze %dma_wait3A_156 : memref<32x1x1024xf32, #tpu.memory_space<hbm>> -> memref<32x1024xf32, #tpu.memory_space<hbm>>
    %dma_wait3A_158 = arith.constant 0 : i32
    %dma_wait3A_159 = tpu.memref_slice %arg3[%add3A_125, %dma_wait3A_154, %dma_wait3A_158] : memref<8192x4x1024xf32, #tpu.memory_space<hbm>> -> memref<32x1x1024xf32, #tpu.memory_space<hbm>>
    %dma_wait3A_160 = tpu.memref_squeeze %dma_wait3A_159 : memref<32x1x1024xf32, #tpu.memory_space<hbm>> -> memref<32x1024xf32, #tpu.memory_space<hbm>>
    tpu.wait_dma2 semaphore(%arg11 : memref<!tpu.dma_semaphore, #tpu.memory_space<semaphore_mem>>) src(%arg5 : memref<32x1024xf32, #tpu.memory_space<vmem>>) dst(%dma_wait3A_160 : memref<32x1024xf32, #tpu.memory_space<hbm>>)
    %add3A_161 = arith.constant 128 : i32
    %add3A_162 = arith.addi %mul3A_2, %add3A_161 : i32
    %dma_start3A_163 = arith.constant 0 : i32
    %dma_start3A_164 = tpu.memref_slice %arg2[%add3A_162, %dma_start3A_163] : memref<8192x1024xf32, #tpu.memory_space<hbm>> -> memref<32x1024xf32, #tpu.memory_space<hbm>>
    %dma_start3A_165 = arith.constant 0 : i32
    %dma_start3A_166 = tpu.memref_slice %arg2[%add3A_162, %dma_start3A_165] : memref<8192x1024xf32, #tpu.memory_space<hbm>> -> memref<32x1024xf32, #tpu.memory_space<hbm>>
    tpu.enqueue_dma source(%dma_start3A_166 : memref<32x1024xf32, #tpu.memory_space<hbm>>) target(%arg5 : memref<32x1024xf32, #tpu.memory_space<vmem>>) target_semaphore(%arg8 : memref<!tpu.dma_semaphore, #tpu.memory_space<semaphore_mem>>)
    %dma_wait3A_167 = arith.constant 0 : i32
    %dma_wait3A_168 = tpu.memref_slice %arg2[%add3A_15, %dma_wait3A_167] : memref<8192x1024xf32, #tpu.memory_space<hbm>> -> memref<32x1024xf32, #tpu.memory_space<hbm>>
    %dma_wait3A_169 = arith.constant 0 : i32
    %dma_wait3A_170 = tpu.memref_slice %arg2[%add3A_15, %dma_wait3A_169] : memref<8192x1024xf32, #tpu.memory_space<hbm>> -> memref<32x1024xf32, #tpu.memory_space<hbm>>
    tpu.wait_dma2 semaphore(%arg9 : memref<!tpu.dma_semaphore, #tpu.memory_space<semaphore_mem>>) src(%dma_wait3A_170 : memref<32x1024xf32, #tpu.memory_space<hbm>>) dst(%arg6 : memref<32x1024xf32, #tpu.memory_space<vmem>>)
    %add3A_171 = arith.constant 64 : i32
    %add3A_172 = arith.addi %mul3A_2, %add3A_171 : i32
    %dma_start3A_173 = arith.constant 0 : i32
    %dma_start3A_174 = arith.constant 0 : i32
    %dma_start3A_175 = tpu.memref_slice %arg3[%add3A_172, %dma_start3A_173, %dma_start3A_174] : memref<8192x4x1024xf32, #tpu.memory_space<hbm>> -> memref<32x1x1024xf32, #tpu.memory_space<hbm>>
    %dma_start3A_176 = tpu.memref_squeeze %dma_start3A_175 : memref<32x1x1024xf32, #tpu.memory_space<hbm>> -> memref<32x1024xf32, #tpu.memory_space<hbm>>
    %dma_start3A_177 = arith.constant 0 : i32
    %dma_start3A_178 = tpu.memref_slice %arg3[%add3A_172, %dma_start3A_173, %dma_start3A_177] : memref<8192x4x1024xf32, #tpu.memory_space<hbm>> -> memref<32x1x1024xf32, #tpu.memory_space<hbm>>
    %dma_start3A_179 = tpu.memref_squeeze %dma_start3A_178 : memref<32x1x1024xf32, #tpu.memory_space<hbm>> -> memref<32x1024xf32, #tpu.memory_space<hbm>>
    tpu.enqueue_dma source(%arg6 : memref<32x1024xf32, #tpu.memory_space<vmem>>) target(%dma_start3A_179 : memref<32x1024xf32, #tpu.memory_space<hbm>>) target_semaphore(%arg12 : memref<!tpu.dma_semaphore, #tpu.memory_space<semaphore_mem>>)
    %add3A_180 = arith.constant 64 : i32
    %add3A_181 = arith.addi %mul3A_2, %add3A_180 : i32
    %dma_start3A_182 = arith.constant 1 : i32
    %dma_start3A_183 = arith.constant 0 : i32
    %dma_start3A_184 = tpu.memref_slice %arg3[%add3A_181, %dma_start3A_182, %dma_start3A_183] : memref<8192x4x1024xf32, #tpu.memory_space<hbm>> -> memref<32x1x1024xf32, #tpu.memory_space<hbm>>
    %dma_start3A_185 = tpu.memref_squeeze %dma_start3A_184 : memref<32x1x1024xf32, #tpu.memory_space<hbm>> -> memref<32x1024xf32, #tpu.memory_space<hbm>>
    %dma_start3A_186 = arith.constant 0 : i32
    %dma_start3A_187 = tpu.memref_slice %arg3[%add3A_181, %dma_start3A_182, %dma_start3A_186] : memref<8192x4x1024xf32, #tpu.memory_space<hbm>> -> memref<32x1x1024xf32, #tpu.memory_space<hbm>>
    %dma_start3A_188 = tpu.memref_squeeze %dma_start3A_187 : memref<32x1x1024xf32, #tpu.memory_space<hbm>> -> memref<32x1024xf32, #tpu.memory_space<hbm>>
    tpu.enqueue_dma source(%arg6 : memref<32x1024xf32, #tpu.memory_space<vmem>>) target(%dma_start3A_188 : memref<32x1024xf32, #tpu.memory_space<hbm>>) target_semaphore(%arg12 : memref<!tpu.dma_semaphore, #tpu.memory_space<semaphore_mem>>)
    %add3A_189 = arith.constant 64 : i32
    %add3A_190 = arith.addi %mul3A_2, %add3A_189 : i32
    %dma_start3A_191 = arith.constant 2 : i32
    %dma_start3A_192 = arith.constant 0 : i32
    %dma_start3A_193 = tpu.memref_slice %arg3[%add3A_190, %dma_start3A_191, %dma_start3A_192] : memref<8192x4x1024xf32, #tpu.memory_space<hbm>> -> memref<32x1x1024xf32, #tpu.memory_space<hbm>>
    %dma_start3A_194 = tpu.memref_squeeze %dma_start3A_193 : memref<32x1x1024xf32, #tpu.memory_space<hbm>> -> memref<32x1024xf32, #tpu.memory_space<hbm>>
    %dma_start3A_195 = arith.constant 0 : i32
    %dma_start3A_196 = tpu.memref_slice %arg3[%add3A_190, %dma_start3A_191, %dma_start3A_195] : memref<8192x4x1024xf32, #tpu.memory_space<hbm>> -> memref<32x1x1024xf32, #tpu.memory_space<hbm>>
    %dma_start3A_197 = tpu.memref_squeeze %dma_start3A_196 : memref<32x1x1024xf32, #tpu.memory_space<hbm>> -> memref<32x1024xf32, #tpu.memory_space<hbm>>
    tpu.enqueue_dma source(%arg6 : memref<32x1024xf32, #tpu.memory_space<vmem>>) target(%dma_start3A_197 : memref<32x1024xf32, #tpu.memory_space<hbm>>) target_semaphore(%arg12 : memref<!tpu.dma_semaphore, #tpu.memory_space<semaphore_mem>>)
    %add3A_198 = arith.constant 64 : i32
    %add3A_199 = arith.addi %mul3A_2, %add3A_198 : i32
    %dma_start3A_200 = arith.constant 3 : i32
    %dma_start3A_201 = arith.constant 0 : i32
    %dma_start3A_202 = tpu.memref_slice %arg3[%add3A_199, %dma_start3A_200, %dma_start3A_201] : memref<8192x4x1024xf32, #tpu.memory_space<hbm>> -> memref<32x1x1024xf32, #tpu.memory_space<hbm>>
    %dma_start3A_203 = tpu.memref_squeeze %dma_start3A_202 : memref<32x1x1024xf32, #tpu.memory_space<hbm>> -> memref<32x1024xf32, #tpu.memory_space<hbm>>
    %dma_start3A_204 = arith.constant 0 : i32
    %dma_start3A_205 = tpu.memref_slice %arg3[%add3A_199, %dma_start3A_200, %dma_start3A_204] : memref<8192x4x1024xf32, #tpu.memory_space<hbm>> -> memref<32x1x1024xf32, #tpu.memory_space<hbm>>
    %dma_start3A_206 = tpu.memref_squeeze %dma_start3A_205 : memref<32x1x1024xf32, #tpu.memory_space<hbm>> -> memref<32x1024xf32, #tpu.memory_space<hbm>>
    tpu.enqueue_dma source(%arg6 : memref<32x1024xf32, #tpu.memory_space<vmem>>) target(%dma_start3A_206 : memref<32x1024xf32, #tpu.memory_space<hbm>>) target_semaphore(%arg12 : memref<!tpu.dma_semaphore, #tpu.memory_space<semaphore_mem>>)
    %dma_wait3A_207 = arith.constant 0 : i32
    %dma_wait3A_208 = arith.constant 0 : i32
    %dma_wait3A_209 = tpu.memref_slice %arg3[%add3A_172, %dma_wait3A_207, %dma_wait3A_208] : memref<8192x4x1024xf32, #tpu.memory_space<hbm>> -> memref<32x1x1024xf32, #tpu.memory_space<hbm>>
    %dma_wait3A_210 = tpu.memref_squeeze %dma_wait3A_209 : memref<32x1x1024xf32, #tpu.memory_space<hbm>> -> memref<32x1024xf32, #tpu.memory_space<hbm>>
    %dma_wait3A_211 = arith.constant 0 : i32
    %dma_wait3A_212 = tpu.memref_slice %arg3[%add3A_172, %dma_wait3A_207, %dma_wait3A_211] : memref<8192x4x1024xf32, #tpu.memory_space<hbm>> -> memref<32x1x1024xf32, #tpu.memory_space<hbm>>
    %dma_wait3A_213 = tpu.memref_squeeze %dma_wait3A_212 : memref<32x1x1024xf32, #tpu.memory_space<hbm>> -> memref<32x1024xf32, #tpu.memory_space<hbm>>
    tpu.wait_dma2 semaphore(%arg12 : memref<!tpu.dma_semaphore, #tpu.memory_space<semaphore_mem>>) src(%arg6 : memref<32x1024xf32, #tpu.memory_space<vmem>>) dst(%dma_wait3A_213 : memref<32x1024xf32, #tpu.memory_space<hbm>>)
    %dma_wait3A_214 = arith.constant 1 : i32
    %dma_wait3A_215 = arith.constant 0 : i32
    %dma_wait3A_216 = tpu.memref_slice %arg3[%add3A_181, %dma_wait3A_214, %dma_wait3A_215] : memref<8192x4x1024xf32, #tpu.memory_space<hbm>> -> memref<32x1x1024xf32, #tpu.memory_space<hbm>>
    %dma_wait3A_217 = tpu.memref_squeeze %dma_wait3A_216 : memref<32x1x1024xf32, #tpu.memory_space<hbm>> -> memref<32x1024xf32, #tpu.memory_space<hbm>>
    %dma_wait3A_218 = arith.constant 0 : i32
    %dma_wait3A_219 = tpu.memref_slice %arg3[%add3A_181, %dma_wait3A_214, %dma_wait3A_218] : memref<8192x4x1024xf32, #tpu.memory_space<hbm>> -> memref<32x1x1024xf32, #tpu.memory_space<hbm>>
    %dma_wait3A_220 = tpu.memref_squeeze %dma_wait3A_219 : memref<32x1x1024xf32, #tpu.memory_space<hbm>> -> memref<32x1024xf32, #tpu.memory_space<hbm>>
    tpu.wait_dma2 semaphore(%arg12 : memref<!tpu.dma_semaphore, #tpu.memory_space<semaphore_mem>>) src(%arg6 : memref<32x1024xf32, #tpu.memory_space<vmem>>) dst(%dma_wait3A_220 : memref<32x1024xf32, #tpu.memory_space<hbm>>)
    %dma_wait3A_221 = arith.constant 2 : i32
    %dma_wait3A_222 = arith.constant 0 : i32
    %dma_wait3A_223 = tpu.memref_slice %arg3[%add3A_190, %dma_wait3A_221, %dma_wait3A_222] : memref<8192x4x1024xf32, #tpu.memory_space<hbm>> -> memref<32x1x1024xf32, #tpu.memory_space<hbm>>
    %dma_wait3A_224 = tpu.memref_squeeze %dma_wait3A_223 : memref<32x1x1024xf32, #tpu.memory_space<hbm>> -> memref<32x1024xf32, #tpu.memory_space<hbm>>
    %dma_wait3A_225 = arith.constant 0 : i32
    %dma_wait3A_226 = tpu.memref_slice %arg3[%add3A_190, %dma_wait3A_221, %dma_wait3A_225] : memref<8192x4x1024xf32, #tpu.memory_space<hbm>> -> memref<32x1x1024xf32, #tpu.memory_space<hbm>>
    %dma_wait3A_227 = tpu.memref_squeeze %dma_wait3A_226 : memref<32x1x1024xf32, #tpu.memory_space<hbm>> -> memref<32x1024xf32, #tpu.memory_space<hbm>>
    tpu.wait_dma2 semaphore(%arg12 : memref<!tpu.dma_semaphore, #tpu.memory_space<semaphore_mem>>) src(%arg6 : memref<32x1024xf32, #tpu.memory_space<vmem>>) dst(%dma_wait3A_227 : memref<32x1024xf32, #tpu.memory_space<hbm>>)
    %dma_wait3A_228 = arith.constant 3 : i32
    %dma_wait3A_229 = arith.constant 0 : i32
    %dma_wait3A_230 = tpu.memref_slice %arg3[%add3A_199, %dma_wait3A_228, %dma_wait3A_229] : memref<8192x4x1024xf32, #tpu.memory_space<hbm>> -> memref<32x1x1024xf32, #tpu.memory_space<hbm>>
    %dma_wait3A_231 = tpu.memref_squeeze %dma_wait3A_230 : memref<32x1x1024xf32, #tpu.memory_space<hbm>> -> memref<32x1024xf32, #tpu.memory_space<hbm>>
    %dma_wait3A_232 = arith.constant 0 : i32
    %dma_wait3A_233 = tpu.memref_slice %arg3[%add3A_199, %dma_wait3A_228, %dma_wait3A_232] : memref<8192x4x1024xf32, #tpu.memory_space<hbm>> -> memref<32x1x1024xf32, #tpu.memory_space<hbm>>
    %dma_wait3A_234 = tpu.memref_squeeze %dma_wait3A_233 : memref<32x1x1024xf32, #tpu.memory_space<hbm>> -> memref<32x1024xf32, #tpu.memory_space<hbm>>
    tpu.wait_dma2 semaphore(%arg12 : memref<!tpu.dma_semaphore, #tpu.memory_space<semaphore_mem>>) src(%arg6 : memref<32x1024xf32, #tpu.memory_space<vmem>>) dst(%dma_wait3A_234 : memref<32x1024xf32, #tpu.memory_space<hbm>>)
    %add3A_235 = arith.constant 160 : i32
    %add3A_236 = arith.addi %mul3A_2, %add3A_235 : i32
    %dma_start3A_237 = arith.constant 0 : i32
    %dma_start3A_238 = tpu.memref_slice %arg2[%add3A_236, %dma_start3A_237] : memref<8192x1024xf32, #tpu.memory_space<hbm>> -> memref<32x1024xf32, #tpu.memory_space<hbm>>
    %dma_start3A_239 = arith.constant 0 : i32
    %dma_start3A_240 = tpu.memref_slice %arg2[%add3A_236, %dma_start3A_239] : memref<8192x1024xf32, #tpu.memory_space<hbm>> -> memref<32x1024xf32, #tpu.memory_space<hbm>>
    tpu.enqueue_dma source(%dma_start3A_240 : memref<32x1024xf32, #tpu.memory_space<hbm>>) target(%arg6 : memref<32x1024xf32, #tpu.memory_space<vmem>>) target_semaphore(%arg9 : memref<!tpu.dma_semaphore, #tpu.memory_space<semaphore_mem>>)
    %dma_wait3A_241 = arith.constant 0 : i32
    %dma_wait3A_242 = tpu.memref_slice %arg2[%add3A_88, %dma_wait3A_241] : memref<8192x1024xf32, #tpu.memory_space<hbm>> -> memref<32x1024xf32, #tpu.memory_space<hbm>>
    %dma_wait3A_243 = arith.constant 0 : i32
    %dma_wait3A_244 = tpu.memref_slice %arg2[%add3A_88, %dma_wait3A_243] : memref<8192x1024xf32, #tpu.memory_space<hbm>> -> memref<32x1024xf32, #tpu.memory_space<hbm>>
    tpu.wait_dma2 semaphore(%arg7 : memref<!tpu.dma_semaphore, #tpu.memory_space<semaphore_mem>>) src(%dma_wait3A_244 : memref<32x1024xf32, #tpu.memory_space<hbm>>) dst(%arg4 : memref<32x1024xf32, #tpu.memory_space<vmem>>)
    %add3A_245 = arith.constant 96 : i32
    %add3A_246 = arith.addi %mul3A_2, %add3A_245 : i32
    %dma_start3A_247 = arith.constant 0 : i32
    %dma_start3A_248 = arith.constant 0 : i32
    %dma_start3A_249 = tpu.memref_slice %arg3[%add3A_246, %dma_start3A_247, %dma_start3A_248] : memref<8192x4x1024xf32, #tpu.memory_space<hbm>> -> memref<32x1x1024xf32, #tpu.memory_space<hbm>>
    %dma_start3A_250 = tpu.memref_squeeze %dma_start3A_249 : memref<32x1x1024xf32, #tpu.memory_space<hbm>> -> memref<32x1024xf32, #tpu.memory_space<hbm>>
    %dma_start3A_251 = arith.constant 0 : i32
    %dma_start3A_252 = tpu.memref_slice %arg3[%add3A_246, %dma_start3A_247, %dma_start3A_251] : memref<8192x4x1024xf32, #tpu.memory_space<hbm>> -> memref<32x1x1024xf32, #tpu.memory_space<hbm>>
    %dma_start3A_253 = tpu.memref_squeeze %dma_start3A_252 : memref<32x1x1024xf32, #tpu.memory_space<hbm>> -> memref<32x1024xf32, #tpu.memory_space<hbm>>
    tpu.enqueue_dma source(%arg4 : memref<32x1024xf32, #tpu.memory_space<vmem>>) target(%dma_start3A_253 : memref<32x1024xf32, #tpu.memory_space<hbm>>) target_semaphore(%arg10 : memref<!tpu.dma_semaphore, #tpu.memory_space<semaphore_mem>>)
    %add3A_254 = arith.constant 96 : i32
    %add3A_255 = arith.addi %mul3A_2, %add3A_254 : i32
    %dma_start3A_256 = arith.constant 1 : i32
    %dma_start3A_257 = arith.constant 0 : i32
    %dma_start3A_258 = tpu.memref_slice %arg3[%add3A_255, %dma_start3A_256, %dma_start3A_257] : memref<8192x4x1024xf32, #tpu.memory_space<hbm>> -> memref<32x1x1024xf32, #tpu.memory_space<hbm>>
    %dma_start3A_259 = tpu.memref_squeeze %dma_start3A_258 : memref<32x1x1024xf32, #tpu.memory_space<hbm>> -> memref<32x1024xf32, #tpu.memory_space<hbm>>
    %dma_start3A_260 = arith.constant 0 : i32
    %dma_start3A_261 = tpu.memref_slice %arg3[%add3A_255, %dma_start3A_256, %dma_start3A_260] : memref<8192x4x1024xf32, #tpu.memory_space<hbm>> -> memref<32x1x1024xf32, #tpu.memory_space<hbm>>
    %dma_start3A_262 = tpu.memref_squeeze %dma_start3A_261 : memref<32x1x1024xf32, #tpu.memory_space<hbm>> -> memref<32x1024xf32, #tpu.memory_space<hbm>>
    tpu.enqueue_dma source(%arg4 : memref<32x1024xf32, #tpu.memory_space<vmem>>) target(%dma_start3A_262 : memref<32x1024xf32, #tpu.memory_space<hbm>>) target_semaphore(%arg10 : memref<!tpu.dma_semaphore, #tpu.memory_space<semaphore_mem>>)
    %add3A_263 = arith.constant 96 : i32
    %add3A_264 = arith.addi %mul3A_2, %add3A_263 : i32
    %dma_start3A_265 = arith.constant 2 : i32
    %dma_start3A_266 = arith.constant 0 : i32
    %dma_start3A_267 = tpu.memref_slice %arg3[%add3A_264, %dma_start3A_265, %dma_start3A_266] : memref<8192x4x1024xf32, #tpu.memory_space<hbm>> -> memref<32x1x1024xf32, #tpu.memory_space<hbm>>
    %dma_start3A_268 = tpu.memref_squeeze %dma_start3A_267 : memref<32x1x1024xf32, #tpu.memory_space<hbm>> -> memref<32x1024xf32, #tpu.memory_space<hbm>>
    %dma_start3A_269 = arith.constant 0 : i32
    %dma_start3A_270 = tpu.memref_slice %arg3[%add3A_264, %dma_start3A_265, %dma_start3A_269] : memref<8192x4x1024xf32, #tpu.memory_space<hbm>> -> memref<32x1x1024xf32, #tpu.memory_space<hbm>>
    %dma_start3A_271 = tpu.memref_squeeze %dma_start3A_270 : memref<32x1x1024xf32, #tpu.memory_space<hbm>> -> memref<32x1024xf32, #tpu.memory_space<hbm>>
    tpu.enqueue_dma source(%arg4 : memref<32x1024xf32, #tpu.memory_space<vmem>>) target(%dma_start3A_271 : memref<32x1024xf32, #tpu.memory_space<hbm>>) target_semaphore(%arg10 : memref<!tpu.dma_semaphore, #tpu.memory_space<semaphore_mem>>)
    %add3A_272 = arith.constant 96 : i32
    %add3A_273 = arith.addi %mul3A_2, %add3A_272 : i32
    %dma_start3A_274 = arith.constant 3 : i32
    %dma_start3A_275 = arith.constant 0 : i32
    %dma_start3A_276 = tpu.memref_slice %arg3[%add3A_273, %dma_start3A_274, %dma_start3A_275] : memref<8192x4x1024xf32, #tpu.memory_space<hbm>> -> memref<32x1x1024xf32, #tpu.memory_space<hbm>>
    %dma_start3A_277 = tpu.memref_squeeze %dma_start3A_276 : memref<32x1x1024xf32, #tpu.memory_space<hbm>> -> memref<32x1024xf32, #tpu.memory_space<hbm>>
    %dma_start3A_278 = arith.constant 0 : i32
    %dma_start3A_279 = tpu.memref_slice %arg3[%add3A_273, %dma_start3A_274, %dma_start3A_278] : memref<8192x4x1024xf32, #tpu.memory_space<hbm>> -> memref<32x1x1024xf32, #tpu.memory_space<hbm>>
    %dma_start3A_280 = tpu.memref_squeeze %dma_start3A_279 : memref<32x1x1024xf32, #tpu.memory_space<hbm>> -> memref<32x1024xf32, #tpu.memory_space<hbm>>
    tpu.enqueue_dma source(%arg4 : memref<32x1024xf32, #tpu.memory_space<vmem>>) target(%dma_start3A_280 : memref<32x1024xf32, #tpu.memory_space<hbm>>) target_semaphore(%arg10 : memref<!tpu.dma_semaphore, #tpu.memory_space<semaphore_mem>>)
    %dma_wait3A_281 = arith.constant 0 : i32
    %dma_wait3A_282 = arith.constant 0 : i32
    %dma_wait3A_283 = tpu.memref_slice %arg3[%add3A_246, %dma_wait3A_281, %dma_wait3A_282] : memref<8192x4x1024xf32, #tpu.memory_space<hbm>> -> memref<32x1x1024xf32, #tpu.memory_space<hbm>>
    %dma_wait3A_284 = tpu.memref_squeeze %dma_wait3A_283 : memref<32x1x1024xf32, #tpu.memory_space<hbm>> -> memref<32x1024xf32, #tpu.memory_space<hbm>>
    %dma_wait3A_285 = arith.constant 0 : i32
    %dma_wait3A_286 = tpu.memref_slice %arg3[%add3A_246, %dma_wait3A_281, %dma_wait3A_285] : memref<8192x4x1024xf32, #tpu.memory_space<hbm>> -> memref<32x1x1024xf32, #tpu.memory_space<hbm>>
    %dma_wait3A_287 = tpu.memref_squeeze %dma_wait3A_286 : memref<32x1x1024xf32, #tpu.memory_space<hbm>> -> memref<32x1024xf32, #tpu.memory_space<hbm>>
    tpu.wait_dma2 semaphore(%arg10 : memref<!tpu.dma_semaphore, #tpu.memory_space<semaphore_mem>>) src(%arg4 : memref<32x1024xf32, #tpu.memory_space<vmem>>) dst(%dma_wait3A_287 : memref<32x1024xf32, #tpu.memory_space<hbm>>)
    %dma_wait3A_288 = arith.constant 1 : i32
    %dma_wait3A_289 = arith.constant 0 : i32
    %dma_wait3A_290 = tpu.memref_slice %arg3[%add3A_255, %dma_wait3A_288, %dma_wait3A_289] : memref<8192x4x1024xf32, #tpu.memory_space<hbm>> -> memref<32x1x1024xf32, #tpu.memory_space<hbm>>
    %dma_wait3A_291 = tpu.memref_squeeze %dma_wait3A_290 : memref<32x1x1024xf32, #tpu.memory_space<hbm>> -> memref<32x1024xf32, #tpu.memory_space<hbm>>
    %dma_wait3A_292 = arith.constant 0 : i32
    %dma_wait3A_293 = tpu.memref_slice %arg3[%add3A_255, %dma_wait3A_288, %dma_wait3A_292] : memref<8192x4x1024xf32, #tpu.memory_space<hbm>> -> memref<32x1x1024xf32, #tpu.memory_space<hbm>>
    %dma_wait3A_294 = tpu.memref_squeeze %dma_wait3A_293 : memref<32x1x1024xf32, #tpu.memory_space<hbm>> -> memref<32x1024xf32, #tpu.memory_space<hbm>>
    tpu.wait_dma2 semaphore(%arg10 : memref<!tpu.dma_semaphore, #tpu.memory_space<semaphore_mem>>) src(%arg4 : memref<32x1024xf32, #tpu.memory_space<vmem>>) dst(%dma_wait3A_294 : memref<32x1024xf32, #tpu.memory_space<hbm>>)
    %dma_wait3A_295 = arith.constant 2 : i32
    %dma_wait3A_296 = arith.constant 0 : i32
    %dma_wait3A_297 = tpu.memref_slice %arg3[%add3A_264, %dma_wait3A_295, %dma_wait3A_296] : memref<8192x4x1024xf32, #tpu.memory_space<hbm>> -> memref<32x1x1024xf32, #tpu.memory_space<hbm>>
    %dma_wait3A_298 = tpu.memref_squeeze %dma_wait3A_297 : memref<32x1x1024xf32, #tpu.memory_space<hbm>> -> memref<32x1024xf32, #tpu.memory_space<hbm>>
    %dma_wait3A_299 = arith.constant 0 : i32
    %dma_wait3A_300 = tpu.memref_slice %arg3[%add3A_264, %dma_wait3A_295, %dma_wait3A_299] : memref<8192x4x1024xf32, #tpu.memory_space<hbm>> -> memref<32x1x1024xf32, #tpu.memory_space<hbm>>
    %dma_wait3A_301 = tpu.memref_squeeze %dma_wait3A_300 : memref<32x1x1024xf32, #tpu.memory_space<hbm>> -> memref<32x1024xf32, #tpu.memory_space<hbm>>
    tpu.wait_dma2 semaphore(%arg10 : memref<!tpu.dma_semaphore, #tpu.memory_space<semaphore_mem>>) src(%arg4 : memref<32x1024xf32, #tpu.memory_space<vmem>>) dst(%dma_wait3A_301 : memref<32x1024xf32, #tpu.memory_space<hbm>>)
    %dma_wait3A_302 = arith.constant 3 : i32
    %dma_wait3A_303 = arith.constant 0 : i32
    %dma_wait3A_304 = tpu.memref_slice %arg3[%add3A_273, %dma_wait3A_302, %dma_wait3A_303] : memref<8192x4x1024xf32, #tpu.memory_space<hbm>> -> memref<32x1x1024xf32, #tpu.memory_space<hbm>>
    %dma_wait3A_305 = tpu.memref_squeeze %dma_wait3A_304 : memref<32x1x1024xf32, #tpu.memory_space<hbm>> -> memref<32x1024xf32, #tpu.memory_space<hbm>>
    %dma_wait3A_306 = arith.constant 0 : i32
    %dma_wait3A_307 = tpu.memref_slice %arg3[%add3A_273, %dma_wait3A_302, %dma_wait3A_306] : memref<8192x4x1024xf32, #tpu.memory_space<hbm>> -> memref<32x1x1024xf32, #tpu.memory_space<hbm>>
    %dma_wait3A_308 = tpu.memref_squeeze %dma_wait3A_307 : memref<32x1x1024xf32, #tpu.memory_space<hbm>> -> memref<32x1024xf32, #tpu.memory_space<hbm>>
    tpu.wait_dma2 semaphore(%arg10 : memref<!tpu.dma_semaphore, #tpu.memory_space<semaphore_mem>>) src(%arg4 : memref<32x1024xf32, #tpu.memory_space<vmem>>) dst(%dma_wait3A_308 : memref<32x1024xf32, #tpu.memory_space<hbm>>)
    %add3A_309 = arith.constant 192 : i32
    %add3A_310 = arith.addi %mul3A_2, %add3A_309 : i32
    %dma_start3A_311 = arith.constant 0 : i32
    %dma_start3A_312 = tpu.memref_slice %arg2[%add3A_310, %dma_start3A_311] : memref<8192x1024xf32, #tpu.memory_space<hbm>> -> memref<32x1024xf32, #tpu.memory_space<hbm>>
    %dma_start3A_313 = arith.constant 0 : i32
    %dma_start3A_314 = tpu.memref_slice %arg2[%add3A_310, %dma_start3A_313] : memref<8192x1024xf32, #tpu.memory_space<hbm>> -> memref<32x1024xf32, #tpu.memory_space<hbm>>
    tpu.enqueue_dma source(%dma_start3A_314 : memref<32x1024xf32, #tpu.memory_space<hbm>>) target(%arg4 : memref<32x1024xf32, #tpu.memory_space<vmem>>) target_semaphore(%arg7 : memref<!tpu.dma_semaphore, #tpu.memory_space<semaphore_mem>>)
    %dma_wait3A_315 = arith.constant 0 : i32
    %dma_wait3A_316 = tpu.memref_slice %arg2[%add3A_162, %dma_wait3A_315] : memref<8192x1024xf32, #tpu.memory_space<hbm>> -> memref<32x1024xf32, #tpu.memory_space<hbm>>
    %dma_wait3A_317 = arith.constant 0 : i32
    %dma_wait3A_318 = tpu.memref_slice %arg2[%add3A_162, %dma_wait3A_317] : memref<8192x1024xf32, #tpu.memory_space<hbm>> -> memref<32x1024xf32, #tpu.memory_space<hbm>>
    tpu.wait_dma2 semaphore(%arg8 : memref<!tpu.dma_semaphore, #tpu.memory_space<semaphore_mem>>) src(%dma_wait3A_318 : memref<32x1024xf32, #tpu.memory_space<hbm>>) dst(%arg5 : memref<32x1024xf32, #tpu.memory_space<vmem>>)
    %add3A_319 = arith.constant 128 : i32
    %add3A_320 = arith.addi %mul3A_2, %add3A_319 : i32
    %dma_start3A_321 = arith.constant 0 : i32
    %dma_start3A_322 = arith.constant 0 : i32
    %dma_start3A_323 = tpu.memref_slice %arg3[%add3A_320, %dma_start3A_321, %dma_start3A_322] : memref<8192x4x1024xf32, #tpu.memory_space<hbm>> -> memref<32x1x1024xf32, #tpu.memory_space<hbm>>
    %dma_start3A_324 = tpu.memref_squeeze %dma_start3A_323 : memref<32x1x1024xf32, #tpu.memory_space<hbm>> -> memref<32x1024xf32, #tpu.memory_space<hbm>>
    %dma_start3A_325 = arith.constant 0 : i32
    %dma_start3A_326 = tpu.memref_slice %arg3[%add3A_320, %dma_start3A_321, %dma_start3A_325] : memref<8192x4x1024xf32, #tpu.memory_space<hbm>> -> memref<32x1x1024xf32, #tpu.memory_space<hbm>>
    %dma_start3A_327 = tpu.memref_squeeze %dma_start3A_326 : memref<32x1x1024xf32, #tpu.memory_space<hbm>> -> memref<32x1024xf32, #tpu.memory_space<hbm>>
    tpu.enqueue_dma source(%arg5 : memref<32x1024xf32, #tpu.memory_space<vmem>>) target(%dma_start3A_327 : memref<32x1024xf32, #tpu.memory_space<hbm>>) target_semaphore(%arg11 : memref<!tpu.dma_semaphore, #tpu.memory_space<semaphore_mem>>)
    %add3A_328 = arith.constant 128 : i32
    %add3A_329 = arith.addi %mul3A_2, %add3A_328 : i32
    %dma_start3A_330 = arith.constant 1 : i32
    %dma_start3A_331 = arith.constant 0 : i32
    %dma_start3A_332 = tpu.memref_slice %arg3[%add3A_329, %dma_start3A_330, %dma_start3A_331] : memref<8192x4x1024xf32, #tpu.memory_space<hbm>> -> memref<32x1x1024xf32, #tpu.memory_space<hbm>>
    %dma_start3A_333 = tpu.memref_squeeze %dma_start3A_332 : memref<32x1x1024xf32, #tpu.memory_space<hbm>> -> memref<32x1024xf32, #tpu.memory_space<hbm>>
    %dma_start3A_334 = arith.constant 0 : i32
    %dma_start3A_335 = tpu.memref_slice %arg3[%add3A_329, %dma_start3A_330, %dma_start3A_334] : memref<8192x4x1024xf32, #tpu.memory_space<hbm>> -> memref<32x1x1024xf32, #tpu.memory_space<hbm>>
    %dma_start3A_336 = tpu.memref_squeeze %dma_start3A_335 : memref<32x1x1024xf32, #tpu.memory_space<hbm>> -> memref<32x1024xf32, #tpu.memory_space<hbm>>
    tpu.enqueue_dma source(%arg5 : memref<32x1024xf32, #tpu.memory_space<vmem>>) target(%dma_start3A_336 : memref<32x1024xf32, #tpu.memory_space<hbm>>) target_semaphore(%arg11 : memref<!tpu.dma_semaphore, #tpu.memory_space<semaphore_mem>>)
    %add3A_337 = arith.constant 128 : i32
    %add3A_338 = arith.addi %mul3A_2, %add3A_337 : i32
    %dma_start3A_339 = arith.constant 2 : i32
    %dma_start3A_340 = arith.constant 0 : i32
    %dma_start3A_341 = tpu.memref_slice %arg3[%add3A_338, %dma_start3A_339, %dma_start3A_340] : memref<8192x4x1024xf32, #tpu.memory_space<hbm>> -> memref<32x1x1024xf32, #tpu.memory_space<hbm>>
    %dma_start3A_342 = tpu.memref_squeeze %dma_start3A_341 : memref<32x1x1024xf32, #tpu.memory_space<hbm>> -> memref<32x1024xf32, #tpu.memory_space<hbm>>
    %dma_start3A_343 = arith.constant 0 : i32
    %dma_start3A_344 = tpu.memref_slice %arg3[%add3A_338, %dma_start3A_339, %dma_start3A_343] : memref<8192x4x1024xf32, #tpu.memory_space<hbm>> -> memref<32x1x1024xf32, #tpu.memory_space<hbm>>
    %dma_start3A_345 = tpu.memref_squeeze %dma_start3A_344 : memref<32x1x1024xf32, #tpu.memory_space<hbm>> -> memref<32x1024xf32, #tpu.memory_space<hbm>>
    tpu.enqueue_dma source(%arg5 : memref<32x1024xf32, #tpu.memory_space<vmem>>) target(%dma_start3A_345 : memref<32x1024xf32, #tpu.memory_space<hbm>>) target_semaphore(%arg11 : memref<!tpu.dma_semaphore, #tpu.memory_space<semaphore_mem>>)
    %add3A_346 = arith.constant 128 : i32
    %add3A_347 = arith.addi %mul3A_2, %add3A_346 : i32
    %dma_start3A_348 = arith.constant 3 : i32
    %dma_start3A_349 = arith.constant 0 : i32
    %dma_start3A_350 = tpu.memref_slice %arg3[%add3A_347, %dma_start3A_348, %dma_start3A_349] : memref<8192x4x1024xf32, #tpu.memory_space<hbm>> -> memref<32x1x1024xf32, #tpu.memory_space<hbm>>
    %dma_start3A_351 = tpu.memref_squeeze %dma_start3A_350 : memref<32x1x1024xf32, #tpu.memory_space<hbm>> -> memref<32x1024xf32, #tpu.memory_space<hbm>>
    %dma_start3A_352 = arith.constant 0 : i32
    %dma_start3A_353 = tpu.memref_slice %arg3[%add3A_347, %dma_start3A_348, %dma_start3A_352] : memref<8192x4x1024xf32, #tpu.memory_space<hbm>> -> memref<32x1x1024xf32, #tpu.memory_space<hbm>>
    %dma_start3A_354 = tpu.memref_squeeze %dma_start3A_353 : memref<32x1x1024xf32, #tpu.memory_space<hbm>> -> memref<32x1024xf32, #tpu.memory_space<hbm>>
    tpu.enqueue_dma source(%arg5 : memref<32x1024xf32, #tpu.memory_space<vmem>>) target(%dma_start3A_354 : memref<32x1024xf32, #tpu.memory_space<hbm>>) target_semaphore(%arg11 : memref<!tpu.dma_semaphore, #tpu.memory_space<semaphore_mem>>)
    %dma_wait3A_355 = arith.constant 0 : i32
    %dma_wait3A_356 = arith.constant 0 : i32
    %dma_wait3A_357 = tpu.memref_slice %arg3[%add3A_320, %dma_wait3A_355, %dma_wait3A_356] : memref<8192x4x1024xf32, #tpu.memory_space<hbm>> -> memref<32x1x1024xf32, #tpu.memory_space<hbm>>
    %dma_wait3A_358 = tpu.memref_squeeze %dma_wait3A_357 : memref<32x1x1024xf32, #tpu.memory_space<hbm>> -> memref<32x1024xf32, #tpu.memory_space<hbm>>
    %dma_wait3A_359 = arith.constant 0 : i32
    %dma_wait3A_360 = tpu.memref_slice %arg3[%add3A_320, %dma_wait3A_355, %dma_wait3A_359] : memref<8192x4x1024xf32, #tpu.memory_space<hbm>> -> memref<32x1x1024xf32, #tpu.memory_space<hbm>>
    %dma_wait3A_361 = tpu.memref_squeeze %dma_wait3A_360 : memref<32x1x1024xf32, #tpu.memory_space<hbm>> -> memref<32x1024xf32, #tpu.memory_space<hbm>>
    tpu.wait_dma2 semaphore(%arg11 : memref<!tpu.dma_semaphore, #tpu.memory_space<semaphore_mem>>) src(%arg5 : memref<32x1024xf32, #tpu.memory_space<vmem>>) dst(%dma_wait3A_361 : memref<32x1024xf32, #tpu.memory_space<hbm>>)
    %dma_wait3A_362 = arith.constant 1 : i32
    %dma_wait3A_363 = arith.constant 0 : i32
    %dma_wait3A_364 = tpu.memref_slice %arg3[%add3A_329, %dma_wait3A_362, %dma_wait3A_363] : memref<8192x4x1024xf32, #tpu.memory_space<hbm>> -> memref<32x1x1024xf32, #tpu.memory_space<hbm>>
    %dma_wait3A_365 = tpu.memref_squeeze %dma_wait3A_364 : memref<32x1x1024xf32, #tpu.memory_space<hbm>> -> memref<32x1024xf32, #tpu.memory_space<hbm>>
    %dma_wait3A_366 = arith.constant 0 : i32
    %dma_wait3A_367 = tpu.memref_slice %arg3[%add3A_329, %dma_wait3A_362, %dma_wait3A_366] : memref<8192x4x1024xf32, #tpu.memory_space<hbm>> -> memref<32x1x1024xf32, #tpu.memory_space<hbm>>
    %dma_wait3A_368 = tpu.memref_squeeze %dma_wait3A_367 : memref<32x1x1024xf32, #tpu.memory_space<hbm>> -> memref<32x1024xf32, #tpu.memory_space<hbm>>
    tpu.wait_dma2 semaphore(%arg11 : memref<!tpu.dma_semaphore, #tpu.memory_space<semaphore_mem>>) src(%arg5 : memref<32x1024xf32, #tpu.memory_space<vmem>>) dst(%dma_wait3A_368 : memref<32x1024xf32, #tpu.memory_space<hbm>>)
    %dma_wait3A_369 = arith.constant 2 : i32
    %dma_wait3A_370 = arith.constant 0 : i32
    %dma_wait3A_371 = tpu.memref_slice %arg3[%add3A_338, %dma_wait3A_369, %dma_wait3A_370] : memref<8192x4x1024xf32, #tpu.memory_space<hbm>> -> memref<32x1x1024xf32, #tpu.memory_space<hbm>>
    %dma_wait3A_372 = tpu.memref_squeeze %dma_wait3A_371 : memref<32x1x1024xf32, #tpu.memory_space<hbm>> -> memref<32x1024xf32, #tpu.memory_space<hbm>>
    %dma_wait3A_373 = arith.constant 0 : i32
    %dma_wait3A_374 = tpu.memref_slice %arg3[%add3A_338, %dma_wait3A_369, %dma_wait3A_373] : memref<8192x4x1024xf32, #tpu.memory_space<hbm>> -> memref<32x1x1024xf32, #tpu.memory_space<hbm>>
    %dma_wait3A_375 = tpu.memref_squeeze %dma_wait3A_374 : memref<32x1x1024xf32, #tpu.memory_space<hbm>> -> memref<32x1024xf32, #tpu.memory_space<hbm>>
    tpu.wait_dma2 semaphore(%arg11 : memref<!tpu.dma_semaphore, #tpu.memory_space<semaphore_mem>>) src(%arg5 : memref<32x1024xf32, #tpu.memory_space<vmem>>) dst(%dma_wait3A_375 : memref<32x1024xf32, #tpu.memory_space<hbm>>)
    %dma_wait3A_376 = arith.constant 3 : i32
    %dma_wait3A_377 = arith.constant 0 : i32
    %dma_wait3A_378 = tpu.memref_slice %arg3[%add3A_347, %dma_wait3A_376, %dma_wait3A_377] : memref<8192x4x1024xf32, #tpu.memory_space<hbm>> -> memref<32x1x1024xf32, #tpu.memory_space<hbm>>
    %dma_wait3A_379 = tpu.memref_squeeze %dma_wait3A_378 : memref<32x1x1024xf32, #tpu.memory_space<hbm>> -> memref<32x1024xf32, #tpu.memory_space<hbm>>
    %dma_wait3A_380 = arith.constant 0 : i32
    %dma_wait3A_381 = tpu.memref_slice %arg3[%add3A_347, %dma_wait3A_376, %dma_wait3A_380] : memref<8192x4x1024xf32, #tpu.memory_space<hbm>> -> memref<32x1x1024xf32, #tpu.memory_space<hbm>>
    %dma_wait3A_382 = tpu.memref_squeeze %dma_wait3A_381 : memref<32x1x1024xf32, #tpu.memory_space<hbm>> -> memref<32x1024xf32, #tpu.memory_space<hbm>>
    tpu.wait_dma2 semaphore(%arg11 : memref<!tpu.dma_semaphore, #tpu.memory_space<semaphore_mem>>) src(%arg5 : memref<32x1024xf32, #tpu.memory_space<vmem>>) dst(%dma_wait3A_382 : memref<32x1024xf32, #tpu.memory_space<hbm>>)
    %add3A_383 = arith.constant 224 : i32
    %add3A_384 = arith.addi %mul3A_2, %add3A_383 : i32
    %dma_start3A_385 = arith.constant 0 : i32
    %dma_start3A_386 = tpu.memref_slice %arg2[%add3A_384, %dma_start3A_385] : memref<8192x1024xf32, #tpu.memory_space<hbm>> -> memref<32x1024xf32, #tpu.memory_space<hbm>>
    %dma_start3A_387 = arith.constant 0 : i32
    %dma_start3A_388 = tpu.memref_slice %arg2[%add3A_384, %dma_start3A_387] : memref<8192x1024xf32, #tpu.memory_space<hbm>> -> memref<32x1024xf32, #tpu.memory_space<hbm>>
    tpu.enqueue_dma source(%dma_start3A_388 : memref<32x1024xf32, #tpu.memory_space<hbm>>) target(%arg5 : memref<32x1024xf32, #tpu.memory_space<vmem>>) target_semaphore(%arg8 : memref<!tpu.dma_semaphore, #tpu.memory_space<semaphore_mem>>)
    %dma_wait3A_389 = arith.constant 0 : i32
    %dma_wait3A_390 = tpu.memref_slice %arg2[%add3A_236, %dma_wait3A_389] : memref<8192x1024xf32, #tpu.memory_space<hbm>> -> memref<32x1024xf32, #tpu.memory_space<hbm>>
    %dma_wait3A_391 = arith.constant 0 : i32
    %dma_wait3A_392 = tpu.memref_slice %arg2[%add3A_236, %dma_wait3A_391] : memref<8192x1024xf32, #tpu.memory_space<hbm>> -> memref<32x1024xf32, #tpu.memory_space<hbm>>
    tpu.wait_dma2 semaphore(%arg9 : memref<!tpu.dma_semaphore, #tpu.memory_space<semaphore_mem>>) src(%dma_wait3A_392 : memref<32x1024xf32, #tpu.memory_space<hbm>>) dst(%arg6 : memref<32x1024xf32, #tpu.memory_space<vmem>>)
    %add3A_393 = arith.constant 160 : i32
    %add3A_394 = arith.addi %mul3A_2, %add3A_393 : i32
    %dma_start3A_395 = arith.constant 0 : i32
    %dma_start3A_396 = arith.constant 0 : i32
    %dma_start3A_397 = tpu.memref_slice %arg3[%add3A_394, %dma_start3A_395, %dma_start3A_396] : memref<8192x4x1024xf32, #tpu.memory_space<hbm>> -> memref<32x1x1024xf32, #tpu.memory_space<hbm>>
    %dma_start3A_398 = tpu.memref_squeeze %dma_start3A_397 : memref<32x1x1024xf32, #tpu.memory_space<hbm>> -> memref<32x1024xf32, #tpu.memory_space<hbm>>
    %dma_start3A_399 = arith.constant 0 : i32
    %dma_start3A_400 = tpu.memref_slice %arg3[%add3A_394, %dma_start3A_395, %dma_start3A_399] : memref<8192x4x1024xf32, #tpu.memory_space<hbm>> -> memref<32x1x1024xf32, #tpu.memory_space<hbm>>
    %dma_start3A_401 = tpu.memref_squeeze %dma_start3A_400 : memref<32x1x1024xf32, #tpu.memory_space<hbm>> -> memref<32x1024xf32, #tpu.memory_space<hbm>>
    tpu.enqueue_dma source(%arg6 : memref<32x1024xf32, #tpu.memory_space<vmem>>) target(%dma_start3A_401 : memref<32x1024xf32, #tpu.memory_space<hbm>>) target_semaphore(%arg12 : memref<!tpu.dma_semaphore, #tpu.memory_space<semaphore_mem>>)
    %add3A_402 = arith.constant 160 : i32
    %add3A_403 = arith.addi %mul3A_2, %add3A_402 : i32
    %dma_start3A_404 = arith.constant 1 : i32
    %dma_start3A_405 = arith.constant 0 : i32
    %dma_start3A_406 = tpu.memref_slice %arg3[%add3A_403, %dma_start3A_404, %dma_start3A_405] : memref<8192x4x1024xf32, #tpu.memory_space<hbm>> -> memref<32x1x1024xf32, #tpu.memory_space<hbm>>
    %dma_start3A_407 = tpu.memref_squeeze %dma_start3A_406 : memref<32x1x1024xf32, #tpu.memory_space<hbm>> -> memref<32x1024xf32, #tpu.memory_space<hbm>>
    %dma_start3A_408 = arith.constant 0 : i32
    %dma_start3A_409 = tpu.memref_slice %arg3[%add3A_403, %dma_start3A_404, %dma_start3A_408] : memref<8192x4x1024xf32, #tpu.memory_space<hbm>> -> memref<32x1x1024xf32, #tpu.memory_space<hbm>>
    %dma_start3A_410 = tpu.memref_squeeze %dma_start3A_409 : memref<32x1x1024xf32, #tpu.memory_space<hbm>> -> memref<32x1024xf32, #tpu.memory_space<hbm>>
    tpu.enqueue_dma source(%arg6 : memref<32x1024xf32, #tpu.memory_space<vmem>>) target(%dma_start3A_410 : memref<32x1024xf32, #tpu.memory_space<hbm>>) target_semaphore(%arg12 : memref<!tpu.dma_semaphore, #tpu.memory_space<semaphore_mem>>)
    %add3A_411 = arith.constant 160 : i32
    %add3A_412 = arith.addi %mul3A_2, %add3A_411 : i32
    %dma_start3A_413 = arith.constant 2 : i32
    %dma_start3A_414 = arith.constant 0 : i32
    %dma_start3A_415 = tpu.memref_slice %arg3[%add3A_412, %dma_start3A_413, %dma_start3A_414] : memref<8192x4x1024xf32, #tpu.memory_space<hbm>> -> memref<32x1x1024xf32, #tpu.memory_space<hbm>>
    %dma_start3A_416 = tpu.memref_squeeze %dma_start3A_415 : memref<32x1x1024xf32, #tpu.memory_space<hbm>> -> memref<32x1024xf32, #tpu.memory_space<hbm>>
    %dma_start3A_417 = arith.constant 0 : i32
    %dma_start3A_418 = tpu.memref_slice %arg3[%add3A_412, %dma_start3A_413, %dma_start3A_417] : memref<8192x4x1024xf32, #tpu.memory_space<hbm>> -> memref<32x1x1024xf32, #tpu.memory_space<hbm>>
    %dma_start3A_419 = tpu.memref_squeeze %dma_start3A_418 : memref<32x1x1024xf32, #tpu.memory_space<hbm>> -> memref<32x1024xf32, #tpu.memory_space<hbm>>
    tpu.enqueue_dma source(%arg6 : memref<32x1024xf32, #tpu.memory_space<vmem>>) target(%dma_start3A_419 : memref<32x1024xf32, #tpu.memory_space<hbm>>) target_semaphore(%arg12 : memref<!tpu.dma_semaphore, #tpu.memory_space<semaphore_mem>>)
    %add3A_420 = arith.constant 160 : i32
    %add3A_421 = arith.addi %mul3A_2, %add3A_420 : i32
    %dma_start3A_422 = arith.constant 3 : i32
    %dma_start3A_423 = arith.constant 0 : i32
    %dma_start3A_424 = tpu.memref_slice %arg3[%add3A_421, %dma_start3A_422, %dma_start3A_423] : memref<8192x4x1024xf32, #tpu.memory_space<hbm>> -> memref<32x1x1024xf32, #tpu.memory_space<hbm>>
    %dma_start3A_425 = tpu.memref_squeeze %dma_start3A_424 : memref<32x1x1024xf32, #tpu.memory_space<hbm>> -> memref<32x1024xf32, #tpu.memory_space<hbm>>
    %dma_start3A_426 = arith.constant 0 : i32
    %dma_start3A_427 = tpu.memref_slice %arg3[%add3A_421, %dma_start3A_422, %dma_start3A_426] : memref<8192x4x1024xf32, #tpu.memory_space<hbm>> -> memref<32x1x1024xf32, #tpu.memory_space<hbm>>
    %dma_start3A_428 = tpu.memref_squeeze %dma_start3A_427 : memref<32x1x1024xf32, #tpu.memory_space<hbm>> -> memref<32x1024xf32, #tpu.memory_space<hbm>>
    tpu.enqueue_dma source(%arg6 : memref<32x1024xf32, #tpu.memory_space<vmem>>) target(%dma_start3A_428 : memref<32x1024xf32, #tpu.memory_space<hbm>>) target_semaphore(%arg12 : memref<!tpu.dma_semaphore, #tpu.memory_space<semaphore_mem>>)
    %dma_wait3A_429 = arith.constant 0 : i32
    %dma_wait3A_430 = tpu.memref_slice %arg2[%add3A_310, %dma_wait3A_429] : memref<8192x1024xf32, #tpu.memory_space<hbm>> -> memref<32x1024xf32, #tpu.memory_space<hbm>>
    %dma_wait3A_431 = arith.constant 0 : i32
    %dma_wait3A_432 = tpu.memref_slice %arg2[%add3A_310, %dma_wait3A_431] : memref<8192x1024xf32, #tpu.memory_space<hbm>> -> memref<32x1024xf32, #tpu.memory_space<hbm>>
    tpu.wait_dma2 semaphore(%arg7 : memref<!tpu.dma_semaphore, #tpu.memory_space<semaphore_mem>>) src(%dma_wait3A_432 : memref<32x1024xf32, #tpu.memory_space<hbm>>) dst(%arg4 : memref<32x1024xf32, #tpu.memory_space<vmem>>)
    %add3A_433 = arith.constant 192 : i32
    %add3A_434 = arith.addi %mul3A_2, %add3A_433 : i32
    %dma_start3A_435 = arith.constant 0 : i32
    %dma_start3A_436 = arith.constant 0 : i32
    %dma_start3A_437 = tpu.memref_slice %arg3[%add3A_434, %dma_start3A_435, %dma_start3A_436] : memref<8192x4x1024xf32, #tpu.memory_space<hbm>> -> memref<32x1x1024xf32, #tpu.memory_space<hbm>>
    %dma_start3A_438 = tpu.memref_squeeze %dma_start3A_437 : memref<32x1x1024xf32, #tpu.memory_space<hbm>> -> memref<32x1024xf32, #tpu.memory_space<hbm>>
    %dma_start3A_439 = arith.constant 0 : i32
    %dma_start3A_440 = tpu.memref_slice %arg3[%add3A_434, %dma_start3A_435, %dma_start3A_439] : memref<8192x4x1024xf32, #tpu.memory_space<hbm>> -> memref<32x1x1024xf32, #tpu.memory_space<hbm>>
    %dma_start3A_441 = tpu.memref_squeeze %dma_start3A_440 : memref<32x1x1024xf32, #tpu.memory_space<hbm>> -> memref<32x1024xf32, #tpu.memory_space<hbm>>
    tpu.enqueue_dma source(%arg4 : memref<32x1024xf32, #tpu.memory_space<vmem>>) target(%dma_start3A_441 : memref<32x1024xf32, #tpu.memory_space<hbm>>) target_semaphore(%arg10 : memref<!tpu.dma_semaphore, #tpu.memory_space<semaphore_mem>>)
    %add3A_442 = arith.constant 192 : i32
    %add3A_443 = arith.addi %mul3A_2, %add3A_442 : i32
    %dma_start3A_444 = arith.constant 1 : i32
    %dma_start3A_445 = arith.constant 0 : i32
    %dma_start3A_446 = tpu.memref_slice %arg3[%add3A_443, %dma_start3A_444, %dma_start3A_445] : memref<8192x4x1024xf32, #tpu.memory_space<hbm>> -> memref<32x1x1024xf32, #tpu.memory_space<hbm>>
    %dma_start3A_447 = tpu.memref_squeeze %dma_start3A_446 : memref<32x1x1024xf32, #tpu.memory_space<hbm>> -> memref<32x1024xf32, #tpu.memory_space<hbm>>
    %dma_start3A_448 = arith.constant 0 : i32
    %dma_start3A_449 = tpu.memref_slice %arg3[%add3A_443, %dma_start3A_444, %dma_start3A_448] : memref<8192x4x1024xf32, #tpu.memory_space<hbm>> -> memref<32x1x1024xf32, #tpu.memory_space<hbm>>
    %dma_start3A_450 = tpu.memref_squeeze %dma_start3A_449 : memref<32x1x1024xf32, #tpu.memory_space<hbm>> -> memref<32x1024xf32, #tpu.memory_space<hbm>>
    tpu.enqueue_dma source(%arg4 : memref<32x1024xf32, #tpu.memory_space<vmem>>) target(%dma_start3A_450 : memref<32x1024xf32, #tpu.memory_space<hbm>>) target_semaphore(%arg10 : memref<!tpu.dma_semaphore, #tpu.memory_space<semaphore_mem>>)
    %add3A_451 = arith.constant 192 : i32
    %add3A_452 = arith.addi %mul3A_2, %add3A_451 : i32
    %dma_start3A_453 = arith.constant 2 : i32
    %dma_start3A_454 = arith.constant 0 : i32
    %dma_start3A_455 = tpu.memref_slice %arg3[%add3A_452, %dma_start3A_453, %dma_start3A_454] : memref<8192x4x1024xf32, #tpu.memory_space<hbm>> -> memref<32x1x1024xf32, #tpu.memory_space<hbm>>
    %dma_start3A_456 = tpu.memref_squeeze %dma_start3A_455 : memref<32x1x1024xf32, #tpu.memory_space<hbm>> -> memref<32x1024xf32, #tpu.memory_space<hbm>>
    %dma_start3A_457 = arith.constant 0 : i32
    %dma_start3A_458 = tpu.memref_slice %arg3[%add3A_452, %dma_start3A_453, %dma_start3A_457] : memref<8192x4x1024xf32, #tpu.memory_space<hbm>> -> memref<32x1x1024xf32, #tpu.memory_space<hbm>>
    %dma_start3A_459 = tpu.memref_squeeze %dma_start3A_458 : memref<32x1x1024xf32, #tpu.memory_space<hbm>> -> memref<32x1024xf32, #tpu.memory_space<hbm>>
    tpu.enqueue_dma source(%arg4 : memref<32x1024xf32, #tpu.memory_space<vmem>>) target(%dma_start3A_459 : memref<32x1024xf32, #tpu.memory_space<hbm>>) target_semaphore(%arg10 : memref<!tpu.dma_semaphore, #tpu.memory_space<semaphore_mem>>)
    %add3A_460 = arith.constant 192 : i32
    %add3A_461 = arith.addi %mul3A_2, %add3A_460 : i32
    %dma_start3A_462 = arith.constant 3 : i32
    %dma_start3A_463 = arith.constant 0 : i32
    %dma_start3A_464 = tpu.memref_slice %arg3[%add3A_461, %dma_start3A_462, %dma_start3A_463] : memref<8192x4x1024xf32, #tpu.memory_space<hbm>> -> memref<32x1x1024xf32, #tpu.memory_space<hbm>>
    %dma_start3A_465 = tpu.memref_squeeze %dma_start3A_464 : memref<32x1x1024xf32, #tpu.memory_space<hbm>> -> memref<32x1024xf32, #tpu.memory_space<hbm>>
    %dma_start3A_466 = arith.constant 0 : i32
    %dma_start3A_467 = tpu.memref_slice %arg3[%add3A_461, %dma_start3A_462, %dma_start3A_466] : memref<8192x4x1024xf32, #tpu.memory_space<hbm>> -> memref<32x1x1024xf32, #tpu.memory_space<hbm>>
    %dma_start3A_468 = tpu.memref_squeeze %dma_start3A_467 : memref<32x1x1024xf32, #tpu.memory_space<hbm>> -> memref<32x1024xf32, #tpu.memory_space<hbm>>
    tpu.enqueue_dma source(%arg4 : memref<32x1024xf32, #tpu.memory_space<vmem>>) target(%dma_start3A_468 : memref<32x1024xf32, #tpu.memory_space<hbm>>) target_semaphore(%arg10 : memref<!tpu.dma_semaphore, #tpu.memory_space<semaphore_mem>>)
    %dma_wait3A_469 = arith.constant 0 : i32
    %dma_wait3A_470 = tpu.memref_slice %arg2[%add3A_384, %dma_wait3A_469] : memref<8192x1024xf32, #tpu.memory_space<hbm>> -> memref<32x1024xf32, #tpu.memory_space<hbm>>
    %dma_wait3A_471 = arith.constant 0 : i32
    %dma_wait3A_472 = tpu.memref_slice %arg2[%add3A_384, %dma_wait3A_471] : memref<8192x1024xf32, #tpu.memory_space<hbm>> -> memref<32x1024xf32, #tpu.memory_space<hbm>>
    tpu.wait_dma2 semaphore(%arg8 : memref<!tpu.dma_semaphore, #tpu.memory_space<semaphore_mem>>) src(%dma_wait3A_472 : memref<32x1024xf32, #tpu.memory_space<hbm>>) dst(%arg5 : memref<32x1024xf32, #tpu.memory_space<vmem>>)
    %add3A_473 = arith.constant 224 : i32
    %add3A_474 = arith.addi %mul3A_2, %add3A_473 : i32
    %dma_start3A_475 = arith.constant 0 : i32
    %dma_start3A_476 = arith.constant 0 : i32
    %dma_start3A_477 = tpu.memref_slice %arg3[%add3A_474, %dma_start3A_475, %dma_start3A_476] : memref<8192x4x1024xf32, #tpu.memory_space<hbm>> -> memref<32x1x1024xf32, #tpu.memory_space<hbm>>
    %dma_start3A_478 = tpu.memref_squeeze %dma_start3A_477 : memref<32x1x1024xf32, #tpu.memory_space<hbm>> -> memref<32x1024xf32, #tpu.memory_space<hbm>>
    %dma_start3A_479 = arith.constant 0 : i32
    %dma_start3A_480 = tpu.memref_slice %arg3[%add3A_474, %dma_start3A_475, %dma_start3A_479] : memref<8192x4x1024xf32, #tpu.memory_space<hbm>> -> memref<32x1x1024xf32, #tpu.memory_space<hbm>>
    %dma_start3A_481 = tpu.memref_squeeze %dma_start3A_480 : memref<32x1x1024xf32, #tpu.memory_space<hbm>> -> memref<32x1024xf32, #tpu.memory_space<hbm>>
    tpu.enqueue_dma source(%arg5 : memref<32x1024xf32, #tpu.memory_space<vmem>>) target(%dma_start3A_481 : memref<32x1024xf32, #tpu.memory_space<hbm>>) target_semaphore(%arg11 : memref<!tpu.dma_semaphore, #tpu.memory_space<semaphore_mem>>)
    %add3A_482 = arith.constant 224 : i32
    %add3A_483 = arith.addi %mul3A_2, %add3A_482 : i32
    %dma_start3A_484 = arith.constant 1 : i32
    %dma_start3A_485 = arith.constant 0 : i32
    %dma_start3A_486 = tpu.memref_slice %arg3[%add3A_483, %dma_start3A_484, %dma_start3A_485] : memref<8192x4x1024xf32, #tpu.memory_space<hbm>> -> memref<32x1x1024xf32, #tpu.memory_space<hbm>>
    %dma_start3A_487 = tpu.memref_squeeze %dma_start3A_486 : memref<32x1x1024xf32, #tpu.memory_space<hbm>> -> memref<32x1024xf32, #tpu.memory_space<hbm>>
    %dma_start3A_488 = arith.constant 0 : i32
    %dma_start3A_489 = tpu.memref_slice %arg3[%add3A_483, %dma_start3A_484, %dma_start3A_488] : memref<8192x4x1024xf32, #tpu.memory_space<hbm>> -> memref<32x1x1024xf32, #tpu.memory_space<hbm>>
    %dma_start3A_490 = tpu.memref_squeeze %dma_start3A_489 : memref<32x1x1024xf32, #tpu.memory_space<hbm>> -> memref<32x1024xf32, #tpu.memory_space<hbm>>
    tpu.enqueue_dma source(%arg5 : memref<32x1024xf32, #tpu.memory_space<vmem>>) target(%dma_start3A_490 : memref<32x1024xf32, #tpu.memory_space<hbm>>) target_semaphore(%arg11 : memref<!tpu.dma_semaphore, #tpu.memory_space<semaphore_mem>>)
    %add3A_491 = arith.constant 224 : i32
    %add3A_492 = arith.addi %mul3A_2, %add3A_491 : i32
    %dma_start3A_493 = arith.constant 2 : i32
    %dma_start3A_494 = arith.constant 0 : i32
    %dma_start3A_495 = tpu.memref_slice %arg3[%add3A_492, %dma_start3A_493, %dma_start3A_494] : memref<8192x4x1024xf32, #tpu.memory_space<hbm>> -> memref<32x1x1024xf32, #tpu.memory_space<hbm>>
    %dma_start3A_496 = tpu.memref_squeeze %dma_start3A_495 : memref<32x1x1024xf32, #tpu.memory_space<hbm>> -> memref<32x1024xf32, #tpu.memory_space<hbm>>
    %dma_start3A_497 = arith.constant 0 : i32
    %dma_start3A_498 = tpu.memref_slice %arg3[%add3A_492, %dma_start3A_493, %dma_start3A_497] : memref<8192x4x1024xf32, #tpu.memory_space<hbm>> -> memref<32x1x1024xf32, #tpu.memory_space<hbm>>
    %dma_start3A_499 = tpu.memref_squeeze %dma_start3A_498 : memref<32x1x1024xf32, #tpu.memory_space<hbm>> -> memref<32x1024xf32, #tpu.memory_space<hbm>>
    tpu.enqueue_dma source(%arg5 : memref<32x1024xf32, #tpu.memory_space<vmem>>) target(%dma_start3A_499 : memref<32x1024xf32, #tpu.memory_space<hbm>>) target_semaphore(%arg11 : memref<!tpu.dma_semaphore, #tpu.memory_space<semaphore_mem>>)
    %add3A_500 = arith.constant 224 : i32
    %add3A_501 = arith.addi %mul3A_2, %add3A_500 : i32
    %dma_start3A_502 = arith.constant 3 : i32
    %dma_start3A_503 = arith.constant 0 : i32
    %dma_start3A_504 = tpu.memref_slice %arg3[%add3A_501, %dma_start3A_502, %dma_start3A_503] : memref<8192x4x1024xf32, #tpu.memory_space<hbm>> -> memref<32x1x1024xf32, #tpu.memory_space<hbm>>
    %dma_start3A_505 = tpu.memref_squeeze %dma_start3A_504 : memref<32x1x1024xf32, #tpu.memory_space<hbm>> -> memref<32x1024xf32, #tpu.memory_space<hbm>>
    %dma_start3A_506 = arith.constant 0 : i32
    %dma_start3A_507 = tpu.memref_slice %arg3[%add3A_501, %dma_start3A_502, %dma_start3A_506] : memref<8192x4x1024xf32, #tpu.memory_space<hbm>> -> memref<32x1x1024xf32, #tpu.memory_space<hbm>>
    %dma_start3A_508 = tpu.memref_squeeze %dma_start3A_507 : memref<32x1x1024xf32, #tpu.memory_space<hbm>> -> memref<32x1024xf32, #tpu.memory_space<hbm>>
    tpu.enqueue_dma source(%arg5 : memref<32x1024xf32, #tpu.memory_space<vmem>>) target(%dma_start3A_508 : memref<32x1024xf32, #tpu.memory_space<hbm>>) target_semaphore(%arg11 : memref<!tpu.dma_semaphore, #tpu.memory_space<semaphore_mem>>)
    %dma_wait3A_509 = arith.constant 0 : i32
    %dma_wait3A_510 = arith.constant 0 : i32
    %dma_wait3A_511 = tpu.memref_slice %arg3[%add3A_394, %dma_wait3A_509, %dma_wait3A_510] : memref<8192x4x1024xf32, #tpu.memory_space<hbm>> -> memref<32x1x1024xf32, #tpu.memory_space<hbm>>
    %dma_wait3A_512 = tpu.memref_squeeze %dma_wait3A_511 : memref<32x1x1024xf32, #tpu.memory_space<hbm>> -> memref<32x1024xf32, #tpu.memory_space<hbm>>
    %dma_wait3A_513 = arith.constant 0 : i32
    %dma_wait3A_514 = tpu.memref_slice %arg3[%add3A_394, %dma_wait3A_509, %dma_wait3A_513] : memref<8192x4x1024xf32, #tpu.memory_space<hbm>> -> memref<32x1x1024xf32, #tpu.memory_space<hbm>>
    %dma_wait3A_515 = tpu.memref_squeeze %dma_wait3A_514 : memref<32x1x1024xf32, #tpu.memory_space<hbm>> -> memref<32x1024xf32, #tpu.memory_space<hbm>>
    tpu.wait_dma2 semaphore(%arg12 : memref<!tpu.dma_semaphore, #tpu.memory_space<semaphore_mem>>) src(%arg6 : memref<32x1024xf32, #tpu.memory_space<vmem>>) dst(%dma_wait3A_515 : memref<32x1024xf32, #tpu.memory_space<hbm>>)
    %dma_wait3A_516 = arith.constant 1 : i32
    %dma_wait3A_517 = arith.constant 0 : i32
    %dma_wait3A_518 = tpu.memref_slice %arg3[%add3A_403, %dma_wait3A_516, %dma_wait3A_517] : memref<8192x4x1024xf32, #tpu.memory_space<hbm>> -> memref<32x1x1024xf32, #tpu.memory_space<hbm>>
    %dma_wait3A_519 = tpu.memref_squeeze %dma_wait3A_518 : memref<32x1x1024xf32, #tpu.memory_space<hbm>> -> memref<32x1024xf32, #tpu.memory_space<hbm>>
    %dma_wait3A_520 = arith.constant 0 : i32
    %dma_wait3A_521 = tpu.memref_slice %arg3[%add3A_403, %dma_wait3A_516, %dma_wait3A_520] : memref<8192x4x1024xf32, #tpu.memory_space<hbm>> -> memref<32x1x1024xf32, #tpu.memory_space<hbm>>
    %dma_wait3A_522 = tpu.memref_squeeze %dma_wait3A_521 : memref<32x1x1024xf32, #tpu.memory_space<hbm>> -> memref<32x1024xf32, #tpu.memory_space<hbm>>
    tpu.wait_dma2 semaphore(%arg12 : memref<!tpu.dma_semaphore, #tpu.memory_space<semaphore_mem>>) src(%arg6 : memref<32x1024xf32, #tpu.memory_space<vmem>>) dst(%dma_wait3A_522 : memref<32x1024xf32, #tpu.memory_space<hbm>>)
    %dma_wait3A_523 = arith.constant 2 : i32
    %dma_wait3A_524 = arith.constant 0 : i32
    %dma_wait3A_525 = tpu.memref_slice %arg3[%add3A_412, %dma_wait3A_523, %dma_wait3A_524] : memref<8192x4x1024xf32, #tpu.memory_space<hbm>> -> memref<32x1x1024xf32, #tpu.memory_space<hbm>>
    %dma_wait3A_526 = tpu.memref_squeeze %dma_wait3A_525 : memref<32x1x1024xf32, #tpu.memory_space<hbm>> -> memref<32x1024xf32, #tpu.memory_space<hbm>>
    %dma_wait3A_527 = arith.constant 0 : i32
    %dma_wait3A_528 = tpu.memref_slice %arg3[%add3A_412, %dma_wait3A_523, %dma_wait3A_527] : memref<8192x4x1024xf32, #tpu.memory_space<hbm>> -> memref<32x1x1024xf32, #tpu.memory_space<hbm>>
    %dma_wait3A_529 = tpu.memref_squeeze %dma_wait3A_528 : memref<32x1x1024xf32, #tpu.memory_space<hbm>> -> memref<32x1024xf32, #tpu.memory_space<hbm>>
    tpu.wait_dma2 semaphore(%arg12 : memref<!tpu.dma_semaphore, #tpu.memory_space<semaphore_mem>>) src(%arg6 : memref<32x1024xf32, #tpu.memory_space<vmem>>) dst(%dma_wait3A_529 : memref<32x1024xf32, #tpu.memory_space<hbm>>)
    %dma_wait3A_530 = arith.constant 3 : i32
    %dma_wait3A_531 = arith.constant 0 : i32
    %dma_wait3A_532 = tpu.memref_slice %arg3[%add3A_421, %dma_wait3A_530, %dma_wait3A_531] : memref<8192x4x1024xf32, #tpu.memory_space<hbm>> -> memref<32x1x1024xf32, #tpu.memory_space<hbm>>
    %dma_wait3A_533 = tpu.memref_squeeze %dma_wait3A_532 : memref<32x1x1024xf32, #tpu.memory_space<hbm>> -> memref<32x1024xf32, #tpu.memory_space<hbm>>
    %dma_wait3A_534 = arith.constant 0 : i32
    %dma_wait3A_535 = tpu.memref_slice %arg3[%add3A_421, %dma_wait3A_530, %dma_wait3A_534] : memref<8192x4x1024xf32, #tpu.memory_space<hbm>> -> memref<32x1x1024xf32, #tpu.memory_space<hbm>>
    %dma_wait3A_536 = tpu.memref_squeeze %dma_wait3A_535 : memref<32x1x1024xf32, #tpu.memory_space<hbm>> -> memref<32x1024xf32, #tpu.memory_space<hbm>>
    tpu.wait_dma2 semaphore(%arg12 : memref<!tpu.dma_semaphore, #tpu.memory_space<semaphore_mem>>) src(%arg6 : memref<32x1024xf32, #tpu.memory_space<vmem>>) dst(%dma_wait3A_536 : memref<32x1024xf32, #tpu.memory_space<hbm>>)
    %dma_wait3A_537 = arith.constant 0 : i32
    %dma_wait3A_538 = arith.constant 0 : i32
    %dma_wait3A_539 = tpu.memref_slice %arg3[%add3A_434, %dma_wait3A_537, %dma_wait3A_538] : memref<8192x4x1024xf32, #tpu.memory_space<hbm>> -> memref<32x1x1024xf32, #tpu.memory_space<hbm>>
    %dma_wait3A_540 = tpu.memref_squeeze %dma_wait3A_539 : memref<32x1x1024xf32, #tpu.memory_space<hbm>> -> memref<32x1024xf32, #tpu.memory_space<hbm>>
    %dma_wait3A_541 = arith.constant 0 : i32
    %dma_wait3A_542 = tpu.memref_slice %arg3[%add3A_434, %dma_wait3A_537, %dma_wait3A_541] : memref<8192x4x1024xf32, #tpu.memory_space<hbm>> -> memref<32x1x1024xf32, #tpu.memory_space<hbm>>
    %dma_wait3A_543 = tpu.memref_squeeze %dma_wait3A_542 : memref<32x1x1024xf32, #tpu.memory_space<hbm>> -> memref<32x1024xf32, #tpu.memory_space<hbm>>
    tpu.wait_dma2 semaphore(%arg10 : memref<!tpu.dma_semaphore, #tpu.memory_space<semaphore_mem>>) src(%arg4 : memref<32x1024xf32, #tpu.memory_space<vmem>>) dst(%dma_wait3A_543 : memref<32x1024xf32, #tpu.memory_space<hbm>>)
    %dma_wait3A_544 = arith.constant 1 : i32
    %dma_wait3A_545 = arith.constant 0 : i32
    %dma_wait3A_546 = tpu.memref_slice %arg3[%add3A_443, %dma_wait3A_544, %dma_wait3A_545] : memref<8192x4x1024xf32, #tpu.memory_space<hbm>> -> memref<32x1x1024xf32, #tpu.memory_space<hbm>>
    %dma_wait3A_547 = tpu.memref_squeeze %dma_wait3A_546 : memref<32x1x1024xf32, #tpu.memory_space<hbm>> -> memref<32x1024xf32, #tpu.memory_space<hbm>>
    %dma_wait3A_548 = arith.constant 0 : i32
    %dma_wait3A_549 = tpu.memref_slice %arg3[%add3A_443, %dma_wait3A_544, %dma_wait3A_548] : memref<8192x4x1024xf32, #tpu.memory_space<hbm>> -> memref<32x1x1024xf32, #tpu.memory_space<hbm>>
    %dma_wait3A_550 = tpu.memref_squeeze %dma_wait3A_549 : memref<32x1x1024xf32, #tpu.memory_space<hbm>> -> memref<32x1024xf32, #tpu.memory_space<hbm>>
    tpu.wait_dma2 semaphore(%arg10 : memref<!tpu.dma_semaphore, #tpu.memory_space<semaphore_mem>>) src(%arg4 : memref<32x1024xf32, #tpu.memory_space<vmem>>) dst(%dma_wait3A_550 : memref<32x1024xf32, #tpu.memory_space<hbm>>)
    %dma_wait3A_551 = arith.constant 2 : i32
    %dma_wait3A_552 = arith.constant 0 : i32
    %dma_wait3A_553 = tpu.memref_slice %arg3[%add3A_452, %dma_wait3A_551, %dma_wait3A_552] : memref<8192x4x1024xf32, #tpu.memory_space<hbm>> -> memref<32x1x1024xf32, #tpu.memory_space<hbm>>
    %dma_wait3A_554 = tpu.memref_squeeze %dma_wait3A_553 : memref<32x1x1024xf32, #tpu.memory_space<hbm>> -> memref<32x1024xf32, #tpu.memory_space<hbm>>
    %dma_wait3A_555 = arith.constant 0 : i32
    %dma_wait3A_556 = tpu.memref_slice %arg3[%add3A_452, %dma_wait3A_551, %dma_wait3A_555] : memref<8192x4x1024xf32, #tpu.memory_space<hbm>> -> memref<32x1x1024xf32, #tpu.memory_space<hbm>>
    %dma_wait3A_557 = tpu.memref_squeeze %dma_wait3A_556 : memref<32x1x1024xf32, #tpu.memory_space<hbm>> -> memref<32x1024xf32, #tpu.memory_space<hbm>>
    tpu.wait_dma2 semaphore(%arg10 : memref<!tpu.dma_semaphore, #tpu.memory_space<semaphore_mem>>) src(%arg4 : memref<32x1024xf32, #tpu.memory_space<vmem>>) dst(%dma_wait3A_557 : memref<32x1024xf32, #tpu.memory_space<hbm>>)
    %dma_wait3A_558 = arith.constant 3 : i32
    %dma_wait3A_559 = arith.constant 0 : i32
    %dma_wait3A_560 = tpu.memref_slice %arg3[%add3A_461, %dma_wait3A_558, %dma_wait3A_559] : memref<8192x4x1024xf32, #tpu.memory_space<hbm>> -> memref<32x1x1024xf32, #tpu.memory_space<hbm>>
    %dma_wait3A_561 = tpu.memref_squeeze %dma_wait3A_560 : memref<32x1x1024xf32, #tpu.memory_space<hbm>> -> memref<32x1024xf32, #tpu.memory_space<hbm>>
    %dma_wait3A_562 = arith.constant 0 : i32
    %dma_wait3A_563 = tpu.memref_slice %arg3[%add3A_461, %dma_wait3A_558, %dma_wait3A_562] : memref<8192x4x1024xf32, #tpu.memory_space<hbm>> -> memref<32x1x1024xf32, #tpu.memory_space<hbm>>
    %dma_wait3A_564 = tpu.memref_squeeze %dma_wait3A_563 : memref<32x1x1024xf32, #tpu.memory_space<hbm>> -> memref<32x1024xf32, #tpu.memory_space<hbm>>
    tpu.wait_dma2 semaphore(%arg10 : memref<!tpu.dma_semaphore, #tpu.memory_space<semaphore_mem>>) src(%arg4 : memref<32x1024xf32, #tpu.memory_space<vmem>>) dst(%dma_wait3A_564 : memref<32x1024xf32, #tpu.memory_space<hbm>>)
    %dma_wait3A_565 = arith.constant 0 : i32
    %dma_wait3A_566 = arith.constant 0 : i32
    %dma_wait3A_567 = tpu.memref_slice %arg3[%add3A_474, %dma_wait3A_565, %dma_wait3A_566] : memref<8192x4x1024xf32, #tpu.memory_space<hbm>> -> memref<32x1x1024xf32, #tpu.memory_space<hbm>>
    %dma_wait3A_568 = tpu.memref_squeeze %dma_wait3A_567 : memref<32x1x1024xf32, #tpu.memory_space<hbm>> -> memref<32x1024xf32, #tpu.memory_space<hbm>>
    %dma_wait3A_569 = arith.constant 0 : i32
    %dma_wait3A_570 = tpu.memref_slice %arg3[%add3A_474, %dma_wait3A_565, %dma_wait3A_569] : memref<8192x4x1024xf32, #tpu.memory_space<hbm>> -> memref<32x1x1024xf32, #tpu.memory_space<hbm>>
    %dma_wait3A_571 = tpu.memref_squeeze %dma_wait3A_570 : memref<32x1x1024xf32, #tpu.memory_space<hbm>> -> memref<32x1024xf32, #tpu.memory_space<hbm>>
    tpu.wait_dma2 semaphore(%arg11 : memref<!tpu.dma_semaphore, #tpu.memory_space<semaphore_mem>>) src(%arg5 : memref<32x1024xf32, #tpu.memory_space<vmem>>) dst(%dma_wait3A_571 : memref<32x1024xf32, #tpu.memory_space<hbm>>)
    %dma_wait3A_572 = arith.constant 1 : i32
    %dma_wait3A_573 = arith.constant 0 : i32
    %dma_wait3A_574 = tpu.memref_slice %arg3[%add3A_483, %dma_wait3A_572, %dma_wait3A_573] : memref<8192x4x1024xf32, #tpu.memory_space<hbm>> -> memref<32x1x1024xf32, #tpu.memory_space<hbm>>
    %dma_wait3A_575 = tpu.memref_squeeze %dma_wait3A_574 : memref<32x1x1024xf32, #tpu.memory_space<hbm>> -> memref<32x1024xf32, #tpu.memory_space<hbm>>
    %dma_wait3A_576 = arith.constant 0 : i32
    %dma_wait3A_577 = tpu.memref_slice %arg3[%add3A_483, %dma_wait3A_572, %dma_wait3A_576] : memref<8192x4x1024xf32, #tpu.memory_space<hbm>> -> memref<32x1x1024xf32, #tpu.memory_space<hbm>>
    %dma_wait3A_578 = tpu.memref_squeeze %dma_wait3A_577 : memref<32x1x1024xf32, #tpu.memory_space<hbm>> -> memref<32x1024xf32, #tpu.memory_space<hbm>>
    tpu.wait_dma2 semaphore(%arg11 : memref<!tpu.dma_semaphore, #tpu.memory_space<semaphore_mem>>) src(%arg5 : memref<32x1024xf32, #tpu.memory_space<vmem>>) dst(%dma_wait3A_578 : memref<32x1024xf32, #tpu.memory_space<hbm>>)
    %dma_wait3A_579 = arith.constant 2 : i32
    %dma_wait3A_580 = arith.constant 0 : i32
    %dma_wait3A_581 = tpu.memref_slice %arg3[%add3A_492, %dma_wait3A_579, %dma_wait3A_580] : memref<8192x4x1024xf32, #tpu.memory_space<hbm>> -> memref<32x1x1024xf32, #tpu.memory_space<hbm>>
    %dma_wait3A_582 = tpu.memref_squeeze %dma_wait3A_581 : memref<32x1x1024xf32, #tpu.memory_space<hbm>> -> memref<32x1024xf32, #tpu.memory_space<hbm>>
    %dma_wait3A_583 = arith.constant 0 : i32
    %dma_wait3A_584 = tpu.memref_slice %arg3[%add3A_492, %dma_wait3A_579, %dma_wait3A_583] : memref<8192x4x1024xf32, #tpu.memory_space<hbm>> -> memref<32x1x1024xf32, #tpu.memory_space<hbm>>
    %dma_wait3A_585 = tpu.memref_squeeze %dma_wait3A_584 : memref<32x1x1024xf32, #tpu.memory_space<hbm>> -> memref<32x1024xf32, #tpu.memory_space<hbm>>
    tpu.wait_dma2 semaphore(%arg11 : memref<!tpu.dma_semaphore, #tpu.memory_space<semaphore_mem>>) src(%arg5 : memref<32x1024xf32, #tpu.memory_space<vmem>>) dst(%dma_wait3A_585 : memref<32x1024xf32, #tpu.memory_space<hbm>>)
    %dma_wait3A_586 = arith.constant 3 : i32
    %dma_wait3A_587 = arith.constant 0 : i32
    %dma_wait3A_588 = tpu.memref_slice %arg3[%add3A_501, %dma_wait3A_586, %dma_wait3A_587] : memref<8192x4x1024xf32, #tpu.memory_space<hbm>> -> memref<32x1x1024xf32, #tpu.memory_space<hbm>>
    %dma_wait3A_589 = tpu.memref_squeeze %dma_wait3A_588 : memref<32x1x1024xf32, #tpu.memory_space<hbm>> -> memref<32x1024xf32, #tpu.memory_space<hbm>>
    %dma_wait3A_590 = arith.constant 0 : i32
    %dma_wait3A_591 = tpu.memref_slice %arg3[%add3A_501, %dma_wait3A_586, %dma_wait3A_590] : memref<8192x4x1024xf32, #tpu.memory_space<hbm>> -> memref<32x1x1024xf32, #tpu.memory_space<hbm>>
    %dma_wait3A_592 = tpu.memref_squeeze %dma_wait3A_591 : memref<32x1x1024xf32, #tpu.memory_space<hbm>> -> memref<32x1024xf32, #tpu.memory_space<hbm>>
    tpu.wait_dma2 semaphore(%arg11 : memref<!tpu.dma_semaphore, #tpu.memory_space<semaphore_mem>>) src(%arg5 : memref<32x1024xf32, #tpu.memory_space<vmem>>) dst(%dma_wait3A_592 : memref<32x1024xf32, #tpu.memory_space<hbm>>)
    return
  }
}

</mosaic_0001>

<sc_bundles>
// kernel: kernel.3.cloned.1.call-start
scs
__scs_entry_jumppad:
0x0: {  	(pc) =	sbr.rel $0x88, $3  }
0x1: {  	(tag) =	ssettag $0x0;
	lr =	simm.s32 $0x1  }
0x2: {  	[smem:$0x3FA0] =	sst lr;
	_ =	strace $0xD0000000  }
0x3: {  	_ = 	snop  }
0x4: {  	_ = 	snop  }
0x5: {  	_ = 	snop  }
0x6: {  	_ = 	snop  }
0x7: {  	_ = 	snop  }
__scs_overlays_trampoline_lowered:
0x8: {  	[smem:$0x3FAF] =	sst s0  }
0x9: {  	[smem:$0x3FB0] =	sst s1  }
0xa: {  	[smem:$0x3FB1] =	sst s2  }
0xb: {  	[smem:$0x3FB2] =	sst s3  }
0xc: {  	[smem:$0x3FB3] =	sst s4  }
0xd: {  	[smem:$0x3FB4] =	sst s5  }
0xe: {  	[smem:$0x3FB5] =	sst s6  }
0xf: {  	[smem:$0x3FB6] =	sst s7  }
0x10: {  	[smem:$0x3FB7] =	sst s8  }
0x11: {  	[smem:$0x3FB8] =	sst s9;
	s0 =	simm.s32 @!p0 $0x0  }
0x12: {  	s1 =	sld [smem:$0x3F9E];
	s0 =	simm.s32 @p0 $0x1  }
0x13: {  	[smem:$0x3FB9] =	sst s0;
	s0 =	simm.s32 @!p1 $0x0  }
0x14: {  	s2 =	sld [smem:$0x3F9D];
	s0 =	simm.s32 @p1 $0x1  }
0x15: {  	[smem:$0x3FBA] =	sst s0;
	s0 =	simm.s32 @!p2 $0x0  }
0x16: {  	s3 =	sld [smem:$0x3FDB];
	s0 =	simm.s32 @p2 $0x1  }
0x17: {  	s4 =	simm.s32 $0x1BF5;
	[smem:$0x3FBC] =	sst s0  }
0x18: {  	s0 =	sld [smem:$0x3F9F];
	_ =	swait.ge [sflag:s4], $0x0  }
0x19: {  	s7 =	sld [smem:$0x3FA0]  }
0x1a: {  	s8 =	sadd.s32 $0xFFFFE003, lr  }
0x1b: {  	s9 =	sadd.s32 $0xFFFFFEF7, lr;
	s5 =	simm.s32 $0xFFFFFFFF;
	p2 =	slt.u32 s8, $0xFFFFF086  }
0x1c: {  	p1 =	slt.u32 s9, $0xF7A;
	s5 =	simm.s32 @!p2 $0x0  }
0x1d: {  	s5 =	simm.s32 @p1 $0x1;
	p0 =	seq.s32 s7, s2  }
0x1e: {  	s7 =	smul.u32 @!p0 $0xF7A, s2;
	p2 =	seq.s32 @!p0 s5, $0x0  }
0x1f: {  	s9 =	smul.u32 $0xF7A, s1;
	s8 =	simm.s32 @!p0 $0x1BF5;
	p2 =	por !p2, p0  }
0x20: {  	[sflag:s8] =	ssyncset.s32 @!p0 $0xFFFFF086;
	s6 =	sadd.s32 @!p0 s3, s7;
	s7 =	simm.s32 @!p0 $0x108  }
0x21: {  	s3 =	sadd.s32 s3, s9;
	s6 =	sadd.s32 @!p0 $0x88, s6;
	s7 =	simm.s32 @p2 $0x1082  }
0x22: {  	[simem:s7], [sflag:s8] =	dma.local @!p0 [hbm:s6], $0xF7A  }
0x23: {  	s9 =	sor.u32 $0xD0000000, s2;
	s6 =	simm.s32 $0x108;
	_ =	swait.ge @!p0 [sflag:s8], $0x0  }
0x24: {  	s3 =	sadd.s32 $0x88, s3;
	s6 =	simm.s32 @!p1 $0x1082;
	[sflag:s4] =	ssyncset.s32 $0xFFFFF086  }
0x25: {  	[simem:s6], [sflag:s4] =	dma.local [hbm:s3], $0xF7A  }
0x26: {  	[smem:$0x3FA0] =	sst s1;
	(tag) =	ssettag s2;
	_ =	strace s9  }
0x27: {  	s1 =	sld [smem:$0x3FB0]  }
0x28: {  	s2 =	sld [smem:$0x3FB1]  }
0x29: {  	s4 =	sld [smem:$0x3FB3]  }
0x2a: {  	p0 =	seq.s32 s5, $0x0;
	s5 =	sld [smem:$0x3FB4]  }
0x2b: {  	s6 =	sld [smem:$0x3FB5]  }
0x2c: {  	s7 =	sld [smem:$0x3FB6]  }
0x2d: {  	s3 =	simm.s32 $0x108;
	s8 =	sld [smem:$0x3FB7]  }
0x2e: {  	s3 =	simm.s32 @!p0 $0x1082;
	s9 =	sld [smem:$0x3FB8]  }
0x2f: {  	lr =	sadd.s32 s0, s3;
	s0 =	sld [smem:$0x3FAF]  }
0x30: {  	s3 =	sld [smem:$0x3FB2]  }
0x31: {  	[smem:$0x3FBB] =	sst s10  }
0x32: {  	s10 =	sld [smem:$0x3FB9];
	_ =	sdelay $0x3  }
0x33: {  	p0 =	seq.s32 s10, $0x1;
	s10 =	sld [smem:$0x3FBB];
	_ =	sdelay $0x3  }
0x34: {  	[smem:$0x3FBB] =	sst s10  }
0x35: {  	s10 =	sld [smem:$0x3FBA];
	_ =	sdelay $0x3  }
0x36: {  	p1 =	seq.s32 s10, $0x1;
	s10 =	sld [smem:$0x3FBB];
	_ =	sdelay $0x3  }
0x37: {  	[smem:$0x3FBB] =	sst s10  }
0x38: {  	s10 =	sld [smem:$0x3FBC]  }
0x39: {  	_ = 	snop;
	(pc) =	sbr.ind lr, $3  }
0x3a: {  	_ = 	snop  }
0x3b: {  	_ = 	snop  }
0x3c: {  	p2 =	seq.s32 s10, $0x1;
	s10 =	sld [smem:$0x3FBB]  }
0x3d: {  	_ =	shalt  }
0x3e: {  	_ =	shalt  }
0x3f: {  	_ =	shalt  }
0x40: {  	_ =	shalt  }
0x41: {  	_ =	shalt  }
0x42: {  	_ =	shalt  }
0x43: {  	_ =	shalt  }
0x44: {  	_ =	shalt  }
0x45: {  	_ =	shalt  }
0x46: {  	_ =	shalt  }
0x47: {  	_ =	shalt  }
0x48: {  	_ =	shalt  }
0x49: {  	_ =	shalt  }
0x4a: {  	_ =	shalt  }
0x4b: {  	_ =	shalt  }
0x4c: {  	_ =	shalt  }
0x4d: {  	_ =	shalt  }
0x4e: {  	_ =	shalt  }
0x4f: {  	_ =	shalt  }
0x50: {  	_ =	shalt  }
0x51: {  	_ =	shalt  }
0x52: {  	_ =	shalt  }
0x53: {  	_ =	shalt  }
0x54: {  	_ =	shalt  }
0x55: {  	_ =	shalt  }
0x56: {  	_ =	shalt  }
0x57: {  	_ =	shalt  }
0x58: {  	_ =	shalt  }
0x59: {  	_ =	shalt  }
0x5a: {  	_ =	shalt  }
0x5b: {  	_ =	shalt  }
0x5c: {  	_ =	shalt  }
0x5d: {  	_ =	shalt  }
0x5e: {  	_ =	shalt  }
0x5f: {  	_ =	shalt  }
0x60: {  	_ =	shalt  }
0x61: {  	_ =	shalt  }
0x62: {  	_ =	shalt  }
0x63: {  	_ =	shalt  }
0x64: {  	_ =	shalt  }
0x65: {  	_ =	shalt  }
0x66: {  	_ =	shalt  }
0x67: {  	_ =	shalt  }
0x68: {  	_ =	shalt  }
0x69: {  	_ =	shalt  }
0x6a: {  	_ =	shalt  }
0x6b: {  	_ =	shalt  }
0x6c: {  	_ =	shalt  }
0x6d: {  	_ =	shalt  }
0x6e: {  	_ =	shalt  }
0x6f: {  	_ =	shalt  }
0x70: {  	_ =	shalt  }
0x71: {  	_ =	shalt  }
0x72: {  	_ =	shalt  }
0x73: {  	_ =	shalt  }
0x74: {  	_ =	shalt  }
0x75: {  	_ =	shalt  }
0x76: {  	_ =	shalt  }
0x77: {  	_ =	shalt  }
0x78: {  	_ =	shalt  }
0x79: {  	_ =	shalt  }
0x7a: {  	_ =	shalt  }
0x7b: {  	_ =	shalt  }
0x7c: {  	_ =	shalt  }
0x7d: {  	_ =	shalt  }
0x7e: {  	_ =	shalt  }
0x7f: {  	_ =	shalt  }
0x80: {  	_ =	shalt  }
0x81: {  	_ =	shalt  }
0x82: {  	_ =	shalt  }
0x83: {  	_ =	shalt  }
0x84: {  	_ =	shalt  }
0x85: {  	_ =	shalt  }
0x86: {  	_ =	shalt  }
0x87: {  	_ =	shalt  }
.Lfunc_end0:
.L_simem_size_0:
called_computation_lowered:
.L_overlay_start_0:
0x88: {  	s2 =	sld [smem:$0x3FD9]  }
0x89: {  	s3 =	sld [smem:$0x3FFE];
	_ =	sdelay $0x1  }
0x8a: {  	s1 =	srdreg.scid  }
0x8b: {  	s0 =	sand.u32 $0x1, s1  }
0x8c: {  	s18 =	sshll.u32 s0, $0xA;
	s2 =	sadd.s32 s3, s2  }
0x8d: {  	s2 =	sadd.s32 s2, s18  }
0x8e: {  	[smem:$0x3FC7] =	sst s2  }
0x8f: {  	_ = 	snop  }
0x90: {  	s2 =	sld [smem:$0x3FC9]  }
0x91: {  	s19 =	sld [smem:$0x3FD0];
	(tm) =	ssettm $0x1  }
0x92: {  	s4 =	sld [smem:$0x3FFB];
	_ =	sdelay $0x3  }
0x93: {  	_ =	strace s4  }
0x94: {  	s4 =	sld [smem:$0x3FFC];
	_ =	sdelay $0x3  }
0x95: {  	_ =	strace s4  }
0x96: {  	s4 =	sld [smem:$0x3FFD];
	_ =	sdelay $0x3  }
0x97: {  	_ =	strace s4  }
0x98: {  	_ =	strace $0x8FFFFFFF  }
0x99: {  	s20 =	sld [smem:$0x3FDB];
	_ =	sdelay $0x1  }
0x9a: {  	s5 =	simm.s32 $_scs_section_size  }
0x9b: {  	s6 =	simm.s32 $_size__tile_overlayer_lowered;
	s7 =	simm.s32 $_tile_overlayer_lowered  }
0x9c: {  	s23 =	simm.s32 $0x1BFF;
	s22 =	sshll.u32 s7, $0x1;
	s4 =	sadd.s32 s5, s20  }
0x9d: {  	s8 =	simm.s32 $0x0;
	s21 =	sshll.u32 s6, $0x1;
	s6 =	sadd.s32 s22, s4  }
0x9e: {  	[timem:s8], [sflag:s23] =	dma.local [hbm:s6], s21  }
0x9f: {  	_ =	swait.ge [sflag:s23], s21  }
0xa0: {  	s5 =	ssub.s32 $0x0, s21;
	[sflag:s23] =	ssyncset.done $0x0  }
0xa1: {  	[sflag:s23] =	ssyncadd.s32 s5;
	_ =	sdelay $0x1  }
0xa2: {  	s24 =	simm.s32 $0x1B8B  }
0xa3: {  	_ =	swait.ge [sflag:s24], $0x1  }
0xa4: {  	[sflag:s24] =	ssyncset.done $0x0  }
0xa5: {  	s25 =	simm.s32 $0x1B8E;
	[sflag:s24] =	ssyncadd.s32 $0xFFFFFFFF  }
0xa6: {  	s26 =	simm.s32 $execute0_lowered;
	[smem:$0x3FD2] =	sst s25  }
0xa7: {  	s5 =	sshll.u32 s26, $0x1;
	_ =	strace $0x80000046;
	[dreg:$0x1] =	wrdreg $0xFFFFFFFF  }
0xa8: {  	s28 =	simm.s32 $_size_execute0_lowered;
	s4 =	sadd.s32 s4, s5;
	[dreg:$0x0] =	wrdreg $0x0  }
0xa9: {  	s5 =	sshll.u32 s28, $0x1;
	[dreg:$0x2] =	wrdreg s4  }
0xaa: {  	[dreg:$0x3] =	wrdreg s5  }
0xab: {  	[dreg:$0x4] =	wrdreg $0xC0  }
0xac: {  	_ =	task [dreg:s8], $0x5FFFF  }
0xad: {  	[dreg:$0x1] =	wrdreg $0xFFFFFFFF  }
0xae: {  	[dreg:$0x0] =	wrdreg $0x60  }
0xaf: {  	[dreg:$0x2] =	wrdreg s2  }
0xb0: {  	[dreg:$0x3] =	wrdreg s19  }
0xb1: {  	[dreg:$0x4] =	wrdreg $0x9  }
0xb2: {  	_ =	task.clear_ibuf [dreg:s8], $0x5FFFF;
	_ =	strace $0x90000046  }
0xb3: {  	s29 =	simm.s32 $0x9;
	_ =	strace $0x80000048  }
0xb4: {  	_ =	swait.ge [sflag:s29], $0x1  }
0xb5: {  	[sflag:s29] =	ssyncadd.s32 $0xFFFFFFFF  }
0xb6: {  	_ =	strace $0x90000048  }
0xb7: {  	_ =	sfence  }
0xb8: {  	s30 =	sld [smem:$0x0];
	_ =	sdelay $0x2  }
0xb9: {  	s31 =	sshll.u32 s1, $0xD;
	s1 =	sshrl.u32 s1, $0x2  }
0xba: {  	s3 =	sand.u32 $0x4000, s31;
	s1 =	sadd.s32 s1, s30  }
0xbb: {  	s0 =	sor.u32 s3, s0;
	s1 =	sshll.u32 s1, $0x11  }
0xbc: {  	s0 =	sor.u32 s1, s0  }
0xbd: {  	s0 =	sadd.s32 $0x8F2B, s0  }
0xbe: {  	[sflag:s0] =	ssyncadd.remote.s32 $0x1  }
0xbf: {  	_ =	sfence.sel $0xFFFF  }
0xc0: {  	[dreg:$0x0] =	wrdreg $0xFFFFFFFF;
	(pc) =	sbr.abs _section_cstart, $3  }
0xc1: {  	[dreg:$0x1] =	wrdreg $0xFFFFFFFF  }
0xc2: {  	_ =	task.clear_ibuf [dreg:s8], $0x2FFFF;
	_ =	strace $0x9FFFFFFF  }
0xc3: {  	(tm) =	ssettm $0x7FFFFFFF  }
tec
execute0_lowered:
.L_overlay_start_1:
0x0: {  	(tag) =	ssettag $0x1  }
0x1: {  	s0 =	rddreg [dreg:$0x0]  }
0x2: {  	s2 =	srdreg.scid;
	s3 =	stileid.u32  }
0x3: {  	s1 =	rddreg [dreg:$0x1];
	s5 =	simm.s32 $0x0;
	s2 =	sand.u32 $0x1, s2  }
0x4: {  	s3 =	sshll.u32 s3, $0x1;
	[smem:$0x7FF] =	sst s5;
	s11 =	sadd.s32 $0x10, s1  }
0x5: {  	s12 =	sadd.s32 $0x20, s1;
	s4 =	ssub.s32 $0x2, s2;
	s2 =	sor.u32 s2, s3  }
0x6: {  	s13 =	sadd.s32 $0x30, s1;
	s23 =	sshrl.u32 s4, $0x1;
	s24 =	sshll.u32 s2, $0x8  }
0x7: {  	s25 =	sshll.u32 s2, $0xF;
	s2 =	sshll.u32 s2, $0x11;
	s6 =	ssub.s32 s4, s23  }
0x8: {  	s26 =	sor.u32 $0x20, s24;
	s3 =	sadd.s32 s0, s25;
	s7 =	sor.u32 $0x40, s24  }
0x9: {  	s16 =	sadd.s32 s1, s2;
	s17 =	sadd.s32 s2, s11;
	s18 =	sor.u32 $0x60, s24  }
0xa: {  	s8 =	sor.u32 $0x80, s24;
	s20 =	sor.u32 $0xA0, s24;
	[dreg:$0x3] =	wrdreg s3  }
0xb: {  	s5 =	sor.u32 $0xE0, s24;
	s22 =	sadd.s32 s2, s12;
	[dreg:$0x6] =	wrdreg s16  }
0xc: {  	s23 =	sadd.s32 s2, s13;
	s14 =	sshll.u32 s26, $0x7;
	[dreg:$0x7] =	wrdreg s17  }
0xd: {  	s15 =	sshll.u32 s7, $0x7;
	s9 =	sshll.u32 s18, $0x7;
	[dreg:$0xd] =	wrdreg s22  }
0xe: {  	s10 =	sshll.u32 s8, $0x7;
	s16 =	sshll.u32 s5, $0x7;
	[dreg:$0xe] =	wrdreg s23  }
0xf: {  	s5 =	sshll.u32 s5, $0x9;
	s6 =	smax.u32 s6, $0x1;
	s3 =	sadd.s32 s0, s14  }
0x10: {  	s9 =	sadd.s32 s0, s9;
	s19 =	sadd.s32 s0, s10;
	s10 =	sor.u32 $0xC0, s24  }
0x11: {  	s14 =	sshll.u32 s20, $0x7;
	s24 =	sshll.u32 s26, $0x9;
	[dreg:$0x4] =	wrdreg s3  }
0x12: {  	s20 =	sshll.u32 s20, $0x9;
	s3 =	sadd.s32 s0, s15;
	[dreg:$0x8] =	wrdreg s9  }
0x13: {  	[dreg:$0x9] =	wrdreg s19;
	s15 =	sshll.u32 s10, $0x7;
	s14 =	sadd.s32 s0, s14  }
0x14: {  	s25 =	sadd.s32 s1, s24;
	s26 =	sadd.s32 s24, s11;
	[dreg:$0x5] =	wrdreg s3  }
0x15: {  	s4 =	sadd.s32 s24, s12;
	s19 =	sshll.u32 s8, $0x9;
	[dreg:$0xa] =	wrdreg s14  }
0x16: {  	s31 =	sadd.s32 s1, s20;
	s2 =	sadd.s32 s20, s12;
	[dreg:$0xf] =	wrdreg s25  }
0x17: {  	s21 =	sadd.s32 s0, s15;
	s0 =	sadd.s32 s0, s16;
	[dreg:$0x10] =	wrdreg s26  }
0x18: {  	[dreg:$0x11] =	wrdreg s4;
	s14 =	sshll.u32 s7, $0x9;
	s15 =	sshll.u32 s18, $0x9  }
0x19: {  	s26 =	sadd.s32 s1, s19;
	s28 =	sadd.s32 s19, s11;
	s29 =	sadd.s32 s19, s12  }
0x1a: {  	s30 =	sadd.s32 s19, s13;
	s3 =	sadd.s32 s20, s13;
	[dreg:$0xb] =	wrdreg s21  }
0x1b: {  	[dreg:$0xc] =	wrdreg s0;
	s0 =	sadd.s32 s24, s13;
	s16 =	sadd.s32 s1, s14  }
0x1c: {  	s17 =	sadd.s32 s14, s11;
	s18 =	sadd.s32 s14, s12;
	s22 =	sadd.s32 s1, s15  }
0x1d: {  	s23 =	sadd.s32 s15, s11;
	s24 =	sadd.s32 s15, s12;
	[dreg:$0x12] =	wrdreg s0  }
0x1e: {  	s25 =	sadd.s32 s15, s13;
	s21 =	sshll.u32 s10, $0x9;
	[dreg:$0x13] =	wrdreg s16  }
0x1f: {  	s10 =	sadd.s32 s1, s5;
	s15 =	simm.s32 $0x6;
	[dreg:$0x14] =	wrdreg s17  }
0x20: {  	[dreg:$0x15] =	wrdreg s18;
	s0 =	sadd.s32 s14, s13;
	s4 =	sadd.s32 s1, s21  }
0x21: {  	s7 =	sadd.s32 s21, s11;
	s8 =	sadd.s32 s21, s12;
	s9 =	sadd.s32 s21, s13  }
0x22: {  	s1 =	sadd.s32 s5, s12;
	s12 =	simm.s32 $0x1000;
	s14 =	simm.s32 $0x5  }
0x23: {  	s17 =	simm.s32 $0x0;
	[dreg:$0x16] =	wrdreg s0;
	s0 =	sadd.s32 s20, s11  }
0x24: {  	s11 =	sadd.s32 s5, s11;
	s5 =	sadd.s32 s5, s13;
	s13 =	simm.s32 $0x4  }
0x25: {  	_ =	strace $0x80000047;
	[dreg:$0x17] =	wrdreg s6;
	s6 =	simm.s32 $0x80  }
.LBB2_1:
0x26: {  	[dreg:$0x18] =	wrdreg s17  }
0x27: {  	s16 =	simm.s32 $0x0;
	s20 =	rddreg [dreg:$0x3]  }
0x28: {  	[tilespmem:s16], [sflag:$0x1] =	stream.linear.gather [hbm4b:s20+s16], $0x8000, $0x38;
	[tilespmem:$0x18000] =	vst v63  }
0x29: {  	s21 =	rddreg [dreg:$0x4];
	s18 =	simm.s32 $0x8000  }
0x2a: {  	[tilespmem:s18], [sflag:$0x2] =	stream.linear.gather [hbm4b:s21+s16], $0x8000, $0x38;
	[tilespmem:$0x18000] =	vst v63  }
0x2b: {  	s19 =	simm.s32 $0x10000;
	s20 =	simm.s32 $0x1;
	s18 =	rddreg [dreg:$0x5]  }
0x2c: {  	[tilespmem:s19], [sflag:$0x3] =	stream.linear.gather [hbm4b:s18+s16], $0x8000, $0x38;
	[tilespmem:$0x18000] =	vst v63  }
0x2d: {  	_ =	swait.ge [sflag:s20], $0x8000  }
0x2e: {  	[sflag:s20] =	ssyncset.done $0x0  }
0x2f: {  	s21 =	simm.s32 $0x0;
	[sflag:s20] =	ssyncadd.s32 $0xFFFF8000;
	s20 =	rddreg [dreg:$0x6]  }
0x30: {  	[hbm4b:s20+s6] =	stream.strided.scatter [tilespmem:s21], [sflag:$0x4], $0x400, s12, s6, $0x38;
	[tilespmem:$0x18000] =	vst v63  }
0x31: {  	s17 =	simm.s32 $0x400;
	s18 =	sadd.s32 $0x40, s20  }
0x32: {  	[hbm4b:s18+s6] =	stream.strided.scatter [tilespmem:s17], [sflag:$0x4], $0x400, s12, s6, $0x38;
	[tilespmem:$0x18000] =	vst v63  }
0x33: {  	s19 =	simm.s32 $0x800;
	s21 =	sadd.s32 $0x80, s20  }
0x34: {  	[hbm4b:s21+s6] =	stream.strided.scatter [tilespmem:s19], [sflag:$0x4], $0x400, s12, s6, $0x38;
	[tilespmem:$0x18000] =	vst v63  }
0x35: {  	s17 =	simm.s32 $0xC00;
	s18 =	sadd.s32 $0xC0, s20  }
0x36: {  	[hbm4b:s18+s6] =	stream.strided.scatter [tilespmem:s17], [sflag:$0x4], $0x400, s12, s6, $0x38;
	[tilespmem:$0x18000] =	vst v63  }
0x37: {  	s19 =	simm.s32 $0x1000;
	s21 =	sadd.s32 $0x100, s20  }
0x38: {  	[hbm4b:s21+s6] =	stream.strided.scatter [tilespmem:s19], [sflag:$0x4], $0x400, s12, s6, $0x38;
	[tilespmem:$0x18000] =	vst v63  }
0x39: {  	s17 =	simm.s32 $0x1400;
	s18 =	sadd.s32 $0x140, s20  }
0x3a: {  	[hbm4b:s18+s6] =	stream.strided.scatter [tilespmem:s17], [sflag:$0x4], $0x400, s12, s6, $0x38;
	[tilespmem:$0x18000] =	vst v63  }
0x3b: {  	s16 =	simm.s32 $0x8000;
	s19 =	simm.s32 $0x1800;
	s21 =	sadd.s32 $0x180, s20  }
0x3c: {  	[hbm4b:s21+s6] =	stream.strided.scatter [tilespmem:s19], [sflag:$0x4], $0x400, s12, s6, $0x38;
	[tilespmem:$0x18000] =	vst v63  }
0x3d: {  	s18 =	simm.s32 $0x1C00;
	s17 =	sadd.s32 $0x1000, s20;
	s19 =	sadd.s32 $0x1C0, s20  }
.LBB2_2:
0x3e: {  	[hbm4b:s19+s6] =	stream.strided.scatter [tilespmem:s18], [sflag:$0x4], $0x400, s12, s6, $0x38;
	[tilespmem:$0x18000] =	vst v63  }
0x3f: {  	s18 =	sshra.s32 s16, $0x2;
	p0 =	sne.s32 s16, $0x18000;
	s16 =	sadd.s32 $0x8000, s16  }
0x40: {  	[hbm4b:s17+s6] =	stream.strided.scatter [tilespmem:s18], [sflag:$0x4], $0x400, s12, s6, $0x38;
	[tilespmem:$0x18000] =	vst v63  }
0x41: {  	s20 =	sadd.s32 $0x40, s17;
	s19 =	sadd.s32 $0x400, s18  }
0x42: {  	[hbm4b:s20+s6] =	stream.strided.scatter [tilespmem:s19], [sflag:$0x4], $0x400, s12, s6, $0x38;
	[tilespmem:$0x18000] =	vst v63  }
0x43: {  	s19 =	sadd.s32 $0x800, s18;
	s20 =	sadd.s32 $0x80, s17  }
0x44: {  	[hbm4b:s20+s6] =	stream.strided.scatter [tilespmem:s19], [sflag:$0x4], $0x400, s12, s6, $0x38;
	[tilespmem:$0x18000] =	vst v63  }
0x45: {  	s19 =	sadd.s32 $0xC00, s18;
	s20 =	sadd.s32 $0xC0, s17  }
0x46: {  	[hbm4b:s20+s6] =	stream.strided.scatter [tilespmem:s19], [sflag:$0x4], $0x400, s12, s6, $0x38;
	[tilespmem:$0x18000] =	vst v63  }
0x47: {  	s19 =	sadd.s32 $0x1000, s18;
	s20 =	sadd.s32 $0x100, s17  }
0x48: {  	[hbm4b:s20+s6] =	stream.strided.scatter [tilespmem:s19], [sflag:$0x4], $0x400, s12, s6, $0x38;
	[tilespmem:$0x18000] =	vst v63  }
.Ltmp0:
0x49: {  	s19 =	sadd.s32 $0x1400, s18;
	s20 =	sadd.s32 $0x140, s17;
	(pc) =	sbr.rel @p0 .LBB2_2-.Ltmp0, $4  }
0x4a: {  	[hbm4b:s20+s6] =	stream.strided.scatter [tilespmem:s19], [sflag:$0x4], $0x400, s12, s6, $0x38;
	[tilespmem:$0x18000] =	vst v63  }
0x4b: {  	s19 =	sadd.s32 $0x1800, s18;
	s20 =	sadd.s32 $0x180, s17  }
0x4c: {  	[hbm4b:s20+s6] =	stream.strided.scatter [tilespmem:s19], [sflag:$0x4], $0x400, s12, s6, $0x38;
	[tilespmem:$0x18000] =	vst v63  }
0x4d: {  	s18 =	sadd.s32 $0x1C00, s18;
	s19 =	sadd.s32 $0x1C0, s17;
	s17 =	sadd.s32 $0x1000, s17  }
0x4e: {  	[hbm4b:s19+s6] =	stream.strided.scatter [tilespmem:s18], [sflag:$0x4], $0x400, s12, s6, $0x38;
	[tilespmem:$0x18000] =	vst v63  }
0x4f: {  	s16 =	simm.s32 $0x0;
	s20 =	rddreg [dreg:$0x7]  }
0x50: {  	[hbm4b:s20+s6] =	stream.strided.scatter [tilespmem:s16], [sflag:$0x4], $0x400, s12, s6, $0x38;
	[tilespmem:$0x18000] =	vst v63  }
0x51: {  	s18 =	simm.s32 $0x400;
	s17 =	sadd.s32 $0x40, s20  }
0x52: {  	[hbm4b:s17+s6] =	stream.strided.scatter [tilespmem:s18], [sflag:$0x4], $0x400, s12, s6, $0x38;
	[tilespmem:$0x18000] =	vst v63  }
0x53: {  	s19 =	simm.s32 $0x800;
	s21 =	sadd.s32 $0x80, s20  }
0x54: {  	[hbm4b:s21+s6] =	stream.strided.scatter [tilespmem:s19], [sflag:$0x4], $0x400, s12, s6, $0x38;
	[tilespmem:$0x18000] =	vst v63  }
0x55: {  	s17 =	simm.s32 $0xC00;
	s18 =	sadd.s32 $0xC0, s20  }
0x56: {  	[hbm4b:s18+s6] =	stream.strided.scatter [tilespmem:s17], [sflag:$0x4], $0x400, s12, s6, $0x38;
	[tilespmem:$0x18000] =	vst v63  }
0x57: {  	s19 =	simm.s32 $0x1000;
	s21 =	sadd.s32 $0x100, s20  }
0x58: {  	[hbm4b:s21+s6] =	stream.strided.scatter [tilespmem:s19], [sflag:$0x4], $0x400, s12, s6, $0x38;
	[tilespmem:$0x18000] =	vst v63  }
0x59: {  	s17 =	simm.s32 $0x1400;
	s18 =	sadd.s32 $0x140, s20  }
0x5a: {  	[hbm4b:s18+s6] =	stream.strided.scatter [tilespmem:s17], [sflag:$0x4], $0x400, s12, s6, $0x38;
	[tilespmem:$0x18000] =	vst v63  }
0x5b: {  	s16 =	simm.s32 $0x8000;
	s19 =	simm.s32 $0x1800;
	s21 =	sadd.s32 $0x180, s20  }
0x5c: {  	[hbm4b:s21+s6] =	stream.strided.scatter [tilespmem:s19], [sflag:$0x4], $0x400, s12, s6, $0x38;
	[tilespmem:$0x18000] =	vst v63  }
0x5d: {  	s18 =	simm.s32 $0x1C00;
	s17 =	sadd.s32 $0x1000, s20;
	s19 =	sadd.s32 $0x1C0, s20  }
.LBB2_4:
0x5e: {  	[hbm4b:s19+s6] =	stream.strided.scatter [tilespmem:s18], [sflag:$0x4], $0x400, s12, s6, $0x38;
	[tilespmem:$0x18000] =	vst v63  }
0x5f: {  	s18 =	sshra.s32 s16, $0x2;
	p0 =	sne.s32 s16, $0x18000;
	s16 =	sadd.s32 $0x8000, s16  }
0x60: {  	[hbm4b:s17+s6] =	stream.strided.scatter [tilespmem:s18], [sflag:$0x4], $0x400, s12, s6, $0x38;
	[tilespmem:$0x18000] =	vst v63  }
0x61: {  	s20 =	sadd.s32 $0x40, s17;
	s19 =	sadd.s32 $0x400, s18  }
0x62: {  	[hbm4b:s20+s6] =	stream.strided.scatter [tilespmem:s19], [sflag:$0x4], $0x400, s12, s6, $0x38;
	[tilespmem:$0x18000] =	vst v63  }
0x63: {  	s19 =	sadd.s32 $0x800, s18;
	s20 =	sadd.s32 $0x80, s17  }
0x64: {  	[hbm4b:s20+s6] =	stream.strided.scatter [tilespmem:s19], [sflag:$0x4], $0x400, s12, s6, $0x38;
	[tilespmem:$0x18000] =	vst v63  }
0x65: {  	s19 =	sadd.s32 $0xC00, s18;
	s20 =	sadd.s32 $0xC0, s17  }
0x66: {  	[hbm4b:s20+s6] =	stream.strided.scatter [tilespmem:s19], [sflag:$0x4], $0x400, s12, s6, $0x38;
	[tilespmem:$0x18000] =	vst v63  }
0x67: {  	s19 =	sadd.s32 $0x1000, s18;
	s20 =	sadd.s32 $0x100, s17  }
0x68: {  	[hbm4b:s20+s6] =	stream.strided.scatter [tilespmem:s19], [sflag:$0x4], $0x400, s12, s6, $0x38;
	[tilespmem:$0x18000] =	vst v63  }
.Ltmp1:
0x69: {  	s19 =	sadd.s32 $0x1400, s18;
	s20 =	sadd.s32 $0x140, s17;
	(pc) =	sbr.rel @p0 .LBB2_4-.Ltmp1, $4  }
0x6a: {  	[hbm4b:s20+s6] =	stream.strided.scatter [tilespmem:s19], [sflag:$0x4], $0x400, s12, s6, $0x38;
	[tilespmem:$0x18000] =	vst v63  }
0x6b: {  	s19 =	sadd.s32 $0x1800, s18;
	s20 =	sadd.s32 $0x180, s17  }
0x6c: {  	[hbm4b:s20+s6] =	stream.strided.scatter [tilespmem:s19], [sflag:$0x4], $0x400, s12, s6, $0x38;
	[tilespmem:$0x18000] =	vst v63  }
0x6d: {  	s18 =	sadd.s32 $0x1C00, s18;
	s19 =	sadd.s32 $0x1C0, s17;
	s17 =	sadd.s32 $0x1000, s17  }
0x6e: {  	[hbm4b:s19+s6] =	stream.strided.scatter [tilespmem:s18], [sflag:$0x4], $0x400, s12, s6, $0x38;
	[tilespmem:$0x18000] =	vst v63  }
0x6f: {  	s16 =	simm.s32 $0x0;
	s20 =	rddreg [dreg:$0xd]  }
0x70: {  	[hbm4b:s20+s6] =	stream.strided.scatter [tilespmem:s16], [sflag:$0x4], $0x400, s12, s6, $0x38;
	[tilespmem:$0x18000] =	vst v63  }
0x71: {  	s18 =	simm.s32 $0x400;
	s17 =	sadd.s32 $0x40, s20  }
0x72: {  	[hbm4b:s17+s6] =	stream.strided.scatter [tilespmem:s18], [sflag:$0x4], $0x400, s12, s6, $0x38;
	[tilespmem:$0x18000] =	vst v63  }
0x73: {  	s19 =	simm.s32 $0x800;
	s21 =	sadd.s32 $0x80, s20  }
0x74: {  	[hbm4b:s21+s6] =	stream.strided.scatter [tilespmem:s19], [sflag:$0x4], $0x400, s12, s6, $0x38;
	[tilespmem:$0x18000] =	vst v63  }
0x75: {  	s17 =	simm.s32 $0xC00;
	s18 =	sadd.s32 $0xC0, s20  }
0x76: {  	[hbm4b:s18+s6] =	stream.strided.scatter [tilespmem:s17], [sflag:$0x4], $0x400, s12, s6, $0x38;
	[tilespmem:$0x18000] =	vst v63  }
0x77: {  	s19 =	simm.s32 $0x1000;
	s21 =	sadd.s32 $0x100, s20  }
0x78: {  	[hbm4b:s21+s6] =	stream.strided.scatter [tilespmem:s19], [sflag:$0x4], $0x400, s12, s6, $0x38;
	[tilespmem:$0x18000] =	vst v63  }
0x79: {  	s17 =	simm.s32 $0x1400;
	s18 =	sadd.s32 $0x140, s20  }
0x7a: {  	[hbm4b:s18+s6] =	stream.strided.scatter [tilespmem:s17], [sflag:$0x4], $0x400, s12, s6, $0x38;
	[tilespmem:$0x18000] =	vst v63  }
0x7b: {  	s16 =	simm.s32 $0x8000;
	s19 =	simm.s32 $0x1800;
	s21 =	sadd.s32 $0x180, s20  }
0x7c: {  	[hbm4b:s21+s6] =	stream.strided.scatter [tilespmem:s19], [sflag:$0x4], $0x400, s12, s6, $0x38;
	[tilespmem:$0x18000] =	vst v63  }
0x7d: {  	s18 =	simm.s32 $0x1C00;
	s17 =	sadd.s32 $0x1000, s20;
	s19 =	sadd.s32 $0x1C0, s20  }
.LBB2_6:
0x7e: {  	[hbm4b:s19+s6] =	stream.strided.scatter [tilespmem:s18], [sflag:$0x4], $0x400, s12, s6, $0x38;
	[tilespmem:$0x18000] =	vst v63  }
0x7f: {  	s18 =	sshra.s32 s16, $0x2;
	p0 =	sne.s32 s16, $0x18000;
	s16 =	sadd.s32 $0x8000, s16  }
0x80: {  	[hbm4b:s17+s6] =	stream.strided.scatter [tilespmem:s18], [sflag:$0x4], $0x400, s12, s6, $0x38;
	[tilespmem:$0x18000] =	vst v63  }
0x81: {  	s20 =	sadd.s32 $0x40, s17;
	s19 =	sadd.s32 $0x400, s18  }
0x82: {  	[hbm4b:s20+s6] =	stream.strided.scatter [tilespmem:s19], [sflag:$0x4], $0x400, s12, s6, $0x38;
	[tilespmem:$0x18000] =	vst v63  }
0x83: {  	s19 =	sadd.s32 $0x800, s18;
	s20 =	sadd.s32 $0x80, s17  }
0x84: {  	[hbm4b:s20+s6] =	stream.strided.scatter [tilespmem:s19], [sflag:$0x4], $0x400, s12, s6, $0x38;
	[tilespmem:$0x18000] =	vst v63  }
0x85: {  	s19 =	sadd.s32 $0xC00, s18;
	s20 =	sadd.s32 $0xC0, s17  }
0x86: {  	[hbm4b:s20+s6] =	stream.strided.scatter [tilespmem:s19], [sflag:$0x4], $0x400, s12, s6, $0x38;
	[tilespmem:$0x18000] =	vst v63  }
0x87: {  	s19 =	sadd.s32 $0x1000, s18;
	s20 =	sadd.s32 $0x100, s17  }
0x88: {  	[hbm4b:s20+s6] =	stream.strided.scatter [tilespmem:s19], [sflag:$0x4], $0x400, s12, s6, $0x38;
	[tilespmem:$0x18000] =	vst v63  }
.Ltmp2:
0x89: {  	s19 =	sadd.s32 $0x1400, s18;
	s20 =	sadd.s32 $0x140, s17;
	(pc) =	sbr.rel @p0 .LBB2_6-.Ltmp2, $4  }
0x8a: {  	[hbm4b:s20+s6] =	stream.strided.scatter [tilespmem:s19], [sflag:$0x4], $0x400, s12, s6, $0x38;
	[tilespmem:$0x18000] =	vst v63  }
0x8b: {  	s19 =	sadd.s32 $0x1800, s18;
	s20 =	sadd.s32 $0x180, s17  }
0x8c: {  	[hbm4b:s20+s6] =	stream.strided.scatter [tilespmem:s19], [sflag:$0x4], $0x400, s12, s6, $0x38;
	[tilespmem:$0x18000] =	vst v63  }
0x8d: {  	s18 =	sadd.s32 $0x1C00, s18;
	s19 =	sadd.s32 $0x1C0, s17;
	s17 =	sadd.s32 $0x1000, s17  }
0x8e: {  	[hbm4b:s19+s6] =	stream.strided.scatter [tilespmem:s18], [sflag:$0x4], $0x400, s12, s6, $0x38;
	[tilespmem:$0x18000] =	vst v63  }
0x8f: {  	s16 =	simm.s32 $0x0;
	s20 =	rddreg [dreg:$0xe]  }
0x90: {  	[hbm4b:s20+s6] =	stream.strided.scatter [tilespmem:s16], [sflag:$0x4], $0x400, s12, s6, $0x38;
	[tilespmem:$0x18000] =	vst v63  }
0x91: {  	s18 =	simm.s32 $0x400;
	s17 =	sadd.s32 $0x40, s20  }
0x92: {  	[hbm4b:s17+s6] =	stream.strided.scatter [tilespmem:s18], [sflag:$0x4], $0x400, s12, s6, $0x38;
	[tilespmem:$0x18000] =	vst v63  }
0x93: {  	s19 =	simm.s32 $0x800;
	s21 =	sadd.s32 $0x80, s20  }
0x94: {  	[hbm4b:s21+s6] =	stream.strided.scatter [tilespmem:s19], [sflag:$0x4], $0x400, s12, s6, $0x38;
	[tilespmem:$0x18000] =	vst v63  }
0x95: {  	s17 =	simm.s32 $0xC00;
	s18 =	sadd.s32 $0xC0, s20  }
0x96: {  	[hbm4b:s18+s6] =	stream.strided.scatter [tilespmem:s17], [sflag:$0x4], $0x400, s12, s6, $0x38;
	[tilespmem:$0x18000] =	vst v63  }
0x97: {  	s19 =	simm.s32 $0x1000;
	s21 =	sadd.s32 $0x100, s20  }
0x98: {  	[hbm4b:s21+s6] =	stream.strided.scatter [tilespmem:s19], [sflag:$0x4], $0x400, s12, s6, $0x38;
	[tilespmem:$0x18000] =	vst v63  }
0x99: {  	s17 =	simm.s32 $0x1400;
	s18 =	sadd.s32 $0x140, s20  }
0x9a: {  	[hbm4b:s18+s6] =	stream.strided.scatter [tilespmem:s17], [sflag:$0x4], $0x400, s12, s6, $0x38;
	[tilespmem:$0x18000] =	vst v63  }
0x9b: {  	s16 =	simm.s32 $0x8000;
	s19 =	simm.s32 $0x1800;
	s21 =	sadd.s32 $0x180, s20  }
0x9c: {  	[hbm4b:s21+s6] =	stream.strided.scatter [tilespmem:s19], [sflag:$0x4], $0x400, s12, s6, $0x38;
	[tilespmem:$0x18000] =	vst v63  }
0x9d: {  	s18 =	simm.s32 $0x1C00;
	s17 =	sadd.s32 $0x1000, s20;
	s19 =	sadd.s32 $0x1C0, s20  }
.LBB2_8:
0x9e: {  	[hbm4b:s19+s6] =	stream.strided.scatter [tilespmem:s18], [sflag:$0x4], $0x400, s12, s6, $0x38;
	[tilespmem:$0x18000] =	vst v63  }
0x9f: {  	s18 =	sshra.s32 s16, $0x2;
	p0 =	sne.s32 s16, $0x18000;
	s16 =	sadd.s32 $0x8000, s16  }
0xa0: {  	[hbm4b:s17+s6] =	stream.strided.scatter [tilespmem:s18], [sflag:$0x4], $0x400, s12, s6, $0x38;
	[tilespmem:$0x18000] =	vst v63  }
0xa1: {  	s20 =	sadd.s32 $0x40, s17;
	s19 =	sadd.s32 $0x400, s18  }
0xa2: {  	[hbm4b:s20+s6] =	stream.strided.scatter [tilespmem:s19], [sflag:$0x4], $0x400, s12, s6, $0x38;
	[tilespmem:$0x18000] =	vst v63  }
0xa3: {  	s19 =	sadd.s32 $0x800, s18;
	s20 =	sadd.s32 $0x80, s17  }
0xa4: {  	[hbm4b:s20+s6] =	stream.strided.scatter [tilespmem:s19], [sflag:$0x4], $0x400, s12, s6, $0x38;
	[tilespmem:$0x18000] =	vst v63  }
0xa5: {  	s19 =	sadd.s32 $0xC00, s18;
	s20 =	sadd.s32 $0xC0, s17  }
0xa6: {  	[hbm4b:s20+s6] =	stream.strided.scatter [tilespmem:s19], [sflag:$0x4], $0x400, s12, s6, $0x38;
	[tilespmem:$0x18000] =	vst v63  }
0xa7: {  	s19 =	sadd.s32 $0x1000, s18;
	s20 =	sadd.s32 $0x100, s17  }
0xa8: {  	[hbm4b:s20+s6] =	stream.strided.scatter [tilespmem:s19], [sflag:$0x4], $0x400, s12, s6, $0x38;
	[tilespmem:$0x18000] =	vst v63  }
.Ltmp3:
0xa9: {  	s19 =	sadd.s32 $0x1400, s18;
	s20 =	sadd.s32 $0x140, s17;
	(pc) =	sbr.rel @p0 .LBB2_8-.Ltmp3, $4  }
0xaa: {  	[hbm4b:s20+s6] =	stream.strided.scatter [tilespmem:s19], [sflag:$0x4], $0x400, s12, s6, $0x38;
	[tilespmem:$0x18000] =	vst v63  }
0xab: {  	s19 =	sadd.s32 $0x1800, s18;
	s20 =	sadd.s32 $0x180, s17  }
0xac: {  	[hbm4b:s20+s6] =	stream.strided.scatter [tilespmem:s19], [sflag:$0x4], $0x400, s12, s6, $0x38;
	[tilespmem:$0x18000] =	vst v63  }
0xad: {  	s18 =	sadd.s32 $0x1C00, s18;
	s19 =	sadd.s32 $0x1C0, s17;
	s17 =	sadd.s32 $0x1000, s17  }
0xae: {  	[hbm4b:s19+s6] =	stream.strided.scatter [tilespmem:s18], [sflag:$0x4], $0x400, s12, s6, $0x38;
	[tilespmem:$0x18000] =	vst v63  }
0xaf: {  	_ =	swait.ge [sflag:s13], $0x8000  }
0xb0: {  	[sflag:s13] =	ssyncset.done $0x0  }
0xb1: {  	[sflag:s13] =	ssyncadd.s32 $0xFFFF8000  }
0xb2: {  	_ =	swait.ge [sflag:s13], $0x8000  }
0xb3: {  	[sflag:s13] =	ssyncset.done $0x0  }
0xb4: {  	[sflag:s13] =	ssyncadd.s32 $0xFFFF8000  }
0xb5: {  	_ =	swait.ge [sflag:s13], $0x8000  }
0xb6: {  	[sflag:s13] =	ssyncset.done $0x0  }
0xb7: {  	[sflag:s13] =	ssyncadd.s32 $0xFFFF8000  }
0xb8: {  	_ =	swait.ge [sflag:s13], $0x8000  }
0xb9: {  	s16 =	simm.s32 $0x0;
	[sflag:s13] =	ssyncset.done $0x0  }
0xba: {  	s19 =	simm.s32 $0x2;
	s17 =	rddreg [dreg:$0x8];
	[sflag:s13] =	ssyncadd.s32 $0xFFFF8000  }
0xbb: {  	[tilespmem:s16], [sflag:$0x1] =	stream.linear.gather [hbm4b:s17+s16], $0x8000, $0x38;
	[tilespmem:$0x18000] =	vst v63  }
0xbc: {  	_ =	swait.ge [sflag:s19], $0x8000  }
0xbd: {  	[sflag:s19] =	ssyncset.done $0x0  }
0xbe: {  	s20 =	simm.s32 $0x8000;
	s21 =	rddreg [dreg:$0xf];
	[sflag:s19] =	ssyncadd.s32 $0xFFFF8000  }
0xbf: {  	[hbm4b:s21+s6] =	stream.strided.scatter [tilespmem:s20], [sflag:$0x5], $0x400, s12, s6, $0x38;
	[tilespmem:$0x18000] =	vst v63  }
0xc0: {  	s17 =	simm.s32 $0x8400;
	s18 =	sadd.s32 $0x40, s21  }
0xc1: {  	[hbm4b:s18+s6] =	stream.strided.scatter [tilespmem:s17], [sflag:$0x5], $0x400, s12, s6, $0x38;
	[tilespmem:$0x18000] =	vst v63  }
0xc2: {  	s19 =	simm.s32 $0x8800;
	s20 =	sadd.s32 $0x80, s21  }
0xc3: {  	[hbm4b:s20+s6] =	stream.strided.scatter [tilespmem:s19], [sflag:$0x5], $0x400, s12, s6, $0x38;
	[tilespmem:$0x18000] =	vst v63  }
0xc4: {  	s17 =	simm.s32 $0x8C00;
	s18 =	sadd.s32 $0xC0, s21  }
0xc5: {  	[hbm4b:s18+s6] =	stream.strided.scatter [tilespmem:s17], [sflag:$0x5], $0x400, s12, s6, $0x38;
	[tilespmem:$0x18000] =	vst v63  }
0xc6: {  	s19 =	simm.s32 $0x9000;
	s20 =	sadd.s32 $0x100, s21  }
0xc7: {  	[hbm4b:s20+s6] =	stream.strided.scatter [tilespmem:s19], [sflag:$0x5], $0x400, s12, s6, $0x38;
	[tilespmem:$0x18000] =	vst v63  }
0xc8: {  	s16 =	simm.s32 $0x2000;
	s17 =	simm.s32 $0x9400;
	s18 =	sadd.s32 $0x140, s21  }
0xc9: {  	[hbm4b:s18+s6] =	stream.strided.scatter [tilespmem:s17], [sflag:$0x5], $0x400, s12, s6, $0x38;
	[tilespmem:$0x18000] =	vst v63  }
0xca: {  	s19 =	simm.s32 $0x9800;
	s20 =	sadd.s32 $0x180, s21;
	s18 =	simm.s32 $0x10000  }
0xcb: {  	[hbm4b:s20+s6] =	stream.strided.scatter [tilespmem:s19], [sflag:$0x5], $0x400, s12, s6, $0x38;
	[tilespmem:$0x18000] =	vst v63  }
0xcc: {  	s17 =	sadd.s32 $0x1000, s21;
	s19 =	simm.s32 $0x9C00;
	s20 =	sadd.s32 $0x1C0, s21  }
.LBB2_10:
0xcd: {  	[hbm4b:s20+s6] =	stream.strided.scatter [tilespmem:s19], [sflag:$0x5], $0x400, s12, s6, $0x38;
	[tilespmem:$0x18000] =	vst v63  }
0xce: {  	s19 =	smov.u32 s16;
	s16 =	smov.u32 s18  }
0xcf: {  	s21 =	sadd.s32 $0x8000, s18;
	s16 =	sshra.s32 s16, $0x2;
	s20 =	sadd.s32 $0x8000, s19  }
0xd0: {  	[hbm4b:s17+s6] =	stream.strided.scatter [tilespmem:s20], [sflag:$0x5], $0x400, s12, s6, $0x38;
	[tilespmem:$0x18000] =	vst v63  }
0xd1: {  	p0 =	sne.s32 s18, $0x18000;
	s18 =	sadd.s32 $0x8400, s19;
	s20 =	sadd.s32 $0x40, s17  }
0xd2: {  	[hbm4b:s20+s6] =	stream.strided.scatter [tilespmem:s18], [sflag:$0x5], $0x400, s12, s6, $0x38;
	[tilespmem:$0x18000] =	vst v63  }
0xd3: {  	s18 =	sadd.s32 $0x8800, s19;
	s20 =	sadd.s32 $0x80, s17  }
0xd4: {  	[hbm4b:s20+s6] =	stream.strided.scatter [tilespmem:s18], [sflag:$0x5], $0x400, s12, s6, $0x38;
	[tilespmem:$0x18000] =	vst v63  }
0xd5: {  	s18 =	sadd.s32 $0x8C00, s19;
	s20 =	sadd.s32 $0xC0, s17  }
0xd6: {  	[hbm4b:s20+s6] =	stream.strided.scatter [tilespmem:s18], [sflag:$0x5], $0x400, s12, s6, $0x38;
	[tilespmem:$0x18000] =	vst v63  }
0xd7: {  	s18 =	sadd.s32 $0x9000, s19;
	s20 =	sadd.s32 $0x100, s17  }
0xd8: {  	[hbm4b:s20+s6] =	stream.strided.scatter [tilespmem:s18], [sflag:$0x5], $0x400, s12, s6, $0x38;
	[tilespmem:$0x18000] =	vst v63  }
.Ltmp4:
0xd9: {  	s18 =	sadd.s32 $0x9400, s19;
	s20 =	sadd.s32 $0x140, s17;
	(pc) =	sbr.rel @p0 .LBB2_10-.Ltmp4, $4  }
0xda: {  	[hbm4b:s20+s6] =	stream.strided.scatter [tilespmem:s18], [sflag:$0x5], $0x400, s12, s6, $0x38;
	[tilespmem:$0x18000] =	vst v63  }
0xdb: {  	s18 =	sadd.s32 $0x9800, s19;
	s20 =	sadd.s32 $0x180, s17;
	s19 =	sadd.s32 $0x9C00, s19  }
0xdc: {  	[hbm4b:s20+s6] =	stream.strided.scatter [tilespmem:s18], [sflag:$0x5], $0x400, s12, s6, $0x38;
	[tilespmem:$0x18000] =	vst v63  }
0xdd: {  	s20 =	sadd.s32 $0x1C0, s17;
	s17 =	sadd.s32 $0x1000, s17;
	s18 =	smov.u32 s21  }
0xde: {  	[hbm4b:s20+s6] =	stream.strided.scatter [tilespmem:s19], [sflag:$0x5], $0x400, s12, s6, $0x38;
	[tilespmem:$0x18000] =	vst v63  }
0xdf: {  	s18 =	sadd.s32 $0x8000, s16  }
0xe0: {  	[hbm4b:s17+s6] =	stream.strided.scatter [tilespmem:s18], [sflag:$0x5], $0x400, s12, s6, $0x38;
	[tilespmem:$0x18000] =	vst v63  }
0xe1: {  	s20 =	sadd.s32 $0x8400, s16;
	s21 =	sadd.s32 $0x40, s17  }
0xe2: {  	[hbm4b:s21+s6] =	stream.strided.scatter [tilespmem:s20], [sflag:$0x5], $0x400, s12, s6, $0x38;
	[tilespmem:$0x18000] =	vst v63  }
0xe3: {  	s20 =	sadd.s32 $0x8800, s16;
	s21 =	sadd.s32 $0x80, s17  }
0xe4: {  	[hbm4b:s21+s6] =	stream.strided.scatter [tilespmem:s20], [sflag:$0x5], $0x400, s12, s6, $0x38;
	[tilespmem:$0x18000] =	vst v63  }
0xe5: {  	s20 =	sadd.s32 $0x8C00, s16;
	s21 =	sadd.s32 $0xC0, s17  }
0xe6: {  	[hbm4b:s21+s6] =	stream.strided.scatter [tilespmem:s20], [sflag:$0x5], $0x400, s12, s6, $0x38;
	[tilespmem:$0x18000] =	vst v63  }
0xe7: {  	s20 =	sadd.s32 $0x9000, s16;
	s21 =	sadd.s32 $0x100, s17  }
0xe8: {  	[hbm4b:s21+s6] =	stream.strided.scatter [tilespmem:s20], [sflag:$0x5], $0x400, s12, s6, $0x38;
	[tilespmem:$0x18000] =	vst v63  }
0xe9: {  	s20 =	sadd.s32 $0x9400, s16;
	s21 =	sadd.s32 $0x140, s17  }
0xea: {  	[hbm4b:s21+s6] =	stream.strided.scatter [tilespmem:s20], [sflag:$0x5], $0x400, s12, s6, $0x38;
	[tilespmem:$0x18000] =	vst v63  }
0xeb: {  	s20 =	sadd.s32 $0x9800, s16;
	s21 =	sadd.s32 $0x180, s17  }
0xec: {  	[hbm4b:s21+s6] =	stream.strided.scatter [tilespmem:s20], [sflag:$0x5], $0x400, s12, s6, $0x38;
	[tilespmem:$0x18000] =	vst v63  }
0xed: {  	s19 =	sadd.s32 $0x1C0, s17;
	s18 =	sadd.s32 $0x9C00, s16  }
0xee: {  	[hbm4b:s19+s6] =	stream.strided.scatter [tilespmem:s18], [sflag:$0x5], $0x400, s12, s6, $0x38;
	[tilespmem:$0x18000] =	vst v63  }
0xef: {  	s20 =	simm.s32 $0x8000;
	s21 =	rddreg [dreg:$0x10]  }
0xf0: {  	[hbm4b:s21+s6] =	stream.strided.scatter [tilespmem:s20], [sflag:$0x5], $0x400, s12, s6, $0x38;
	[tilespmem:$0x18000] =	vst v63  }
0xf1: {  	s17 =	simm.s32 $0x8400;
	s18 =	sadd.s32 $0x40, s21  }
0xf2: {  	[hbm4b:s18+s6] =	stream.strided.scatter [tilespmem:s17], [sflag:$0x5], $0x400, s12, s6, $0x38;
	[tilespmem:$0x18000] =	vst v63  }
0xf3: {  	s19 =	simm.s32 $0x8800;
	s20 =	sadd.s32 $0x80, s21  }
0xf4: {  	[hbm4b:s20+s6] =	stream.strided.scatter [tilespmem:s19], [sflag:$0x5], $0x400, s12, s6, $0x38;
	[tilespmem:$0x18000] =	vst v63  }
0xf5: {  	s17 =	simm.s32 $0x8C00;
	s18 =	sadd.s32 $0xC0, s21  }
0xf6: {  	[hbm4b:s18+s6] =	stream.strided.scatter [tilespmem:s17], [sflag:$0x5], $0x400, s12, s6, $0x38;
	[tilespmem:$0x18000] =	vst v63  }
0xf7: {  	s19 =	simm.s32 $0x9000;
	s20 =	sadd.s32 $0x100, s21  }
0xf8: {  	[hbm4b:s20+s6] =	stream.strided.scatter [tilespmem:s19], [sflag:$0x5], $0x400, s12, s6, $0x38;
	[tilespmem:$0x18000] =	vst v63  }
0xf9: {  	s16 =	simm.s32 $0x2000;
	s17 =	simm.s32 $0x9400;
	s18 =	sadd.s32 $0x140, s21  }
0xfa: {  	[hbm4b:s18+s6] =	stream.strided.scatter [tilespmem:s17], [sflag:$0x5], $0x400, s12, s6, $0x38;
	[tilespmem:$0x18000] =	vst v63  }
0xfb: {  	s19 =	simm.s32 $0x9800;
	s20 =	sadd.s32 $0x180, s21;
	s18 =	simm.s32 $0x10000  }
0xfc: {  	[hbm4b:s20+s6] =	stream.strided.scatter [tilespmem:s19], [sflag:$0x5], $0x400, s12, s6, $0x38;
	[tilespmem:$0x18000] =	vst v63  }
0xfd: {  	s17 =	sadd.s32 $0x1000, s21;
	s19 =	simm.s32 $0x9C00;
	s20 =	sadd.s32 $0x1C0, s21  }
.LBB2_12:
0xfe: {  	[hbm4b:s20+s6] =	stream.strided.scatter [tilespmem:s19], [sflag:$0x5], $0x400, s12, s6, $0x38;
	[tilespmem:$0x18000] =	vst v63  }
0xff: {  	s19 =	smov.u32 s16;
	s16 =	smov.u32 s18  }
0x100: {  	s21 =	sadd.s32 $0x8000, s18;
	s16 =	sshra.s32 s16, $0x2;
	s20 =	sadd.s32 $0x8000, s19  }
0x101: {  	[hbm4b:s17+s6] =	stream.strided.scatter [tilespmem:s20], [sflag:$0x5], $0x400, s12, s6, $0x38;
	[tilespmem:$0x18000] =	vst v63  }
0x102: {  	p0 =	sne.s32 s18, $0x18000;
	s18 =	sadd.s32 $0x8400, s19;
	s20 =	sadd.s32 $0x40, s17  }
0x103: {  	[hbm4b:s20+s6] =	stream.strided.scatter [tilespmem:s18], [sflag:$0x5], $0x400, s12, s6, $0x38;
	[tilespmem:$0x18000] =	vst v63  }
0x104: {  	s18 =	sadd.s32 $0x8800, s19;
	s20 =	sadd.s32 $0x80, s17  }
0x105: {  	[hbm4b:s20+s6] =	stream.strided.scatter [tilespmem:s18], [sflag:$0x5], $0x400, s12, s6, $0x38;
	[tilespmem:$0x18000] =	vst v63  }
0x106: {  	s18 =	sadd.s32 $0x8C00, s19;
	s20 =	sadd.s32 $0xC0, s17  }
0x107: {  	[hbm4b:s20+s6] =	stream.strided.scatter [tilespmem:s18], [sflag:$0x5], $0x400, s12, s6, $0x38;
	[tilespmem:$0x18000] =	vst v63  }
0x108: {  	s18 =	sadd.s32 $0x9000, s19;
	s20 =	sadd.s32 $0x100, s17  }
0x109: {  	[hbm4b:s20+s6] =	stream.strided.scatter [tilespmem:s18], [sflag:$0x5], $0x400, s12, s6, $0x38;
	[tilespmem:$0x18000] =	vst v63  }
.Ltmp5:
0x10a: {  	s18 =	sadd.s32 $0x9400, s19;
	s20 =	sadd.s32 $0x140, s17;
	(pc) =	sbr.rel @p0 .LBB2_12-.Ltmp5, $4  }
0x10b: {  	[hbm4b:s20+s6] =	stream.strided.scatter [tilespmem:s18], [sflag:$0x5], $0x400, s12, s6, $0x38;
	[tilespmem:$0x18000] =	vst v63  }
0x10c: {  	s18 =	sadd.s32 $0x9800, s19;
	s20 =	sadd.s32 $0x180, s17;
	s19 =	sadd.s32 $0x9C00, s19  }
0x10d: {  	[hbm4b:s20+s6] =	stream.strided.scatter [tilespmem:s18], [sflag:$0x5], $0x400, s12, s6, $0x38;
	[tilespmem:$0x18000] =	vst v63  }
0x10e: {  	s20 =	sadd.s32 $0x1C0, s17;
	s17 =	sadd.s32 $0x1000, s17;
	s18 =	smov.u32 s21  }
0x10f: {  	[hbm4b:s20+s6] =	stream.strided.scatter [tilespmem:s19], [sflag:$0x5], $0x400, s12, s6, $0x38;
	[tilespmem:$0x18000] =	vst v63  }
0x110: {  	s18 =	sadd.s32 $0x8000, s16  }
0x111: {  	[hbm4b:s17+s6] =	stream.strided.scatter [tilespmem:s18], [sflag:$0x5], $0x400, s12, s6, $0x38;
	[tilespmem:$0x18000] =	vst v63  }
0x112: {  	s20 =	sadd.s32 $0x8400, s16;
	s21 =	sadd.s32 $0x40, s17  }
0x113: {  	[hbm4b:s21+s6] =	stream.strided.scatter [tilespmem:s20], [sflag:$0x5], $0x400, s12, s6, $0x38;
	[tilespmem:$0x18000] =	vst v63  }
0x114: {  	s20 =	sadd.s32 $0x8800, s16;
	s21 =	sadd.s32 $0x80, s17  }
0x115: {  	[hbm4b:s21+s6] =	stream.strided.scatter [tilespmem:s20], [sflag:$0x5], $0x400, s12, s6, $0x38;
	[tilespmem:$0x18000] =	vst v63  }
0x116: {  	s20 =	sadd.s32 $0x8C00, s16;
	s21 =	sadd.s32 $0xC0, s17  }
0x117: {  	[hbm4b:s21+s6] =	stream.strided.scatter [tilespmem:s20], [sflag:$0x5], $0x400, s12, s6, $0x38;
	[tilespmem:$0x18000] =	vst v63  }
0x118: {  	s20 =	sadd.s32 $0x9000, s16;
	s21 =	sadd.s32 $0x100, s17  }
0x119: {  	[hbm4b:s21+s6] =	stream.strided.scatter [tilespmem:s20], [sflag:$0x5], $0x400, s12, s6, $0x38;
	[tilespmem:$0x18000] =	vst v63  }
0x11a: {  	s20 =	sadd.s32 $0x9400, s16;
	s21 =	sadd.s32 $0x140, s17  }
0x11b: {  	[hbm4b:s21+s6] =	stream.strided.scatter [tilespmem:s20], [sflag:$0x5], $0x400, s12, s6, $0x38;
	[tilespmem:$0x18000] =	vst v63  }
0x11c: {  	s20 =	sadd.s32 $0x9800, s16;
	s21 =	sadd.s32 $0x180, s17  }
0x11d: {  	[hbm4b:s21+s6] =	stream.strided.scatter [tilespmem:s20], [sflag:$0x5], $0x400, s12, s6, $0x38;
	[tilespmem:$0x18000] =	vst v63  }
0x11e: {  	s19 =	sadd.s32 $0x1C0, s17;
	s18 =	sadd.s32 $0x9C00, s16  }
0x11f: {  	[hbm4b:s19+s6] =	stream.strided.scatter [tilespmem:s18], [sflag:$0x5], $0x400, s12, s6, $0x38;
	[tilespmem:$0x18000] =	vst v63  }
0x120: {  	s20 =	simm.s32 $0x8000;
	s21 =	rddreg [dreg:$0x11]  }
0x121: {  	[hbm4b:s21+s6] =	stream.strided.scatter [tilespmem:s20], [sflag:$0x5], $0x400, s12, s6, $0x38;
	[tilespmem:$0x18000] =	vst v63  }
0x122: {  	s17 =	simm.s32 $0x8400;
	s18 =	sadd.s32 $0x40, s21  }
0x123: {  	[hbm4b:s18+s6] =	stream.strided.scatter [tilespmem:s17], [sflag:$0x5], $0x400, s12, s6, $0x38;
	[tilespmem:$0x18000] =	vst v63  }
0x124: {  	s19 =	simm.s32 $0x8800;
	s20 =	sadd.s32 $0x80, s21  }
0x125: {  	[hbm4b:s20+s6] =	stream.strided.scatter [tilespmem:s19], [sflag:$0x5], $0x400, s12, s6, $0x38;
	[tilespmem:$0x18000] =	vst v63  }
0x126: {  	s17 =	simm.s32 $0x8C00;
	s18 =	sadd.s32 $0xC0, s21  }
0x127: {  	[hbm4b:s18+s6] =	stream.strided.scatter [tilespmem:s17], [sflag:$0x5], $0x400, s12, s6, $0x38;
	[tilespmem:$0x18000] =	vst v63  }
0x128: {  	s19 =	simm.s32 $0x9000;
	s20 =	sadd.s32 $0x100, s21  }
0x129: {  	[hbm4b:s20+s6] =	stream.strided.scatter [tilespmem:s19], [sflag:$0x5], $0x400, s12, s6, $0x38;
	[tilespmem:$0x18000] =	vst v63  }
0x12a: {  	s16 =	simm.s32 $0x2000;
	s17 =	simm.s32 $0x9400;
	s18 =	sadd.s32 $0x140, s21  }
0x12b: {  	[hbm4b:s18+s6] =	stream.strided.scatter [tilespmem:s17], [sflag:$0x5], $0x400, s12, s6, $0x38;
	[tilespmem:$0x18000] =	vst v63  }
0x12c: {  	s19 =	simm.s32 $0x9800;
	s20 =	sadd.s32 $0x180, s21;
	s18 =	simm.s32 $0x10000  }
0x12d: {  	[hbm4b:s20+s6] =	stream.strided.scatter [tilespmem:s19], [sflag:$0x5], $0x400, s12, s6, $0x38;
	[tilespmem:$0x18000] =	vst v63  }
0x12e: {  	s17 =	sadd.s32 $0x1000, s21;
	s19 =	simm.s32 $0x9C00;
	s20 =	sadd.s32 $0x1C0, s21  }
.LBB2_14:
0x12f: {  	[hbm4b:s20+s6] =	stream.strided.scatter [tilespmem:s19], [sflag:$0x5], $0x400, s12, s6, $0x38;
	[tilespmem:$0x18000] =	vst v63  }
0x130: {  	s19 =	smov.u32 s16;
	s16 =	smov.u32 s18  }
0x131: {  	s21 =	sadd.s32 $0x8000, s18;
	s16 =	sshra.s32 s16, $0x2;
	s20 =	sadd.s32 $0x8000, s19  }
0x132: {  	[hbm4b:s17+s6] =	stream.strided.scatter [tilespmem:s20], [sflag:$0x5], $0x400, s12, s6, $0x38;
	[tilespmem:$0x18000] =	vst v63  }
0x133: {  	p0 =	sne.s32 s18, $0x18000;
	s18 =	sadd.s32 $0x8400, s19;
	s20 =	sadd.s32 $0x40, s17  }
0x134: {  	[hbm4b:s20+s6] =	stream.strided.scatter [tilespmem:s18], [sflag:$0x5], $0x400, s12, s6, $0x38;
	[tilespmem:$0x18000] =	vst v63  }
0x135: {  	s18 =	sadd.s32 $0x8800, s19;
	s20 =	sadd.s32 $0x80, s17  }
0x136: {  	[hbm4b:s20+s6] =	stream.strided.scatter [tilespmem:s18], [sflag:$0x5], $0x400, s12, s6, $0x38;
	[tilespmem:$0x18000] =	vst v63  }
0x137: {  	s18 =	sadd.s32 $0x8C00, s19;
	s20 =	sadd.s32 $0xC0, s17  }
0x138: {  	[hbm4b:s20+s6] =	stream.strided.scatter [tilespmem:s18], [sflag:$0x5], $0x400, s12, s6, $0x38;
	[tilespmem:$0x18000] =	vst v63  }
0x139: {  	s18 =	sadd.s32 $0x9000, s19;
	s20 =	sadd.s32 $0x100, s17  }
0x13a: {  	[hbm4b:s20+s6] =	stream.strided.scatter [tilespmem:s18], [sflag:$0x5], $0x400, s12, s6, $0x38;
	[tilespmem:$0x18000] =	vst v63  }
.Ltmp6:
0x13b: {  	s18 =	sadd.s32 $0x9400, s19;
	s20 =	sadd.s32 $0x140, s17;
	(pc) =	sbr.rel @p0 .LBB2_14-.Ltmp6, $4  }
0x13c: {  	[hbm4b:s20+s6] =	stream.strided.scatter [tilespmem:s18], [sflag:$0x5], $0x400, s12, s6, $0x38;
	[tilespmem:$0x18000] =	vst v63  }
0x13d: {  	s18 =	sadd.s32 $0x9800, s19;
	s20 =	sadd.s32 $0x180, s17;
	s19 =	sadd.s32 $0x9C00, s19  }
0x13e: {  	[hbm4b:s20+s6] =	stream.strided.scatter [tilespmem:s18], [sflag:$0x5], $0x400, s12, s6, $0x38;
	[tilespmem:$0x18000] =	vst v63  }
0x13f: {  	s20 =	sadd.s32 $0x1C0, s17;
	s17 =	sadd.s32 $0x1000, s17;
	s18 =	smov.u32 s21  }
0x140: {  	[hbm4b:s20+s6] =	stream.strided.scatter [tilespmem:s19], [sflag:$0x5], $0x400, s12, s6, $0x38;
	[tilespmem:$0x18000] =	vst v63  }
0x141: {  	s18 =	sadd.s32 $0x8000, s16  }
0x142: {  	[hbm4b:s17+s6] =	stream.strided.scatter [tilespmem:s18], [sflag:$0x5], $0x400, s12, s6, $0x38;
	[tilespmem:$0x18000] =	vst v63  }
0x143: {  	s20 =	sadd.s32 $0x8400, s16;
	s21 =	sadd.s32 $0x40, s17  }
0x144: {  	[hbm4b:s21+s6] =	stream.strided.scatter [tilespmem:s20], [sflag:$0x5], $0x400, s12, s6, $0x38;
	[tilespmem:$0x18000] =	vst v63  }
0x145: {  	s20 =	sadd.s32 $0x8800, s16;
	s21 =	sadd.s32 $0x80, s17  }
0x146: {  	[hbm4b:s21+s6] =	stream.strided.scatter [tilespmem:s20], [sflag:$0x5], $0x400, s12, s6, $0x38;
	[tilespmem:$0x18000] =	vst v63  }
0x147: {  	s20 =	sadd.s32 $0x8C00, s16;
	s21 =	sadd.s32 $0xC0, s17  }
0x148: {  	[hbm4b:s21+s6] =	stream.strided.scatter [tilespmem:s20], [sflag:$0x5], $0x400, s12, s6, $0x38;
	[tilespmem:$0x18000] =	vst v63  }
0x149: {  	s20 =	sadd.s32 $0x9000, s16;
	s21 =	sadd.s32 $0x100, s17  }
0x14a: {  	[hbm4b:s21+s6] =	stream.strided.scatter [tilespmem:s20], [sflag:$0x5], $0x400, s12, s6, $0x38;
	[tilespmem:$0x18000] =	vst v63  }
0x14b: {  	s20 =	sadd.s32 $0x9400, s16;
	s21 =	sadd.s32 $0x140, s17  }
0x14c: {  	[hbm4b:s21+s6] =	stream.strided.scatter [tilespmem:s20], [sflag:$0x5], $0x400, s12, s6, $0x38;
	[tilespmem:$0x18000] =	vst v63  }
0x14d: {  	s20 =	sadd.s32 $0x9800, s16;
	s21 =	sadd.s32 $0x180, s17  }
0x14e: {  	[hbm4b:s21+s6] =	stream.strided.scatter [tilespmem:s20], [sflag:$0x5], $0x400, s12, s6, $0x38;
	[tilespmem:$0x18000] =	vst v63  }
0x14f: {  	s19 =	sadd.s32 $0x1C0, s17;
	s18 =	sadd.s32 $0x9C00, s16  }
0x150: {  	[hbm4b:s19+s6] =	stream.strided.scatter [tilespmem:s18], [sflag:$0x5], $0x400, s12, s6, $0x38;
	[tilespmem:$0x18000] =	vst v63  }
0x151: {  	s20 =	simm.s32 $0x8000;
	s21 =	rddreg [dreg:$0x12]  }
0x152: {  	[hbm4b:s21+s6] =	stream.strided.scatter [tilespmem:s20], [sflag:$0x5], $0x400, s12, s6, $0x38;
	[tilespmem:$0x18000] =	vst v63  }
0x153: {  	s17 =	simm.s32 $0x8400;
	s18 =	sadd.s32 $0x40, s21  }
0x154: {  	[hbm4b:s18+s6] =	stream.strided.scatter [tilespmem:s17], [sflag:$0x5], $0x400, s12, s6, $0x38;
	[tilespmem:$0x18000] =	vst v63  }
0x155: {  	s19 =	simm.s32 $0x8800;
	s20 =	sadd.s32 $0x80, s21  }
0x156: {  	[hbm4b:s20+s6] =	stream.strided.scatter [tilespmem:s19], [sflag:$0x5], $0x400, s12, s6, $0x38;
	[tilespmem:$0x18000] =	vst v63  }
0x157: {  	s17 =	simm.s32 $0x8C00;
	s18 =	sadd.s32 $0xC0, s21  }
0x158: {  	[hbm4b:s18+s6] =	stream.strided.scatter [tilespmem:s17], [sflag:$0x5], $0x400, s12, s6, $0x38;
	[tilespmem:$0x18000] =	vst v63  }
0x159: {  	s19 =	simm.s32 $0x9000;
	s20 =	sadd.s32 $0x100, s21  }
0x15a: {  	[hbm4b:s20+s6] =	stream.strided.scatter [tilespmem:s19], [sflag:$0x5], $0x400, s12, s6, $0x38;
	[tilespmem:$0x18000] =	vst v63  }
0x15b: {  	s16 =	simm.s32 $0x2000;
	s17 =	simm.s32 $0x9400;
	s18 =	sadd.s32 $0x140, s21  }
0x15c: {  	[hbm4b:s18+s6] =	stream.strided.scatter [tilespmem:s17], [sflag:$0x5], $0x400, s12, s6, $0x38;
	[tilespmem:$0x18000] =	vst v63  }
0x15d: {  	s19 =	simm.s32 $0x9800;
	s20 =	sadd.s32 $0x180, s21;
	s18 =	simm.s32 $0x10000  }
0x15e: {  	[hbm4b:s20+s6] =	stream.strided.scatter [tilespmem:s19], [sflag:$0x5], $0x400, s12, s6, $0x38;
	[tilespmem:$0x18000] =	vst v63  }
0x15f: {  	s17 =	sadd.s32 $0x1000, s21;
	s19 =	simm.s32 $0x9C00;
	s20 =	sadd.s32 $0x1C0, s21  }
.LBB2_16:
0x160: {  	[hbm4b:s20+s6] =	stream.strided.scatter [tilespmem:s19], [sflag:$0x5], $0x400, s12, s6, $0x38;
	[tilespmem:$0x18000] =	vst v63  }
0x161: {  	s19 =	smov.u32 s16;
	s16 =	smov.u32 s18  }
0x162: {  	s21 =	sadd.s32 $0x8000, s18;
	s16 =	sshra.s32 s16, $0x2;
	s20 =	sadd.s32 $0x8000, s19  }
0x163: {  	[hbm4b:s17+s6] =	stream.strided.scatter [tilespmem:s20], [sflag:$0x5], $0x400, s12, s6, $0x38;
	[tilespmem:$0x18000] =	vst v63  }
0x164: {  	p0 =	sne.s32 s18, $0x18000;
	s18 =	sadd.s32 $0x8400, s19;
	s20 =	sadd.s32 $0x40, s17  }
0x165: {  	[hbm4b:s20+s6] =	stream.strided.scatter [tilespmem:s18], [sflag:$0x5], $0x400, s12, s6, $0x38;
	[tilespmem:$0x18000] =	vst v63  }
0x166: {  	s18 =	sadd.s32 $0x8800, s19;
	s20 =	sadd.s32 $0x80, s17  }
0x167: {  	[hbm4b:s20+s6] =	stream.strided.scatter [tilespmem:s18], [sflag:$0x5], $0x400, s12, s6, $0x38;
	[tilespmem:$0x18000] =	vst v63  }
0x168: {  	s18 =	sadd.s32 $0x8C00, s19;
	s20 =	sadd.s32 $0xC0, s17  }
0x169: {  	[hbm4b:s20+s6] =	stream.strided.scatter [tilespmem:s18], [sflag:$0x5], $0x400, s12, s6, $0x38;
	[tilespmem:$0x18000] =	vst v63  }
0x16a: {  	s18 =	sadd.s32 $0x9000, s19;
	s20 =	sadd.s32 $0x100, s17  }
0x16b: {  	[hbm4b:s20+s6] =	stream.strided.scatter [tilespmem:s18], [sflag:$0x5], $0x400, s12, s6, $0x38;
	[tilespmem:$0x18000] =	vst v63  }
.Ltmp7:
0x16c: {  	s18 =	sadd.s32 $0x9400, s19;
	s20 =	sadd.s32 $0x140, s17;
	(pc) =	sbr.rel @p0 .LBB2_16-.Ltmp7, $4  }
0x16d: {  	[hbm4b:s20+s6] =	stream.strided.scatter [tilespmem:s18], [sflag:$0x5], $0x400, s12, s6, $0x38;
	[tilespmem:$0x18000] =	vst v63  }
0x16e: {  	s18 =	sadd.s32 $0x9800, s19;
	s20 =	sadd.s32 $0x180, s17;
	s19 =	sadd.s32 $0x9C00, s19  }
0x16f: {  	[hbm4b:s20+s6] =	stream.strided.scatter [tilespmem:s18], [sflag:$0x5], $0x400, s12, s6, $0x38;
	[tilespmem:$0x18000] =	vst v63  }
0x170: {  	s20 =	sadd.s32 $0x1C0, s17;
	s17 =	sadd.s32 $0x1000, s17;
	s18 =	smov.u32 s21  }
0x171: {  	[hbm4b:s20+s6] =	stream.strided.scatter [tilespmem:s19], [sflag:$0x5], $0x400, s12, s6, $0x38;
	[tilespmem:$0x18000] =	vst v63  }
0x172: {  	s18 =	sadd.s32 $0x8000, s16  }
0x173: {  	[hbm4b:s17+s6] =	stream.strided.scatter [tilespmem:s18], [sflag:$0x5], $0x400, s12, s6, $0x38;
	[tilespmem:$0x18000] =	vst v63  }
0x174: {  	s20 =	sadd.s32 $0x8400, s16;
	s21 =	sadd.s32 $0x40, s17  }
0x175: {  	[hbm4b:s21+s6] =	stream.strided.scatter [tilespmem:s20], [sflag:$0x5], $0x400, s12, s6, $0x38;
	[tilespmem:$0x18000] =	vst v63  }
0x176: {  	s20 =	sadd.s32 $0x8800, s16;
	s21 =	sadd.s32 $0x80, s17  }
0x177: {  	[hbm4b:s21+s6] =	stream.strided.scatter [tilespmem:s20], [sflag:$0x5], $0x400, s12, s6, $0x38;
	[tilespmem:$0x18000] =	vst v63  }
0x178: {  	s20 =	sadd.s32 $0x8C00, s16;
	s21 =	sadd.s32 $0xC0, s17  }
0x179: {  	[hbm4b:s21+s6] =	stream.strided.scatter [tilespmem:s20], [sflag:$0x5], $0x400, s12, s6, $0x38;
	[tilespmem:$0x18000] =	vst v63  }
0x17a: {  	s20 =	sadd.s32 $0x9000, s16;
	s21 =	sadd.s32 $0x100, s17  }
0x17b: {  	[hbm4b:s21+s6] =	stream.strided.scatter [tilespmem:s20], [sflag:$0x5], $0x400, s12, s6, $0x38;
	[tilespmem:$0x18000] =	vst v63  }
0x17c: {  	s20 =	sadd.s32 $0x9400, s16;
	s21 =	sadd.s32 $0x140, s17  }
0x17d: {  	[hbm4b:s21+s6] =	stream.strided.scatter [tilespmem:s20], [sflag:$0x5], $0x400, s12, s6, $0x38;
	[tilespmem:$0x18000] =	vst v63  }
0x17e: {  	s19 =	sadd.s32 $0x9800, s16;
	s20 =	sadd.s32 $0x180, s17  }
0x17f: {  	[hbm4b:s20+s6] =	stream.strided.scatter [tilespmem:s19], [sflag:$0x5], $0x400, s12, s6, $0x38;
	[tilespmem:$0x18000] =	vst v63  }
0x180: {  	s18 =	sadd.s32 $0x1C0, s17;
	s21 =	sadd.s32 $0x9C00, s16  }
0x181: {  	[hbm4b:s18+s6] =	stream.strided.scatter [tilespmem:s21], [sflag:$0x5], $0x400, s12, s6, $0x38;
	[tilespmem:$0x18000] =	vst v63  }
0x182: {  	_ =	swait.ge [sflag:s14], $0x8000  }
0x183: {  	[sflag:s14] =	ssyncset.done $0x0  }
0x184: {  	[sflag:s14] =	ssyncadd.s32 $0xFFFF8000  }
0x185: {  	_ =	swait.ge [sflag:s14], $0x8000  }
0x186: {  	[sflag:s14] =	ssyncset.done $0x0  }
0x187: {  	[sflag:s14] =	ssyncadd.s32 $0xFFFF8000  }
0x188: {  	_ =	swait.ge [sflag:s14], $0x8000  }
0x189: {  	[sflag:s14] =	ssyncset.done $0x0  }
0x18a: {  	[sflag:s14] =	ssyncadd.s32 $0xFFFF8000  }
0x18b: {  	_ =	swait.ge [sflag:s14], $0x8000  }
0x18c: {  	s19 =	simm.s32 $0x0;
	[sflag:s14] =	ssyncset.done $0x0  }
0x18d: {  	s21 =	simm.s32 $0x8000;
	s20 =	rddreg [dreg:$0x9];
	[sflag:s14] =	ssyncadd.s32 $0xFFFF8000  }
0x18e: {  	[tilespmem:s21], [sflag:$0x2] =	stream.linear.gather [hbm4b:s20+s19], $0x8000, $0x38;
	[tilespmem:$0x18000] =	vst v63  }
0x18f: {  	s19 =	simm.s32 $0x3  }
0x190: {  	_ =	swait.ge [sflag:s19], $0x8000  }
0x191: {  	[sflag:s19] =	ssyncset.done $0x0  }
0x192: {  	s20 =	simm.s32 $0x10000;
	s21 =	rddreg [dreg:$0x13];
	[sflag:s19] =	ssyncadd.s32 $0xFFFF8000  }
0x193: {  	[hbm4b:s21+s6] =	stream.strided.scatter [tilespmem:s20], [sflag:$0x6], $0x400, s12, s6, $0x38;
	[tilespmem:$0x18000] =	vst v63  }
0x194: {  	s17 =	simm.s32 $0x10400;
	s18 =	sadd.s32 $0x40, s21  }
0x195: {  	[hbm4b:s18+s6] =	stream.strided.scatter [tilespmem:s17], [sflag:$0x6], $0x400, s12, s6, $0x38;
	[tilespmem:$0x18000] =	vst v63  }
0x196: {  	s19 =	simm.s32 $0x10800;
	s20 =	sadd.s32 $0x80, s21  }
0x197: {  	[hbm4b:s20+s6] =	stream.strided.scatter [tilespmem:s19], [sflag:$0x6], $0x400, s12, s6, $0x38;
	[tilespmem:$0x18000] =	vst v63  }
0x198: {  	s17 =	simm.s32 $0x10C00;
	s18 =	sadd.s32 $0xC0, s21  }
0x199: {  	[hbm4b:s18+s6] =	stream.strided.scatter [tilespmem:s17], [sflag:$0x6], $0x400, s12, s6, $0x38;
	[tilespmem:$0x18000] =	vst v63  }
0x19a: {  	s19 =	simm.s32 $0x11000;
	s20 =	sadd.s32 $0x100, s21  }
0x19b: {  	[hbm4b:s20+s6] =	stream.strided.scatter [tilespmem:s19], [sflag:$0x6], $0x400, s12, s6, $0x38;
	[tilespmem:$0x18000] =	vst v63  }
0x19c: {  	s16 =	simm.s32 $0x2000;
	s17 =	simm.s32 $0x11400;
	s18 =	sadd.s32 $0x140, s21  }
0x19d: {  	[hbm4b:s18+s6] =	stream.strided.scatter [tilespmem:s17], [sflag:$0x6], $0x400, s12, s6, $0x38;
	[tilespmem:$0x18000] =	vst v63  }
0x19e: {  	s19 =	simm.s32 $0x11800;
	s20 =	sadd.s32 $0x180, s21;
	s18 =	simm.s32 $0x10000  }
0x19f: {  	[hbm4b:s20+s6] =	stream.strided.scatter [tilespmem:s19], [sflag:$0x6], $0x400, s12, s6, $0x38;
	[tilespmem:$0x18000] =	vst v63  }
0x1a0: {  	s17 =	sadd.s32 $0x1000, s21;
	s19 =	simm.s32 $0x11C00;
	s20 =	sadd.s32 $0x1C0, s21  }
.LBB2_18:
0x1a1: {  	[hbm4b:s20+s6] =	stream.strided.scatter [tilespmem:s19], [sflag:$0x6], $0x400, s12, s6, $0x38;
	[tilespmem:$0x18000] =	vst v63  }
0x1a2: {  	s19 =	smov.u32 s16;
	s16 =	smov.u32 s18  }
0x1a3: {  	s21 =	sadd.s32 $0x8000, s18;
	s16 =	sshra.s32 s16, $0x2;
	s20 =	sadd.s32 $0x10000, s19  }
0x1a4: {  	[hbm4b:s17+s6] =	stream.strided.scatter [tilespmem:s20], [sflag:$0x6], $0x400, s12, s6, $0x38;
	[tilespmem:$0x18000] =	vst v63  }
0x1a5: {  	p0 =	sne.s32 s18, $0x18000;
	s18 =	sadd.s32 $0x10400, s19;
	s20 =	sadd.s32 $0x40, s17  }
0x1a6: {  	[hbm4b:s20+s6] =	stream.strided.scatter [tilespmem:s18], [sflag:$0x6], $0x400, s12, s6, $0x38;
	[tilespmem:$0x18000] =	vst v63  }
0x1a7: {  	s18 =	sadd.s32 $0x10800, s19;
	s20 =	sadd.s32 $0x80, s17  }
0x1a8: {  	[hbm4b:s20+s6] =	stream.strided.scatter [tilespmem:s18], [sflag:$0x6], $0x400, s12, s6, $0x38;
	[tilespmem:$0x18000] =	vst v63  }
0x1a9: {  	s18 =	sadd.s32 $0x10C00, s19;
	s20 =	sadd.s32 $0xC0, s17  }
0x1aa: {  	[hbm4b:s20+s6] =	stream.strided.scatter [tilespmem:s18], [sflag:$0x6], $0x400, s12, s6, $0x38;
	[tilespmem:$0x18000] =	vst v63  }
0x1ab: {  	s18 =	sadd.s32 $0x11000, s19;
	s20 =	sadd.s32 $0x100, s17  }
0x1ac: {  	[hbm4b:s20+s6] =	stream.strided.scatter [tilespmem:s18], [sflag:$0x6], $0x400, s12, s6, $0x38;
	[tilespmem:$0x18000] =	vst v63  }
.Ltmp8:
0x1ad: {  	s18 =	sadd.s32 $0x11400, s19;
	s20 =	sadd.s32 $0x140, s17;
	(pc) =	sbr.rel @p0 .LBB2_18-.Ltmp8, $4  }
0x1ae: {  	[hbm4b:s20+s6] =	stream.strided.scatter [tilespmem:s18], [sflag:$0x6], $0x400, s12, s6, $0x38;
	[tilespmem:$0x18000] =	vst v63  }
0x1af: {  	s18 =	sadd.s32 $0x11800, s19;
	s20 =	sadd.s32 $0x180, s17;
	s19 =	sadd.s32 $0x11C00, s19  }
0x1b0: {  	[hbm4b:s20+s6] =	stream.strided.scatter [tilespmem:s18], [sflag:$0x6], $0x400, s12, s6, $0x38;
	[tilespmem:$0x18000] =	vst v63  }
0x1b1: {  	s20 =	sadd.s32 $0x1C0, s17;
	s17 =	sadd.s32 $0x1000, s17;
	s18 =	smov.u32 s21  }
0x1b2: {  	[hbm4b:s20+s6] =	stream.strided.scatter [tilespmem:s19], [sflag:$0x6], $0x400, s12, s6, $0x38;
	[tilespmem:$0x18000] =	vst v63  }
0x1b3: {  	s18 =	sadd.s32 $0x10000, s16  }
0x1b4: {  	[hbm4b:s17+s6] =	stream.strided.scatter [tilespmem:s18], [sflag:$0x6], $0x400, s12, s6, $0x38;
	[tilespmem:$0x18000] =	vst v63  }
0x1b5: {  	s20 =	sadd.s32 $0x10400, s16;
	s21 =	sadd.s32 $0x40, s17  }
0x1b6: {  	[hbm4b:s21+s6] =	stream.strided.scatter [tilespmem:s20], [sflag:$0x6], $0x400, s12, s6, $0x38;
	[tilespmem:$0x18000] =	vst v63  }
0x1b7: {  	s20 =	sadd.s32 $0x10800, s16;
	s21 =	sadd.s32 $0x80, s17  }
0x1b8: {  	[hbm4b:s21+s6] =	stream.strided.scatter [tilespmem:s20], [sflag:$0x6], $0x400, s12, s6, $0x38;
	[tilespmem:$0x18000] =	vst v63  }
0x1b9: {  	s20 =	sadd.s32 $0x10C00, s16;
	s21 =	sadd.s32 $0xC0, s17  }
0x1ba: {  	[hbm4b:s21+s6] =	stream.strided.scatter [tilespmem:s20], [sflag:$0x6], $0x400, s12, s6, $0x38;
	[tilespmem:$0x18000] =	vst v63  }
0x1bb: {  	s20 =	sadd.s32 $0x11000, s16;
	s21 =	sadd.s32 $0x100, s17  }
0x1bc: {  	[hbm4b:s21+s6] =	stream.strided.scatter [tilespmem:s20], [sflag:$0x6], $0x400, s12, s6, $0x38;
	[tilespmem:$0x18000] =	vst v63  }
0x1bd: {  	s20 =	sadd.s32 $0x11400, s16;
	s21 =	sadd.s32 $0x140, s17  }
0x1be: {  	[hbm4b:s21+s6] =	stream.strided.scatter [tilespmem:s20], [sflag:$0x6], $0x400, s12, s6, $0x38;
	[tilespmem:$0x18000] =	vst v63  }
0x1bf: {  	s20 =	sadd.s32 $0x11800, s16;
	s21 =	sadd.s32 $0x180, s17  }
0x1c0: {  	[hbm4b:s21+s6] =	stream.strided.scatter [tilespmem:s20], [sflag:$0x6], $0x400, s12, s6, $0x38;
	[tilespmem:$0x18000] =	vst v63  }
0x1c1: {  	s19 =	sadd.s32 $0x1C0, s17;
	s18 =	sadd.s32 $0x11C00, s16  }
0x1c2: {  	[hbm4b:s19+s6] =	stream.strided.scatter [tilespmem:s18], [sflag:$0x6], $0x400, s12, s6, $0x38;
	[tilespmem:$0x18000] =	vst v63  }
0x1c3: {  	s20 =	simm.s32 $0x10000;
	s21 =	rddreg [dreg:$0x14]  }
0x1c4: {  	[hbm4b:s21+s6] =	stream.strided.scatter [tilespmem:s20], [sflag:$0x6], $0x400, s12, s6, $0x38;
	[tilespmem:$0x18000] =	vst v63  }
0x1c5: {  	s17 =	simm.s32 $0x10400;
	s18 =	sadd.s32 $0x40, s21  }
0x1c6: {  	[hbm4b:s18+s6] =	stream.strided.scatter [tilespmem:s17], [sflag:$0x6], $0x400, s12, s6, $0x38;
	[tilespmem:$0x18000] =	vst v63  }
0x1c7: {  	s19 =	simm.s32 $0x10800;
	s20 =	sadd.s32 $0x80, s21  }
0x1c8: {  	[hbm4b:s20+s6] =	stream.strided.scatter [tilespmem:s19], [sflag:$0x6], $0x400, s12, s6, $0x38;
	[tilespmem:$0x18000] =	vst v63  }
0x1c9: {  	s17 =	simm.s32 $0x10C00;
	s18 =	sadd.s32 $0xC0, s21  }
0x1ca: {  	[hbm4b:s18+s6] =	stream.strided.scatter [tilespmem:s17], [sflag:$0x6], $0x400, s12, s6, $0x38;
	[tilespmem:$0x18000] =	vst v63  }
0x1cb: {  	s19 =	simm.s32 $0x11000;
	s20 =	sadd.s32 $0x100, s21  }
0x1cc: {  	[hbm4b:s20+s6] =	stream.strided.scatter [tilespmem:s19], [sflag:$0x6], $0x400, s12, s6, $0x38;
	[tilespmem:$0x18000] =	vst v63  }
0x1cd: {  	s16 =	simm.s32 $0x2000;
	s17 =	simm.s32 $0x11400;
	s18 =	sadd.s32 $0x140, s21  }
0x1ce: {  	[hbm4b:s18+s6] =	stream.strided.scatter [tilespmem:s17], [sflag:$0x6], $0x400, s12, s6, $0x38;
	[tilespmem:$0x18000] =	vst v63  }
0x1cf: {  	s19 =	simm.s32 $0x11800;
	s20 =	sadd.s32 $0x180, s21;
	s18 =	simm.s32 $0x10000  }
0x1d0: {  	[hbm4b:s20+s6] =	stream.strided.scatter [tilespmem:s19], [sflag:$0x6], $0x400, s12, s6, $0x38;
	[tilespmem:$0x18000] =	vst v63  }
0x1d1: {  	s17 =	sadd.s32 $0x1000, s21;
	s19 =	simm.s32 $0x11C00;
	s20 =	sadd.s32 $0x1C0, s21  }
.LBB2_20:
0x1d2: {  	[hbm4b:s20+s6] =	stream.strided.scatter [tilespmem:s19], [sflag:$0x6], $0x400, s12, s6, $0x38;
	[tilespmem:$0x18000] =	vst v63  }
0x1d3: {  	s19 =	smov.u32 s16;
	s16 =	smov.u32 s18  }
0x1d4: {  	s21 =	sadd.s32 $0x8000, s18;
	s16 =	sshra.s32 s16, $0x2;
	s20 =	sadd.s32 $0x10000, s19  }
0x1d5: {  	[hbm4b:s17+s6] =	stream.strided.scatter [tilespmem:s20], [sflag:$0x6], $0x400, s12, s6, $0x38;
	[tilespmem:$0x18000] =	vst v63  }
0x1d6: {  	p0 =	sne.s32 s18, $0x18000;
	s18 =	sadd.s32 $0x10400, s19;
	s20 =	sadd.s32 $0x40, s17  }
0x1d7: {  	[hbm4b:s20+s6] =	stream.strided.scatter [tilespmem:s18], [sflag:$0x6], $0x400, s12, s6, $0x38;
	[tilespmem:$0x18000] =	vst v63  }
0x1d8: {  	s18 =	sadd.s32 $0x10800, s19;
	s20 =	sadd.s32 $0x80, s17  }
0x1d9: {  	[hbm4b:s20+s6] =	stream.strided.scatter [tilespmem:s18], [sflag:$0x6], $0x400, s12, s6, $0x38;
	[tilespmem:$0x18000] =	vst v63  }
0x1da: {  	s18 =	sadd.s32 $0x10C00, s19;
	s20 =	sadd.s32 $0xC0, s17  }
0x1db: {  	[hbm4b:s20+s6] =	stream.strided.scatter [tilespmem:s18], [sflag:$0x6], $0x400, s12, s6, $0x38;
	[tilespmem:$0x18000] =	vst v63  }
0x1dc: {  	s18 =	sadd.s32 $0x11000, s19;
	s20 =	sadd.s32 $0x100, s17  }
0x1dd: {  	[hbm4b:s20+s6] =	stream.strided.scatter [tilespmem:s18], [sflag:$0x6], $0x400, s12, s6, $0x38;
	[tilespmem:$0x18000] =	vst v63  }
.Ltmp9:
0x1de: {  	s18 =	sadd.s32 $0x11400, s19;
	s20 =	sadd.s32 $0x140, s17;
	(pc) =	sbr.rel @p0 .LBB2_20-.Ltmp9, $4  }
0x1df: {  	[hbm4b:s20+s6] =	stream.strided.scatter [tilespmem:s18], [sflag:$0x6], $0x400, s12, s6, $0x38;
	[tilespmem:$0x18000] =	vst v63  }
0x1e0: {  	s18 =	sadd.s32 $0x11800, s19;
	s20 =	sadd.s32 $0x180, s17;
	s19 =	sadd.s32 $0x11C00, s19  }
0x1e1: {  	[hbm4b:s20+s6] =	stream.strided.scatter [tilespmem:s18], [sflag:$0x6], $0x400, s12, s6, $0x38;
	[tilespmem:$0x18000] =	vst v63  }
0x1e2: {  	s20 =	sadd.s32 $0x1C0, s17;
	s17 =	sadd.s32 $0x1000, s17;
	s18 =	smov.u32 s21  }
0x1e3: {  	[hbm4b:s20+s6] =	stream.strided.scatter [tilespmem:s19], [sflag:$0x6], $0x400, s12, s6, $0x38;
	[tilespmem:$0x18000] =	vst v63  }
0x1e4: {  	s18 =	sadd.s32 $0x10000, s16  }
0x1e5: {  	[hbm4b:s17+s6] =	stream.strided.scatter [tilespmem:s18], [sflag:$0x6], $0x400, s12, s6, $0x38;
	[tilespmem:$0x18000] =	vst v63  }
0x1e6: {  	s20 =	sadd.s32 $0x10400, s16;
	s21 =	sadd.s32 $0x40, s17  }
0x1e7: {  	[hbm4b:s21+s6] =	stream.strided.scatter [tilespmem:s20], [sflag:$0x6], $0x400, s12, s6, $0x38;
	[tilespmem:$0x18000] =	vst v63  }
0x1e8: {  	s20 =	sadd.s32 $0x10800, s16;
	s21 =	sadd.s32 $0x80, s17  }
0x1e9: {  	[hbm4b:s21+s6] =	stream.strided.scatter [tilespmem:s20], [sflag:$0x6], $0x400, s12, s6, $0x38;
	[tilespmem:$0x18000] =	vst v63  }
0x1ea: {  	s20 =	sadd.s32 $0x10C00, s16;
	s21 =	sadd.s32 $0xC0, s17  }
0x1eb: {  	[hbm4b:s21+s6] =	stream.strided.scatter [tilespmem:s20], [sflag:$0x6], $0x400, s12, s6, $0x38;
	[tilespmem:$0x18000] =	vst v63  }
0x1ec: {  	s20 =	sadd.s32 $0x11000, s16;
	s21 =	sadd.s32 $0x100, s17  }
0x1ed: {  	[hbm4b:s21+s6] =	stream.strided.scatter [tilespmem:s20], [sflag:$0x6], $0x400, s12, s6, $0x38;
	[tilespmem:$0x18000] =	vst v63  }
0x1ee: {  	s20 =	sadd.s32 $0x11400, s16;
	s21 =	sadd.s32 $0x140, s17  }
0x1ef: {  	[hbm4b:s21+s6] =	stream.strided.scatter [tilespmem:s20], [sflag:$0x6], $0x400, s12, s6, $0x38;
	[tilespmem:$0x18000] =	vst v63  }
0x1f0: {  	s20 =	sadd.s32 $0x11800, s16;
	s21 =	sadd.s32 $0x180, s17  }
0x1f1: {  	[hbm4b:s21+s6] =	stream.strided.scatter [tilespmem:s20], [sflag:$0x6], $0x400, s12, s6, $0x38;
	[tilespmem:$0x18000] =	vst v63  }
0x1f2: {  	s19 =	sadd.s32 $0x1C0, s17;
	s18 =	sadd.s32 $0x11C00, s16  }
0x1f3: {  	[hbm4b:s19+s6] =	stream.strided.scatter [tilespmem:s18], [sflag:$0x6], $0x400, s12, s6, $0x38;
	[tilespmem:$0x18000] =	vst v63  }
0x1f4: {  	s20 =	simm.s32 $0x10000;
	s21 =	rddreg [dreg:$0x15]  }
0x1f5: {  	[hbm4b:s21+s6] =	stream.strided.scatter [tilespmem:s20], [sflag:$0x6], $0x400, s12, s6, $0x38;
	[tilespmem:$0x18000] =	vst v63  }
0x1f6: {  	s17 =	simm.s32 $0x10400;
	s18 =	sadd.s32 $0x40, s21  }
0x1f7: {  	[hbm4b:s18+s6] =	stream.strided.scatter [tilespmem:s17], [sflag:$0x6], $0x400, s12, s6, $0x38;
	[tilespmem:$0x18000] =	vst v63  }
0x1f8: {  	s19 =	simm.s32 $0x10800;
	s20 =	sadd.s32 $0x80, s21  }
0x1f9: {  	[hbm4b:s20+s6] =	stream.strided.scatter [tilespmem:s19], [sflag:$0x6], $0x400, s12, s6, $0x38;
	[tilespmem:$0x18000] =	vst v63  }
0x1fa: {  	s17 =	simm.s32 $0x10C00;
	s18 =	sadd.s32 $0xC0, s21  }
0x1fb: {  	[hbm4b:s18+s6] =	stream.strided.scatter [tilespmem:s17], [sflag:$0x6], $0x400, s12, s6, $0x38;
	[tilespmem:$0x18000] =	vst v63  }
0x1fc: {  	s19 =	simm.s32 $0x11000;
	s20 =	sadd.s32 $0x100, s21  }
0x1fd: {  	[hbm4b:s20+s6] =	stream.strided.scatter [tilespmem:s19], [sflag:$0x6], $0x400, s12, s6, $0x38;
	[tilespmem:$0x18000] =	vst v63  }
0x1fe: {  	s16 =	simm.s32 $0x2000;
	s17 =	simm.s32 $0x11400;
	s18 =	sadd.s32 $0x140, s21  }
0x1ff: {  	[hbm4b:s18+s6] =	stream.strided.scatter [tilespmem:s17], [sflag:$0x6], $0x400, s12, s6, $0x38;
	[tilespmem:$0x18000] =	vst v63  }
0x200: {  	s19 =	simm.s32 $0x11800;
	s20 =	sadd.s32 $0x180, s21;
	s18 =	simm.s32 $0x10000  }
0x201: {  	[hbm4b:s20+s6] =	stream.strided.scatter [tilespmem:s19], [sflag:$0x6], $0x400, s12, s6, $0x38;
	[tilespmem:$0x18000] =	vst v63  }
0x202: {  	s17 =	sadd.s32 $0x1000, s21;
	s19 =	simm.s32 $0x11C00;
	s20 =	sadd.s32 $0x1C0, s21  }
.LBB2_22:
0x203: {  	[hbm4b:s20+s6] =	stream.strided.scatter [tilespmem:s19], [sflag:$0x6], $0x400, s12, s6, $0x38;
	[tilespmem:$0x18000] =	vst v63  }
0x204: {  	s19 =	smov.u32 s16;
	s16 =	smov.u32 s18  }
0x205: {  	s21 =	sadd.s32 $0x8000, s18;
	s16 =	sshra.s32 s16, $0x2;
	s20 =	sadd.s32 $0x10000, s19  }
0x206: {  	[hbm4b:s17+s6] =	stream.strided.scatter [tilespmem:s20], [sflag:$0x6], $0x400, s12, s6, $0x38;
	[tilespmem:$0x18000] =	vst v63  }
0x207: {  	p0 =	sne.s32 s18, $0x18000;
	s18 =	sadd.s32 $0x10400, s19;
	s20 =	sadd.s32 $0x40, s17  }
0x208: {  	[hbm4b:s20+s6] =	stream.strided.scatter [tilespmem:s18], [sflag:$0x6], $0x400, s12, s6, $0x38;
	[tilespmem:$0x18000] =	vst v63  }
0x209: {  	s18 =	sadd.s32 $0x10800, s19;
	s20 =	sadd.s32 $0x80, s17  }
0x20a: {  	[hbm4b:s20+s6] =	stream.strided.scatter [tilespmem:s18], [sflag:$0x6], $0x400, s12, s6, $0x38;
	[tilespmem:$0x18000] =	vst v63  }
0x20b: {  	s18 =	sadd.s32 $0x10C00, s19;
	s20 =	sadd.s32 $0xC0, s17  }
0x20c: {  	[hbm4b:s20+s6] =	stream.strided.scatter [tilespmem:s18], [sflag:$0x6], $0x400, s12, s6, $0x38;
	[tilespmem:$0x18000] =	vst v63  }
0x20d: {  	s18 =	sadd.s32 $0x11000, s19;
	s20 =	sadd.s32 $0x100, s17  }
0x20e: {  	[hbm4b:s20+s6] =	stream.strided.scatter [tilespmem:s18], [sflag:$0x6], $0x400, s12, s6, $0x38;
	[tilespmem:$0x18000] =	vst v63  }
.Ltmp10:
0x20f: {  	s18 =	sadd.s32 $0x11400, s19;
	s20 =	sadd.s32 $0x140, s17;
	(pc) =	sbr.rel @p0 .LBB2_22-.Ltmp10, $4  }
0x210: {  	[hbm4b:s20+s6] =	stream.strided.scatter [tilespmem:s18], [sflag:$0x6], $0x400, s12, s6, $0x38;
	[tilespmem:$0x18000] =	vst v63  }
0x211: {  	s18 =	sadd.s32 $0x11800, s19;
	s20 =	sadd.s32 $0x180, s17;
	s19 =	sadd.s32 $0x11C00, s19  }
0x212: {  	[hbm4b:s20+s6] =	stream.strided.scatter [tilespmem:s18], [sflag:$0x6], $0x400, s12, s6, $0x38;
	[tilespmem:$0x18000] =	vst v63  }
0x213: {  	s20 =	sadd.s32 $0x1C0, s17;
	s17 =	sadd.s32 $0x1000, s17;
	s18 =	smov.u32 s21  }
0x214: {  	[hbm4b:s20+s6] =	stream.strided.scatter [tilespmem:s19], [sflag:$0x6], $0x400, s12, s6, $0x38;
	[tilespmem:$0x18000] =	vst v63  }
0x215: {  	s18 =	sadd.s32 $0x10000, s16  }
0x216: {  	[hbm4b:s17+s6] =	stream.strided.scatter [tilespmem:s18], [sflag:$0x6], $0x400, s12, s6, $0x38;
	[tilespmem:$0x18000] =	vst v63  }
0x217: {  	s20 =	sadd.s32 $0x10400, s16;
	s21 =	sadd.s32 $0x40, s17  }
0x218: {  	[hbm4b:s21+s6] =	stream.strided.scatter [tilespmem:s20], [sflag:$0x6], $0x400, s12, s6, $0x38;
	[tilespmem:$0x18000] =	vst v63  }
0x219: {  	s20 =	sadd.s32 $0x10800, s16;
	s21 =	sadd.s32 $0x80, s17  }
0x21a: {  	[hbm4b:s21+s6] =	stream.strided.scatter [tilespmem:s20], [sflag:$0x6], $0x400, s12, s6, $0x38;
	[tilespmem:$0x18000] =	vst v63  }
0x21b: {  	s20 =	sadd.s32 $0x10C00, s16;
	s21 =	sadd.s32 $0xC0, s17  }
0x21c: {  	[hbm4b:s21+s6] =	stream.strided.scatter [tilespmem:s20], [sflag:$0x6], $0x400, s12, s6, $0x38;
	[tilespmem:$0x18000] =	vst v63  }
0x21d: {  	s20 =	sadd.s32 $0x11000, s16;
	s21 =	sadd.s32 $0x100, s17  }
0x21e: {  	[hbm4b:s21+s6] =	stream.strided.scatter [tilespmem:s20], [sflag:$0x6], $0x400, s12, s6, $0x38;
	[tilespmem:$0x18000] =	vst v63  }
0x21f: {  	s20 =	sadd.s32 $0x11400, s16;
	s21 =	sadd.s32 $0x140, s17  }
0x220: {  	[hbm4b:s21+s6] =	stream.strided.scatter [tilespmem:s20], [sflag:$0x6], $0x400, s12, s6, $0x38;
	[tilespmem:$0x18000] =	vst v63  }
0x221: {  	s20 =	sadd.s32 $0x11800, s16;
	s21 =	sadd.s32 $0x180, s17  }
0x222: {  	[hbm4b:s21+s6] =	stream.strided.scatter [tilespmem:s20], [sflag:$0x6], $0x400, s12, s6, $0x38;
	[tilespmem:$0x18000] =	vst v63  }
0x223: {  	s19 =	sadd.s32 $0x1C0, s17;
	s18 =	sadd.s32 $0x11C00, s16  }
0x224: {  	[hbm4b:s19+s6] =	stream.strided.scatter [tilespmem:s18], [sflag:$0x6], $0x400, s12, s6, $0x38;
	[tilespmem:$0x18000] =	vst v63  }
0x225: {  	s20 =	simm.s32 $0x10000;
	s21 =	rddreg [dreg:$0x16]  }
0x226: {  	[hbm4b:s21+s6] =	stream.strided.scatter [tilespmem:s20], [sflag:$0x6], $0x400, s12, s6, $0x38;
	[tilespmem:$0x18000] =	vst v63  }
0x227: {  	s17 =	simm.s32 $0x10400;
	s18 =	sadd.s32 $0x40, s21  }
0x228: {  	[hbm4b:s18+s6] =	stream.strided.scatter [tilespmem:s17], [sflag:$0x6], $0x400, s12, s6, $0x38;
	[tilespmem:$0x18000] =	vst v63  }
0x229: {  	s19 =	simm.s32 $0x10800;
	s20 =	sadd.s32 $0x80, s21  }
0x22a: {  	[hbm4b:s20+s6] =	stream.strided.scatter [tilespmem:s19], [sflag:$0x6], $0x400, s12, s6, $0x38;
	[tilespmem:$0x18000] =	vst v63  }
0x22b: {  	s17 =	simm.s32 $0x10C00;
	s18 =	sadd.s32 $0xC0, s21  }
0x22c: {  	[hbm4b:s18+s6] =	stream.strided.scatter [tilespmem:s17], [sflag:$0x6], $0x400, s12, s6, $0x38;
	[tilespmem:$0x18000] =	vst v63  }
0x22d: {  	s19 =	simm.s32 $0x11000;
	s20 =	sadd.s32 $0x100, s21  }
0x22e: {  	[hbm4b:s20+s6] =	stream.strided.scatter [tilespmem:s19], [sflag:$0x6], $0x400, s12, s6, $0x38;
	[tilespmem:$0x18000] =	vst v63  }
0x22f: {  	s16 =	simm.s32 $0x2000;
	s17 =	simm.s32 $0x11400;
	s18 =	sadd.s32 $0x140, s21  }
0x230: {  	[hbm4b:s18+s6] =	stream.strided.scatter [tilespmem:s17], [sflag:$0x6], $0x400, s12, s6, $0x38;
	[tilespmem:$0x18000] =	vst v63  }
0x231: {  	s19 =	simm.s32 $0x11800;
	s20 =	sadd.s32 $0x180, s21;
	s18 =	simm.s32 $0x10000  }
0x232: {  	[hbm4b:s20+s6] =	stream.strided.scatter [tilespmem:s19], [sflag:$0x6], $0x400, s12, s6, $0x38;
	[tilespmem:$0x18000] =	vst v63  }
0x233: {  	s17 =	sadd.s32 $0x1000, s21;
	s19 =	simm.s32 $0x11C00;
	s20 =	sadd.s32 $0x1C0, s21  }
.LBB2_24:
0x234: {  	[hbm4b:s20+s6] =	stream.strided.scatter [tilespmem:s19], [sflag:$0x6], $0x400, s12, s6, $0x38;
	[tilespmem:$0x18000] =	vst v63  }
0x235: {  	s19 =	smov.u32 s16;
	s16 =	smov.u32 s18  }
0x236: {  	s21 =	sadd.s32 $0x8000, s18;
	s16 =	sshra.s32 s16, $0x2;
	s20 =	sadd.s32 $0x10000, s19  }
0x237: {  	[hbm4b:s17+s6] =	stream.strided.scatter [tilespmem:s20], [sflag:$0x6], $0x400, s12, s6, $0x38;
	[tilespmem:$0x18000] =	vst v63  }
0x238: {  	p0 =	sne.s32 s18, $0x18000;
	s18 =	sadd.s32 $0x10400, s19;
	s20 =	sadd.s32 $0x40, s17  }
0x239: {  	[hbm4b:s20+s6] =	stream.strided.scatter [tilespmem:s18], [sflag:$0x6], $0x400, s12, s6, $0x38;
	[tilespmem:$0x18000] =	vst v63  }
0x23a: {  	s18 =	sadd.s32 $0x10800, s19;
	s20 =	sadd.s32 $0x80, s17  }
0x23b: {  	[hbm4b:s20+s6] =	stream.strided.scatter [tilespmem:s18], [sflag:$0x6], $0x400, s12, s6, $0x38;
	[tilespmem:$0x18000] =	vst v63  }
0x23c: {  	s18 =	sadd.s32 $0x10C00, s19;
	s20 =	sadd.s32 $0xC0, s17  }
0x23d: {  	[hbm4b:s20+s6] =	stream.strided.scatter [tilespmem:s18], [sflag:$0x6], $0x400, s12, s6, $0x38;
	[tilespmem:$0x18000] =	vst v63  }
0x23e: {  	s18 =	sadd.s32 $0x11000, s19;
	s20 =	sadd.s32 $0x100, s17  }
0x23f: {  	[hbm4b:s20+s6] =	stream.strided.scatter [tilespmem:s18], [sflag:$0x6], $0x400, s12, s6, $0x38;
	[tilespmem:$0x18000] =	vst v63  }
.Ltmp11:
0x240: {  	s18 =	sadd.s32 $0x11400, s19;
	s20 =	sadd.s32 $0x140, s17;
	(pc) =	sbr.rel @p0 .LBB2_24-.Ltmp11, $4  }
0x241: {  	[hbm4b:s20+s6] =	stream.strided.scatter [tilespmem:s18], [sflag:$0x6], $0x400, s12, s6, $0x38;
	[tilespmem:$0x18000] =	vst v63  }
0x242: {  	s18 =	sadd.s32 $0x11800, s19;
	s20 =	sadd.s32 $0x180, s17;
	s19 =	sadd.s32 $0x11C00, s19  }
0x243: {  	[hbm4b:s20+s6] =	stream.strided.scatter [tilespmem:s18], [sflag:$0x6], $0x400, s12, s6, $0x38;
	[tilespmem:$0x18000] =	vst v63  }
0x244: {  	s20 =	sadd.s32 $0x1C0, s17;
	s17 =	sadd.s32 $0x1000, s17;
	s18 =	smov.u32 s21  }
0x245: {  	[hbm4b:s20+s6] =	stream.strided.scatter [tilespmem:s19], [sflag:$0x6], $0x400, s12, s6, $0x38;
	[tilespmem:$0x18000] =	vst v63  }
0x246: {  	s18 =	sadd.s32 $0x10000, s16  }
0x247: {  	[hbm4b:s17+s6] =	stream.strided.scatter [tilespmem:s18], [sflag:$0x6], $0x400, s12, s6, $0x38;
	[tilespmem:$0x18000] =	vst v63  }
0x248: {  	s20 =	sadd.s32 $0x10400, s16;
	s21 =	sadd.s32 $0x40, s17  }
0x249: {  	[hbm4b:s21+s6] =	stream.strided.scatter [tilespmem:s20], [sflag:$0x6], $0x400, s12, s6, $0x38;
	[tilespmem:$0x18000] =	vst v63  }
0x24a: {  	s20 =	sadd.s32 $0x10800, s16;
	s21 =	sadd.s32 $0x80, s17  }
0x24b: {  	[hbm4b:s21+s6] =	stream.strided.scatter [tilespmem:s20], [sflag:$0x6], $0x400, s12, s6, $0x38;
	[tilespmem:$0x18000] =	vst v63  }
0x24c: {  	s20 =	sadd.s32 $0x10C00, s16;
	s21 =	sadd.s32 $0xC0, s17  }
0x24d: {  	[hbm4b:s21+s6] =	stream.strided.scatter [tilespmem:s20], [sflag:$0x6], $0x400, s12, s6, $0x38;
	[tilespmem:$0x18000] =	vst v63  }
0x24e: {  	s20 =	sadd.s32 $0x11000, s16;
	s21 =	sadd.s32 $0x100, s17  }
0x24f: {  	[hbm4b:s21+s6] =	stream.strided.scatter [tilespmem:s20], [sflag:$0x6], $0x400, s12, s6, $0x38;
	[tilespmem:$0x18000] =	vst v63  }
0x250: {  	s20 =	sadd.s32 $0x11400, s16;
	s21 =	sadd.s32 $0x140, s17  }
0x251: {  	[hbm4b:s21+s6] =	stream.strided.scatter [tilespmem:s20], [sflag:$0x6], $0x400, s12, s6, $0x38;
	[tilespmem:$0x18000] =	vst v63  }
0x252: {  	s20 =	sadd.s32 $0x11800, s16;
	s21 =	sadd.s32 $0x180, s17  }
0x253: {  	[hbm4b:s21+s6] =	stream.strided.scatter [tilespmem:s20], [sflag:$0x6], $0x400, s12, s6, $0x38;
	[tilespmem:$0x18000] =	vst v63  }
0x254: {  	s20 =	sadd.s32 $0x11C00, s16;
	s21 =	sadd.s32 $0x1C0, s17  }
0x255: {  	[hbm4b:s21+s6] =	stream.strided.scatter [tilespmem:s20], [sflag:$0x6], $0x400, s12, s6, $0x38;
	[tilespmem:$0x18000] =	vst v63  }
0x256: {  	_ =	swait.ge [sflag:s15], $0x8000  }
0x257: {  	[sflag:s15] =	ssyncset.done $0x0  }
0x258: {  	[sflag:s15] =	ssyncadd.s32 $0xFFFF8000  }
0x259: {  	_ =	swait.ge [sflag:s15], $0x8000  }
0x25a: {  	[sflag:s15] =	ssyncset.done $0x0  }
0x25b: {  	[sflag:s15] =	ssyncadd.s32 $0xFFFF8000  }
0x25c: {  	_ =	swait.ge [sflag:s15], $0x8000  }
0x25d: {  	[sflag:s15] =	ssyncset.done $0x0  }
0x25e: {  	[sflag:s15] =	ssyncadd.s32 $0xFFFF8000  }
0x25f: {  	_ =	swait.ge [sflag:s15], $0x8000  }
0x260: {  	s18 =	simm.s32 $0x0;
	s20 =	simm.s32 $0x10000;
	[sflag:s15] =	ssyncset.done $0x0  }
0x261: {  	s21 =	simm.s32 $0x1;
	s19 =	rddreg [dreg:$0xa];
	[sflag:s15] =	ssyncadd.s32 $0xFFFF8000  }
0x262: {  	[tilespmem:s20], [sflag:$0x3] =	stream.linear.gather [hbm4b:s19+s18], $0x8000, $0x38;
	[tilespmem:$0x18000] =	vst v63  }
0x263: {  	_ =	swait.ge [sflag:s21], $0x8000  }
0x264: {  	[sflag:s21] =	ssyncset.done $0x0  }
0x265: {  	s17 =	simm.s32 $0x0;
	[sflag:s21] =	ssyncadd.s32 $0xFFFF8000  }
0x266: {  	[hbm4b:s22+s6] =	stream.strided.scatter [tilespmem:s17], [sflag:$0x4], $0x400, s12, s6, $0x38;
	[tilespmem:$0x18000] =	vst v63  }
0x267: {  	s18 =	simm.s32 $0x400;
	s19 =	sadd.s32 $0x40, s22  }
0x268: {  	[hbm4b:s19+s6] =	stream.strided.scatter [tilespmem:s18], [sflag:$0x4], $0x400, s12, s6, $0x38;
	[tilespmem:$0x18000] =	vst v63  }
0x269: {  	s20 =	simm.s32 $0x800;
	s21 =	sadd.s32 $0x80, s22  }
0x26a: {  	[hbm4b:s21+s6] =	stream.strided.scatter [tilespmem:s20], [sflag:$0x4], $0x400, s12, s6, $0x38;
	[tilespmem:$0x18000] =	vst v63  }
0x26b: {  	s16 =	simm.s32 $0x8000;
	s18 =	simm.s32 $0xC00;
	s19 =	sadd.s32 $0xC0, s22  }
0x26c: {  	[hbm4b:s19+s6] =	stream.strided.scatter [tilespmem:s18], [sflag:$0x4], $0x400, s12, s6, $0x38;
	[tilespmem:$0x18000] =	vst v63  }
0x26d: {  	s17 =	sadd.s32 $0x1000, s22;
	s20 =	simm.s32 $0x1000;
	s21 =	sadd.s32 $0x100, s22  }
0x26e: {  	[hbm4b:s21+s6] =	stream.strided.scatter [tilespmem:s20], [sflag:$0x4], $0x400, s12, s6, $0x38;
	[tilespmem:$0x18000] =	vst v63  }
0x26f: {  	s18 =	simm.s32 $0x1400;
	s19 =	sadd.s32 $0x140, s22;
	s20 =	simm.s32 $0x1800  }
0x270: {  	[hbm4b:s19+s6] =	stream.strided.scatter [tilespmem:s18], [sflag:$0x4], $0x400, s12, s6, $0x38;
	[tilespmem:$0x18000] =	vst v63  }
0x271: {  	s21 =	sadd.s32 $0x180, s22;
	s18 =	simm.s32 $0x1C00;
	s19 =	sadd.s32 $0x1C0, s22  }
0x272: {  	[hbm4b:s21+s6] =	stream.strided.scatter [tilespmem:s20], [sflag:$0x4], $0x400, s12, s6, $0x38;
	[tilespmem:$0x18000] =	vst v63  }
.LBB2_26:
0x273: {  	[hbm4b:s19+s6] =	stream.strided.scatter [tilespmem:s18], [sflag:$0x4], $0x400, s12, s6, $0x38;
	[tilespmem:$0x18000] =	vst v63  }
0x274: {  	s18 =	sshra.s32 s16, $0x2;
	p0 =	sne.s32 s16, $0x18000;
	s16 =	sadd.s32 $0x8000, s16  }
0x275: {  	[hbm4b:s17+s6] =	stream.strided.scatter [tilespmem:s18], [sflag:$0x4], $0x400, s12, s6, $0x38;
	[tilespmem:$0x18000] =	vst v63  }
0x276: {  	s20 =	sadd.s32 $0x40, s17;
	s19 =	sadd.s32 $0x400, s18  }
0x277: {  	[hbm4b:s20+s6] =	stream.strided.scatter [tilespmem:s19], [sflag:$0x4], $0x400, s12, s6, $0x38;
	[tilespmem:$0x18000] =	vst v63  }
0x278: {  	s19 =	sadd.s32 $0x800, s18;
	s20 =	sadd.s32 $0x80, s17  }
0x279: {  	[hbm4b:s20+s6] =	stream.strided.scatter [tilespmem:s19], [sflag:$0x4], $0x400, s12, s6, $0x38;
	[tilespmem:$0x18000] =	vst v63  }
0x27a: {  	s19 =	sadd.s32 $0xC00, s18;
	s20 =	sadd.s32 $0xC0, s17  }
0x27b: {  	[hbm4b:s20+s6] =	stream.strided.scatter [tilespmem:s19], [sflag:$0x4], $0x400, s12, s6, $0x38;
	[tilespmem:$0x18000] =	vst v63  }
0x27c: {  	s19 =	sadd.s32 $0x1000, s18;
	s20 =	sadd.s32 $0x100, s17  }
0x27d: {  	[hbm4b:s20+s6] =	stream.strided.scatter [tilespmem:s19], [sflag:$0x4], $0x400, s12, s6, $0x38;
	[tilespmem:$0x18000] =	vst v63  }
.Ltmp12:
0x27e: {  	s19 =	sadd.s32 $0x1400, s18;
	s20 =	sadd.s32 $0x140, s17;
	(pc) =	sbr.rel @p0 .LBB2_26-.Ltmp12, $4  }
0x27f: {  	[hbm4b:s20+s6] =	stream.strided.scatter [tilespmem:s19], [sflag:$0x4], $0x400, s12, s6, $0x38;
	[tilespmem:$0x18000] =	vst v63  }
0x280: {  	s19 =	sadd.s32 $0x1800, s18;
	s20 =	sadd.s32 $0x180, s17  }
0x281: {  	[hbm4b:s20+s6] =	stream.strided.scatter [tilespmem:s19], [sflag:$0x4], $0x400, s12, s6, $0x38;
	[tilespmem:$0x18000] =	vst v63  }
0x282: {  	s18 =	sadd.s32 $0x1C00, s18;
	s19 =	sadd.s32 $0x1C0, s17;
	s17 =	sadd.s32 $0x1000, s17  }
0x283: {  	[hbm4b:s19+s6] =	stream.strided.scatter [tilespmem:s18], [sflag:$0x4], $0x400, s12, s6, $0x38;
	[tilespmem:$0x18000] =	vst v63  }
0x284: {  	s16 =	simm.s32 $0x0  }
0x285: {  	[hbm4b:s23+s6] =	stream.strided.scatter [tilespmem:s16], [sflag:$0x4], $0x400, s12, s6, $0x38;
	[tilespmem:$0x18000] =	vst v63  }
0x286: {  	s19 =	simm.s32 $0x400;
	s17 =	sadd.s32 $0x40, s23  }
0x287: {  	[hbm4b:s17+s6] =	stream.strided.scatter [tilespmem:s19], [sflag:$0x4], $0x400, s12, s6, $0x38;
	[tilespmem:$0x18000] =	vst v63  }
0x288: {  	s20 =	simm.s32 $0x800;
	s21 =	sadd.s32 $0x80, s23  }
0x289: {  	[hbm4b:s21+s6] =	stream.strided.scatter [tilespmem:s20], [sflag:$0x4], $0x400, s12, s6, $0x38;
	[tilespmem:$0x18000] =	vst v63  }
0x28a: {  	s18 =	simm.s32 $0xC00;
	s16 =	simm.s32 $0x8000;
	s19 =	sadd.s32 $0xC0, s23  }
0x28b: {  	[hbm4b:s19+s6] =	stream.strided.scatter [tilespmem:s18], [sflag:$0x4], $0x400, s12, s6, $0x38;
	[tilespmem:$0x18000] =	vst v63  }
0x28c: {  	s17 =	sadd.s32 $0x1000, s23;
	s20 =	simm.s32 $0x1000;
	s21 =	sadd.s32 $0x100, s23  }
0x28d: {  	[hbm4b:s21+s6] =	stream.strided.scatter [tilespmem:s20], [sflag:$0x4], $0x400, s12, s6, $0x38;
	[tilespmem:$0x18000] =	vst v63  }
0x28e: {  	s18 =	simm.s32 $0x1400;
	s19 =	sadd.s32 $0x140, s23;
	s20 =	simm.s32 $0x1800  }
0x28f: {  	[hbm4b:s19+s6] =	stream.strided.scatter [tilespmem:s18], [sflag:$0x4], $0x400, s12, s6, $0x38;
	[tilespmem:$0x18000] =	vst v63  }
0x290: {  	s21 =	sadd.s32 $0x180, s23;
	s18 =	simm.s32 $0x1C00;
	s19 =	sadd.s32 $0x1C0, s23  }
0x291: {  	[hbm4b:s21+s6] =	stream.strided.scatter [tilespmem:s20], [sflag:$0x4], $0x400, s12, s6, $0x38;
	[tilespmem:$0x18000] =	vst v63  }
.LBB2_28:
0x292: {  	[hbm4b:s19+s6] =	stream.strided.scatter [tilespmem:s18], [sflag:$0x4], $0x400, s12, s6, $0x38;
	[tilespmem:$0x18000] =	vst v63  }
0x293: {  	s18 =	sshra.s32 s16, $0x2;
	p0 =	sne.s32 s16, $0x18000;
	s16 =	sadd.s32 $0x8000, s16  }
0x294: {  	[hbm4b:s17+s6] =	stream.strided.scatter [tilespmem:s18], [sflag:$0x4], $0x400, s12, s6, $0x38;
	[tilespmem:$0x18000] =	vst v63  }
0x295: {  	s20 =	sadd.s32 $0x40, s17;
	s19 =	sadd.s32 $0x400, s18  }
0x296: {  	[hbm4b:s20+s6] =	stream.strided.scatter [tilespmem:s19], [sflag:$0x4], $0x400, s12, s6, $0x38;
	[tilespmem:$0x18000] =	vst v63  }
0x297: {  	s19 =	sadd.s32 $0x800, s18;
	s20 =	sadd.s32 $0x80, s17  }
0x298: {  	[hbm4b:s20+s6] =	stream.strided.scatter [tilespmem:s19], [sflag:$0x4], $0x400, s12, s6, $0x38;
	[tilespmem:$0x18000] =	vst v63  }
0x299: {  	s19 =	sadd.s32 $0xC00, s18;
	s20 =	sadd.s32 $0xC0, s17  }
0x29a: {  	[hbm4b:s20+s6] =	stream.strided.scatter [tilespmem:s19], [sflag:$0x4], $0x400, s12, s6, $0x38;
	[tilespmem:$0x18000] =	vst v63  }
0x29b: {  	s19 =	sadd.s32 $0x1000, s18;
	s20 =	sadd.s32 $0x100, s17  }
0x29c: {  	[hbm4b:s20+s6] =	stream.strided.scatter [tilespmem:s19], [sflag:$0x4], $0x400, s12, s6, $0x38;
	[tilespmem:$0x18000] =	vst v63  }
.Ltmp13:
0x29d: {  	s19 =	sadd.s32 $0x1400, s18;
	s20 =	sadd.s32 $0x140, s17;
	(pc) =	sbr.rel @p0 .LBB2_28-.Ltmp13, $4  }
0x29e: {  	[hbm4b:s20+s6] =	stream.strided.scatter [tilespmem:s19], [sflag:$0x4], $0x400, s12, s6, $0x38;
	[tilespmem:$0x18000] =	vst v63  }
0x29f: {  	s19 =	sadd.s32 $0x1800, s18;
	s20 =	sadd.s32 $0x180, s17  }
0x2a0: {  	[hbm4b:s20+s6] =	stream.strided.scatter [tilespmem:s19], [sflag:$0x4], $0x400, s12, s6, $0x38;
	[tilespmem:$0x18000] =	vst v63  }
0x2a1: {  	s18 =	sadd.s32 $0x1C00, s18;
	s19 =	sadd.s32 $0x1C0, s17;
	s17 =	sadd.s32 $0x1000, s17  }
0x2a2: {  	[hbm4b:s19+s6] =	stream.strided.scatter [tilespmem:s18], [sflag:$0x4], $0x400, s12, s6, $0x38;
	[tilespmem:$0x18000] =	vst v63  }
0x2a3: {  	s16 =	simm.s32 $0x0  }
0x2a4: {  	[hbm4b:s24+s6] =	stream.strided.scatter [tilespmem:s16], [sflag:$0x4], $0x400, s12, s6, $0x38;
	[tilespmem:$0x18000] =	vst v63  }
0x2a5: {  	s19 =	simm.s32 $0x400;
	s17 =	sadd.s32 $0x40, s24  }
0x2a6: {  	[hbm4b:s17+s6] =	stream.strided.scatter [tilespmem:s19], [sflag:$0x4], $0x400, s12, s6, $0x38;
	[tilespmem:$0x18000] =	vst v63  }
0x2a7: {  	s20 =	simm.s32 $0x800;
	s21 =	sadd.s32 $0x80, s24  }
0x2a8: {  	[hbm4b:s21+s6] =	stream.strided.scatter [tilespmem:s20], [sflag:$0x4], $0x400, s12, s6, $0x38;
	[tilespmem:$0x18000] =	vst v63  }
0x2a9: {  	s18 =	simm.s32 $0xC00;
	s16 =	simm.s32 $0x8000;
	s19 =	sadd.s32 $0xC0, s24  }
0x2aa: {  	[hbm4b:s19+s6] =	stream.strided.scatter [tilespmem:s18], [sflag:$0x4], $0x400, s12, s6, $0x38;
	[tilespmem:$0x18000] =	vst v63  }
0x2ab: {  	s17 =	sadd.s32 $0x1000, s24;
	s20 =	simm.s32 $0x1000;
	s21 =	sadd.s32 $0x100, s24  }
0x2ac: {  	[hbm4b:s21+s6] =	stream.strided.scatter [tilespmem:s20], [sflag:$0x4], $0x400, s12, s6, $0x38;
	[tilespmem:$0x18000] =	vst v63  }
0x2ad: {  	s18 =	simm.s32 $0x1400;
	s19 =	sadd.s32 $0x140, s24;
	s20 =	simm.s32 $0x1800  }
0x2ae: {  	[hbm4b:s19+s6] =	stream.strided.scatter [tilespmem:s18], [sflag:$0x4], $0x400, s12, s6, $0x38;
	[tilespmem:$0x18000] =	vst v63  }
0x2af: {  	s21 =	sadd.s32 $0x180, s24;
	s18 =	simm.s32 $0x1C00;
	s19 =	sadd.s32 $0x1C0, s24  }
0x2b0: {  	[hbm4b:s21+s6] =	stream.strided.scatter [tilespmem:s20], [sflag:$0x4], $0x400, s12, s6, $0x38;
	[tilespmem:$0x18000] =	vst v63  }
.LBB2_30:
0x2b1: {  	[hbm4b:s19+s6] =	stream.strided.scatter [tilespmem:s18], [sflag:$0x4], $0x400, s12, s6, $0x38;
	[tilespmem:$0x18000] =	vst v63  }
0x2b2: {  	s18 =	sshra.s32 s16, $0x2;
	p0 =	sne.s32 s16, $0x18000;
	s16 =	sadd.s32 $0x8000, s16  }
0x2b3: {  	[hbm4b:s17+s6] =	stream.strided.scatter [tilespmem:s18], [sflag:$0x4], $0x400, s12, s6, $0x38;
	[tilespmem:$0x18000] =	vst v63  }
0x2b4: {  	s20 =	sadd.s32 $0x40, s17;
	s19 =	sadd.s32 $0x400, s18  }
0x2b5: {  	[hbm4b:s20+s6] =	stream.strided.scatter [tilespmem:s19], [sflag:$0x4], $0x400, s12, s6, $0x38;
	[tilespmem:$0x18000] =	vst v63  }
0x2b6: {  	s19 =	sadd.s32 $0x800, s18;
	s20 =	sadd.s32 $0x80, s17  }
0x2b7: {  	[hbm4b:s20+s6] =	stream.strided.scatter [tilespmem:s19], [sflag:$0x4], $0x400, s12, s6, $0x38;
	[tilespmem:$0x18000] =	vst v63  }
0x2b8: {  	s19 =	sadd.s32 $0xC00, s18;
	s20 =	sadd.s32 $0xC0, s17  }
0x2b9: {  	[hbm4b:s20+s6] =	stream.strided.scatter [tilespmem:s19], [sflag:$0x4], $0x400, s12, s6, $0x38;
	[tilespmem:$0x18000] =	vst v63  }
0x2ba: {  	s19 =	sadd.s32 $0x1000, s18;
	s20 =	sadd.s32 $0x100, s17  }
0x2bb: {  	[hbm4b:s20+s6] =	stream.strided.scatter [tilespmem:s19], [sflag:$0x4], $0x400, s12, s6, $0x38;
	[tilespmem:$0x18000] =	vst v63  }
.Ltmp14:
0x2bc: {  	s19 =	sadd.s32 $0x1400, s18;
	s20 =	sadd.s32 $0x140, s17;
	(pc) =	sbr.rel @p0 .LBB2_30-.Ltmp14, $4  }
0x2bd: {  	[hbm4b:s20+s6] =	stream.strided.scatter [tilespmem:s19], [sflag:$0x4], $0x400, s12, s6, $0x38;
	[tilespmem:$0x18000] =	vst v63  }
0x2be: {  	s19 =	sadd.s32 $0x1800, s18;
	s20 =	sadd.s32 $0x180, s17  }
0x2bf: {  	[hbm4b:s20+s6] =	stream.strided.scatter [tilespmem:s19], [sflag:$0x4], $0x400, s12, s6, $0x38;
	[tilespmem:$0x18000] =	vst v63  }
0x2c0: {  	s18 =	sadd.s32 $0x1C00, s18;
	s19 =	sadd.s32 $0x1C0, s17;
	s17 =	sadd.s32 $0x1000, s17  }
0x2c1: {  	[hbm4b:s19+s6] =	stream.strided.scatter [tilespmem:s18], [sflag:$0x4], $0x400, s12, s6, $0x38;
	[tilespmem:$0x18000] =	vst v63  }
0x2c2: {  	s16 =	simm.s32 $0x0  }
0x2c3: {  	[hbm4b:s25+s6] =	stream.strided.scatter [tilespmem:s16], [sflag:$0x4], $0x400, s12, s6, $0x38;
	[tilespmem:$0x18000] =	vst v63  }
0x2c4: {  	s19 =	simm.s32 $0x400;
	s17 =	sadd.s32 $0x40, s25  }
0x2c5: {  	[hbm4b:s17+s6] =	stream.strided.scatter [tilespmem:s19], [sflag:$0x4], $0x400, s12, s6, $0x38;
	[tilespmem:$0x18000] =	vst v63  }
0x2c6: {  	s20 =	simm.s32 $0x800;
	s21 =	sadd.s32 $0x80, s25  }
0x2c7: {  	[hbm4b:s21+s6] =	stream.strided.scatter [tilespmem:s20], [sflag:$0x4], $0x400, s12, s6, $0x38;
	[tilespmem:$0x18000] =	vst v63  }
0x2c8: {  	s18 =	simm.s32 $0xC00;
	s16 =	simm.s32 $0x8000;
	s19 =	sadd.s32 $0xC0, s25  }
0x2c9: {  	[hbm4b:s19+s6] =	stream.strided.scatter [tilespmem:s18], [sflag:$0x4], $0x400, s12, s6, $0x38;
	[tilespmem:$0x18000] =	vst v63  }
0x2ca: {  	s17 =	sadd.s32 $0x1000, s25;
	s20 =	simm.s32 $0x1000;
	s21 =	sadd.s32 $0x100, s25  }
0x2cb: {  	[hbm4b:s21+s6] =	stream.strided.scatter [tilespmem:s20], [sflag:$0x4], $0x400, s12, s6, $0x38;
	[tilespmem:$0x18000] =	vst v63  }
0x2cc: {  	s18 =	simm.s32 $0x1400;
	s19 =	sadd.s32 $0x140, s25;
	s20 =	simm.s32 $0x1800  }
0x2cd: {  	[hbm4b:s19+s6] =	stream.strided.scatter [tilespmem:s18], [sflag:$0x4], $0x400, s12, s6, $0x38;
	[tilespmem:$0x18000] =	vst v63  }
0x2ce: {  	s21 =	sadd.s32 $0x180, s25;
	s18 =	simm.s32 $0x1C00;
	s19 =	sadd.s32 $0x1C0, s25  }
0x2cf: {  	[hbm4b:s21+s6] =	stream.strided.scatter [tilespmem:s20], [sflag:$0x4], $0x400, s12, s6, $0x38;
	[tilespmem:$0x18000] =	vst v63  }
.LBB2_32:
0x2d0: {  	[hbm4b:s19+s6] =	stream.strided.scatter [tilespmem:s18], [sflag:$0x4], $0x400, s12, s6, $0x38;
	[tilespmem:$0x18000] =	vst v63  }
0x2d1: {  	s18 =	sshra.s32 s16, $0x2;
	p0 =	sne.s32 s16, $0x18000;
	s16 =	sadd.s32 $0x8000, s16  }
0x2d2: {  	[hbm4b:s17+s6] =	stream.strided.scatter [tilespmem:s18], [sflag:$0x4], $0x400, s12, s6, $0x38;
	[tilespmem:$0x18000] =	vst v63  }
0x2d3: {  	s20 =	sadd.s32 $0x40, s17;
	s19 =	sadd.s32 $0x400, s18  }
0x2d4: {  	[hbm4b:s20+s6] =	stream.strided.scatter [tilespmem:s19], [sflag:$0x4], $0x400, s12, s6, $0x38;
	[tilespmem:$0x18000] =	vst v63  }
0x2d5: {  	s19 =	sadd.s32 $0x800, s18;
	s20 =	sadd.s32 $0x80, s17  }
0x2d6: {  	[hbm4b:s20+s6] =	stream.strided.scatter [tilespmem:s19], [sflag:$0x4], $0x400, s12, s6, $0x38;
	[tilespmem:$0x18000] =	vst v63  }
0x2d7: {  	s19 =	sadd.s32 $0xC00, s18;
	s20 =	sadd.s32 $0xC0, s17  }
0x2d8: {  	[hbm4b:s20+s6] =	stream.strided.scatter [tilespmem:s19], [sflag:$0x4], $0x400, s12, s6, $0x38;
	[tilespmem:$0x18000] =	vst v63  }
0x2d9: {  	s19 =	sadd.s32 $0x1000, s18;
	s20 =	sadd.s32 $0x100, s17  }
0x2da: {  	[hbm4b:s20+s6] =	stream.strided.scatter [tilespmem:s19], [sflag:$0x4], $0x400, s12, s6, $0x38;
	[tilespmem:$0x18000] =	vst v63  }
.Ltmp15:
0x2db: {  	s19 =	sadd.s32 $0x1400, s18;
	s20 =	sadd.s32 $0x140, s17;
	(pc) =	sbr.rel @p0 .LBB2_32-.Ltmp15, $4  }
0x2dc: {  	[hbm4b:s20+s6] =	stream.strided.scatter [tilespmem:s19], [sflag:$0x4], $0x400, s12, s6, $0x38;
	[tilespmem:$0x18000] =	vst v63  }
0x2dd: {  	s19 =	sadd.s32 $0x1800, s18;
	s20 =	sadd.s32 $0x180, s17  }
0x2de: {  	[hbm4b:s20+s6] =	stream.strided.scatter [tilespmem:s19], [sflag:$0x4], $0x400, s12, s6, $0x38;
	[tilespmem:$0x18000] =	vst v63  }
0x2df: {  	s18 =	sadd.s32 $0x1C00, s18;
	s19 =	sadd.s32 $0x1C0, s17;
	s17 =	sadd.s32 $0x1000, s17  }
0x2e0: {  	[hbm4b:s19+s6] =	stream.strided.scatter [tilespmem:s18], [sflag:$0x4], $0x400, s12, s6, $0x38;
	[tilespmem:$0x18000] =	vst v63  }
0x2e1: {  	_ =	swait.ge [sflag:s13], $0x8000  }
0x2e2: {  	[sflag:s13] =	ssyncset.done $0x0  }
0x2e3: {  	[sflag:s13] =	ssyncadd.s32 $0xFFFF8000  }
0x2e4: {  	_ =	swait.ge [sflag:s13], $0x8000  }
0x2e5: {  	[sflag:s13] =	ssyncset.done $0x0  }
0x2e6: {  	[sflag:s13] =	ssyncadd.s32 $0xFFFF8000  }
0x2e7: {  	_ =	swait.ge [sflag:s13], $0x8000  }
0x2e8: {  	[sflag:s13] =	ssyncset.done $0x0  }
0x2e9: {  	[sflag:s13] =	ssyncadd.s32 $0xFFFF8000  }
0x2ea: {  	_ =	swait.ge [sflag:s13], $0x8000  }
0x2eb: {  	s16 =	simm.s32 $0x0;
	[sflag:s13] =	ssyncset.done $0x0  }
0x2ec: {  	s21 =	simm.s32 $0x2;
	s17 =	rddreg [dreg:$0xb];
	[sflag:s13] =	ssyncadd.s32 $0xFFFF8000  }
0x2ed: {  	[tilespmem:s16], [sflag:$0x1] =	stream.linear.gather [hbm4b:s17+s16], $0x8000, $0x38;
	[tilespmem:$0x18000] =	vst v63  }
0x2ee: {  	_ =	swait.ge [sflag:s21], $0x8000  }
0x2ef: {  	[sflag:s21] =	ssyncset.done $0x0  }
0x2f0: {  	s17 =	simm.s32 $0x8000;
	[sflag:s21] =	ssyncadd.s32 $0xFFFF8000  }
0x2f1: {  	[hbm4b:s26+s6] =	stream.strided.scatter [tilespmem:s17], [sflag:$0x5], $0x400, s12, s6, $0x38;
	[tilespmem:$0x18000] =	vst v63  }
0x2f2: {  	s18 =	simm.s32 $0x8400;
	s19 =	sadd.s32 $0x40, s26  }
0x2f3: {  	[hbm4b:s19+s6] =	stream.strided.scatter [tilespmem:s18], [sflag:$0x5], $0x400, s12, s6, $0x38;
	[tilespmem:$0x18000] =	vst v63  }
0x2f4: {  	s20 =	simm.s32 $0x8800;
	s21 =	sadd.s32 $0x80, s26  }
0x2f5: {  	[hbm4b:s21+s6] =	stream.strided.scatter [tilespmem:s20], [sflag:$0x5], $0x400, s12, s6, $0x38;
	[tilespmem:$0x18000] =	vst v63  }
0x2f6: {  	s18 =	simm.s32 $0x8C00;
	s19 =	sadd.s32 $0xC0, s26  }
0x2f7: {  	[hbm4b:s19+s6] =	stream.strided.scatter [tilespmem:s18], [sflag:$0x5], $0x400, s12, s6, $0x38;
	[tilespmem:$0x18000] =	vst v63  }
0x2f8: {  	s20 =	simm.s32 $0x9000;
	s21 =	sadd.s32 $0x100, s26  }
0x2f9: {  	[hbm4b:s21+s6] =	stream.strided.scatter [tilespmem:s20], [sflag:$0x5], $0x400, s12, s6, $0x38;
	[tilespmem:$0x18000] =	vst v63  }
0x2fa: {  	s16 =	simm.s32 $0x2000;
	s18 =	simm.s32 $0x9400;
	s19 =	sadd.s32 $0x140, s26  }
0x2fb: {  	[hbm4b:s19+s6] =	stream.strided.scatter [tilespmem:s18], [sflag:$0x5], $0x400, s12, s6, $0x38;
	[tilespmem:$0x18000] =	vst v63  }
0x2fc: {  	s17 =	sadd.s32 $0x1000, s26;
	s20 =	simm.s32 $0x9800;
	s21 =	sadd.s32 $0x180, s26  }
0x2fd: {  	[hbm4b:s21+s6] =	stream.strided.scatter [tilespmem:s20], [sflag:$0x5], $0x400, s12, s6, $0x38;
	[tilespmem:$0x18000] =	vst v63  }
0x2fe: {  	s18 =	simm.s32 $0x10000;
	s19 =	simm.s32 $0x9C00;
	s20 =	sadd.s32 $0x1C0, s26  }
.LBB2_34:
0x2ff: {  	[hbm4b:s20+s6] =	stream.strided.scatter [tilespmem:s19], [sflag:$0x5], $0x400, s12, s6, $0x38;
	[tilespmem:$0x18000] =	vst v63  }
0x300: {  	s19 =	smov.u32 s16;
	s16 =	smov.u32 s18  }
0x301: {  	s21 =	sadd.s32 $0x8000, s18;
	s16 =	sshra.s32 s16, $0x2;
	s20 =	sadd.s32 $0x8000, s19  }
0x302: {  	[hbm4b:s17+s6] =	stream.strided.scatter [tilespmem:s20], [sflag:$0x5], $0x400, s12, s6, $0x38;
	[tilespmem:$0x18000] =	vst v63  }
0x303: {  	p0 =	sne.s32 s18, $0x18000;
	s18 =	sadd.s32 $0x8400, s19;
	s20 =	sadd.s32 $0x40, s17  }
0x304: {  	[hbm4b:s20+s6] =	stream.strided.scatter [tilespmem:s18], [sflag:$0x5], $0x400, s12, s6, $0x38;
	[tilespmem:$0x18000] =	vst v63  }
0x305: {  	s18 =	sadd.s32 $0x8800, s19;
	s20 =	sadd.s32 $0x80, s17  }
0x306: {  	[hbm4b:s20+s6] =	stream.strided.scatter [tilespmem:s18], [sflag:$0x5], $0x400, s12, s6, $0x38;
	[tilespmem:$0x18000] =	vst v63  }
0x307: {  	s18 =	sadd.s32 $0x8C00, s19;
	s20 =	sadd.s32 $0xC0, s17  }
0x308: {  	[hbm4b:s20+s6] =	stream.strided.scatter [tilespmem:s18], [sflag:$0x5], $0x400, s12, s6, $0x38;
	[tilespmem:$0x18000] =	vst v63  }
0x309: {  	s18 =	sadd.s32 $0x9000, s19;
	s20 =	sadd.s32 $0x100, s17  }
0x30a: {  	[hbm4b:s20+s6] =	stream.strided.scatter [tilespmem:s18], [sflag:$0x5], $0x400, s12, s6, $0x38;
	[tilespmem:$0x18000] =	vst v63  }
.Ltmp16:
0x30b: {  	s18 =	sadd.s32 $0x9400, s19;
	s20 =	sadd.s32 $0x140, s17;
	(pc) =	sbr.rel @p0 .LBB2_34-.Ltmp16, $4  }
0x30c: {  	[hbm4b:s20+s6] =	stream.strided.scatter [tilespmem:s18], [sflag:$0x5], $0x400, s12, s6, $0x38;
	[tilespmem:$0x18000] =	vst v63  }
0x30d: {  	s18 =	sadd.s32 $0x9800, s19;
	s20 =	sadd.s32 $0x180, s17;
	s19 =	sadd.s32 $0x9C00, s19  }
0x30e: {  	[hbm4b:s20+s6] =	stream.strided.scatter [tilespmem:s18], [sflag:$0x5], $0x400, s12, s6, $0x38;
	[tilespmem:$0x18000] =	vst v63  }
0x30f: {  	s20 =	sadd.s32 $0x1C0, s17;
	s17 =	sadd.s32 $0x1000, s17;
	s18 =	smov.u32 s21  }
0x310: {  	[hbm4b:s20+s6] =	stream.strided.scatter [tilespmem:s19], [sflag:$0x5], $0x400, s12, s6, $0x38;
	[tilespmem:$0x18000] =	vst v63  }
0x311: {  	s18 =	sadd.s32 $0x8000, s16  }
0x312: {  	[hbm4b:s17+s6] =	stream.strided.scatter [tilespmem:s18], [sflag:$0x5], $0x400, s12, s6, $0x38;
	[tilespmem:$0x18000] =	vst v63  }
0x313: {  	s20 =	sadd.s32 $0x8400, s16;
	s21 =	sadd.s32 $0x40, s17  }
0x314: {  	[hbm4b:s21+s6] =	stream.strided.scatter [tilespmem:s20], [sflag:$0x5], $0x400, s12, s6, $0x38;
	[tilespmem:$0x18000] =	vst v63  }
0x315: {  	s20 =	sadd.s32 $0x8800, s16;
	s21 =	sadd.s32 $0x80, s17  }
0x316: {  	[hbm4b:s21+s6] =	stream.strided.scatter [tilespmem:s20], [sflag:$0x5], $0x400, s12, s6, $0x38;
	[tilespmem:$0x18000] =	vst v63  }
0x317: {  	s20 =	sadd.s32 $0x8C00, s16;
	s21 =	sadd.s32 $0xC0, s17  }
0x318: {  	[hbm4b:s21+s6] =	stream.strided.scatter [tilespmem:s20], [sflag:$0x5], $0x400, s12, s6, $0x38;
	[tilespmem:$0x18000] =	vst v63  }
0x319: {  	s20 =	sadd.s32 $0x9000, s16;
	s21 =	sadd.s32 $0x100, s17  }
0x31a: {  	[hbm4b:s21+s6] =	stream.strided.scatter [tilespmem:s20], [sflag:$0x5], $0x400, s12, s6, $0x38;
	[tilespmem:$0x18000] =	vst v63  }
0x31b: {  	s20 =	sadd.s32 $0x9400, s16;
	s21 =	sadd.s32 $0x140, s17  }
0x31c: {  	[hbm4b:s21+s6] =	stream.strided.scatter [tilespmem:s20], [sflag:$0x5], $0x400, s12, s6, $0x38;
	[tilespmem:$0x18000] =	vst v63  }
0x31d: {  	s20 =	sadd.s32 $0x9800, s16;
	s21 =	sadd.s32 $0x180, s17  }
0x31e: {  	[hbm4b:s21+s6] =	stream.strided.scatter [tilespmem:s20], [sflag:$0x5], $0x400, s12, s6, $0x38;
	[tilespmem:$0x18000] =	vst v63  }
0x31f: {  	s20 =	sadd.s32 $0x9C00, s16;
	s21 =	sadd.s32 $0x1C0, s17  }
0x320: {  	[hbm4b:s21+s6] =	stream.strided.scatter [tilespmem:s20], [sflag:$0x5], $0x400, s12, s6, $0x38;
	[tilespmem:$0x18000] =	vst v63  }
0x321: {  	s17 =	simm.s32 $0x8000  }
0x322: {  	[hbm4b:s28+s6] =	stream.strided.scatter [tilespmem:s17], [sflag:$0x5], $0x400, s12, s6, $0x38;
	[tilespmem:$0x18000] =	vst v63  }
0x323: {  	s19 =	sadd.s32 $0x40, s28;
	s18 =	simm.s32 $0x8400  }
0x324: {  	[hbm4b:s19+s6] =	stream.strided.scatter [tilespmem:s18], [sflag:$0x5], $0x400, s12, s6, $0x38;
	[tilespmem:$0x18000] =	vst v63  }
0x325: {  	s20 =	simm.s32 $0x8800;
	s21 =	sadd.s32 $0x80, s28  }
0x326: {  	[hbm4b:s21+s6] =	stream.strided.scatter [tilespmem:s20], [sflag:$0x5], $0x400, s12, s6, $0x38;
	[tilespmem:$0x18000] =	vst v63  }
0x327: {  	s18 =	simm.s32 $0x8C00;
	s19 =	sadd.s32 $0xC0, s28  }
0x328: {  	[hbm4b:s19+s6] =	stream.strided.scatter [tilespmem:s18], [sflag:$0x5], $0x400, s12, s6, $0x38;
	[tilespmem:$0x18000] =	vst v63  }
0x329: {  	s20 =	simm.s32 $0x9000;
	s21 =	sadd.s32 $0x100, s28  }
0x32a: {  	[hbm4b:s21+s6] =	stream.strided.scatter [tilespmem:s20], [sflag:$0x5], $0x400, s12, s6, $0x38;
	[tilespmem:$0x18000] =	vst v63  }
0x32b: {  	s16 =	simm.s32 $0x2000;
	s18 =	simm.s32 $0x9400;
	s19 =	sadd.s32 $0x140, s28  }
0x32c: {  	[hbm4b:s19+s6] =	stream.strided.scatter [tilespmem:s18], [sflag:$0x5], $0x400, s12, s6, $0x38;
	[tilespmem:$0x18000] =	vst v63  }
0x32d: {  	s17 =	sadd.s32 $0x1000, s28;
	s20 =	simm.s32 $0x9800;
	s21 =	sadd.s32 $0x180, s28  }
0x32e: {  	[hbm4b:s21+s6] =	stream.strided.scatter [tilespmem:s20], [sflag:$0x5], $0x400, s12, s6, $0x38;
	[tilespmem:$0x18000] =	vst v63  }
0x32f: {  	s18 =	simm.s32 $0x10000;
	s19 =	simm.s32 $0x9C00;
	s20 =	sadd.s32 $0x1C0, s28  }
.LBB2_36:
0x330: {  	[hbm4b:s20+s6] =	stream.strided.scatter [tilespmem:s19], [sflag:$0x5], $0x400, s12, s6, $0x38;
	[tilespmem:$0x18000] =	vst v63  }
0x331: {  	s19 =	smov.u32 s16;
	s16 =	smov.u32 s18  }
0x332: {  	s21 =	sadd.s32 $0x8000, s18;
	s16 =	sshra.s32 s16, $0x2;
	s20 =	sadd.s32 $0x8000, s19  }
0x333: {  	[hbm4b:s17+s6] =	stream.strided.scatter [tilespmem:s20], [sflag:$0x5], $0x400, s12, s6, $0x38;
	[tilespmem:$0x18000] =	vst v63  }
0x334: {  	p0 =	sne.s32 s18, $0x18000;
	s18 =	sadd.s32 $0x8400, s19;
	s20 =	sadd.s32 $0x40, s17  }
0x335: {  	[hbm4b:s20+s6] =	stream.strided.scatter [tilespmem:s18], [sflag:$0x5], $0x400, s12, s6, $0x38;
	[tilespmem:$0x18000] =	vst v63  }
0x336: {  	s18 =	sadd.s32 $0x8800, s19;
	s20 =	sadd.s32 $0x80, s17  }
0x337: {  	[hbm4b:s20+s6] =	stream.strided.scatter [tilespmem:s18], [sflag:$0x5], $0x400, s12, s6, $0x38;
	[tilespmem:$0x18000] =	vst v63  }
0x338: {  	s18 =	sadd.s32 $0x8C00, s19;
	s20 =	sadd.s32 $0xC0, s17  }
0x339: {  	[hbm4b:s20+s6] =	stream.strided.scatter [tilespmem:s18], [sflag:$0x5], $0x400, s12, s6, $0x38;
	[tilespmem:$0x18000] =	vst v63  }
0x33a: {  	s18 =	sadd.s32 $0x9000, s19;
	s20 =	sadd.s32 $0x100, s17  }
0x33b: {  	[hbm4b:s20+s6] =	stream.strided.scatter [tilespmem:s18], [sflag:$0x5], $0x400, s12, s6, $0x38;
	[tilespmem:$0x18000] =	vst v63  }
.Ltmp17:
0x33c: {  	s18 =	sadd.s32 $0x9400, s19;
	s20 =	sadd.s32 $0x140, s17;
	(pc) =	sbr.rel @p0 .LBB2_36-.Ltmp17, $4  }
0x33d: {  	[hbm4b:s20+s6] =	stream.strided.scatter [tilespmem:s18], [sflag:$0x5], $0x400, s12, s6, $0x38;
	[tilespmem:$0x18000] =	vst v63  }
0x33e: {  	s18 =	sadd.s32 $0x9800, s19;
	s20 =	sadd.s32 $0x180, s17;
	s19 =	sadd.s32 $0x9C00, s19  }
0x33f: {  	[hbm4b:s20+s6] =	stream.strided.scatter [tilespmem:s18], [sflag:$0x5], $0x400, s12, s6, $0x38;
	[tilespmem:$0x18000] =	vst v63  }
0x340: {  	s20 =	sadd.s32 $0x1C0, s17;
	s17 =	sadd.s32 $0x1000, s17;
	s18 =	smov.u32 s21  }
0x341: {  	[hbm4b:s20+s6] =	stream.strided.scatter [tilespmem:s19], [sflag:$0x5], $0x400, s12, s6, $0x38;
	[tilespmem:$0x18000] =	vst v63  }
0x342: {  	s18 =	sadd.s32 $0x8000, s16  }
0x343: {  	[hbm4b:s17+s6] =	stream.strided.scatter [tilespmem:s18], [sflag:$0x5], $0x400, s12, s6, $0x38;
	[tilespmem:$0x18000] =	vst v63  }
0x344: {  	s20 =	sadd.s32 $0x8400, s16;
	s21 =	sadd.s32 $0x40, s17  }
0x345: {  	[hbm4b:s21+s6] =	stream.strided.scatter [tilespmem:s20], [sflag:$0x5], $0x400, s12, s6, $0x38;
	[tilespmem:$0x18000] =	vst v63  }
0x346: {  	s20 =	sadd.s32 $0x8800, s16;
	s21 =	sadd.s32 $0x80, s17  }
0x347: {  	[hbm4b:s21+s6] =	stream.strided.scatter [tilespmem:s20], [sflag:$0x5], $0x400, s12, s6, $0x38;
	[tilespmem:$0x18000] =	vst v63  }
0x348: {  	s20 =	sadd.s32 $0x8C00, s16;
	s21 =	sadd.s32 $0xC0, s17  }
0x349: {  	[hbm4b:s21+s6] =	stream.strided.scatter [tilespmem:s20], [sflag:$0x5], $0x400, s12, s6, $0x38;
	[tilespmem:$0x18000] =	vst v63  }
0x34a: {  	s20 =	sadd.s32 $0x9000, s16;
	s21 =	sadd.s32 $0x100, s17  }
0x34b: {  	[hbm4b:s21+s6] =	stream.strided.scatter [tilespmem:s20], [sflag:$0x5], $0x400, s12, s6, $0x38;
	[tilespmem:$0x18000] =	vst v63  }
0x34c: {  	s20 =	sadd.s32 $0x9400, s16;
	s21 =	sadd.s32 $0x140, s17  }
0x34d: {  	[hbm4b:s21+s6] =	stream.strided.scatter [tilespmem:s20], [sflag:$0x5], $0x400, s12, s6, $0x38;
	[tilespmem:$0x18000] =	vst v63  }
0x34e: {  	s20 =	sadd.s32 $0x9800, s16;
	s21 =	sadd.s32 $0x180, s17  }
0x34f: {  	[hbm4b:s21+s6] =	stream.strided.scatter [tilespmem:s20], [sflag:$0x5], $0x400, s12, s6, $0x38;
	[tilespmem:$0x18000] =	vst v63  }
0x350: {  	s20 =	sadd.s32 $0x9C00, s16;
	s21 =	sadd.s32 $0x1C0, s17  }
0x351: {  	[hbm4b:s21+s6] =	stream.strided.scatter [tilespmem:s20], [sflag:$0x5], $0x400, s12, s6, $0x38;
	[tilespmem:$0x18000] =	vst v63  }
0x352: {  	s17 =	simm.s32 $0x8000  }
0x353: {  	[hbm4b:s29+s6] =	stream.strided.scatter [tilespmem:s17], [sflag:$0x5], $0x400, s12, s6, $0x38;
	[tilespmem:$0x18000] =	vst v63  }
0x354: {  	s19 =	sadd.s32 $0x40, s29;
	s18 =	simm.s32 $0x8400  }
0x355: {  	[hbm4b:s19+s6] =	stream.strided.scatter [tilespmem:s18], [sflag:$0x5], $0x400, s12, s6, $0x38;
	[tilespmem:$0x18000] =	vst v63  }
0x356: {  	s20 =	simm.s32 $0x8800;
	s21 =	sadd.s32 $0x80, s29  }
0x357: {  	[hbm4b:s21+s6] =	stream.strided.scatter [tilespmem:s20], [sflag:$0x5], $0x400, s12, s6, $0x38;
	[tilespmem:$0x18000] =	vst v63  }
0x358: {  	s18 =	simm.s32 $0x8C00;
	s19 =	sadd.s32 $0xC0, s29  }
0x359: {  	[hbm4b:s19+s6] =	stream.strided.scatter [tilespmem:s18], [sflag:$0x5], $0x400, s12, s6, $0x38;
	[tilespmem:$0x18000] =	vst v63  }
0x35a: {  	s20 =	simm.s32 $0x9000;
	s21 =	sadd.s32 $0x100, s29  }
0x35b: {  	[hbm4b:s21+s6] =	stream.strided.scatter [tilespmem:s20], [sflag:$0x5], $0x400, s12, s6, $0x38;
	[tilespmem:$0x18000] =	vst v63  }
0x35c: {  	s16 =	simm.s32 $0x2000;
	s18 =	simm.s32 $0x9400;
	s19 =	sadd.s32 $0x140, s29  }
0x35d: {  	[hbm4b:s19+s6] =	stream.strided.scatter [tilespmem:s18], [sflag:$0x5], $0x400, s12, s6, $0x38;
	[tilespmem:$0x18000] =	vst v63  }
0x35e: {  	s17 =	sadd.s32 $0x1000, s29;
	s20 =	simm.s32 $0x9800;
	s21 =	sadd.s32 $0x180, s29  }
0x35f: {  	[hbm4b:s21+s6] =	stream.strided.scatter [tilespmem:s20], [sflag:$0x5], $0x400, s12, s6, $0x38;
	[tilespmem:$0x18000] =	vst v63  }
0x360: {  	s18 =	simm.s32 $0x10000;
	s19 =	simm.s32 $0x9C00;
	s20 =	sadd.s32 $0x1C0, s29  }
.LBB2_38:
0x361: {  	[hbm4b:s20+s6] =	stream.strided.scatter [tilespmem:s19], [sflag:$0x5], $0x400, s12, s6, $0x38;
	[tilespmem:$0x18000] =	vst v63  }
0x362: {  	s19 =	smov.u32 s16;
	s16 =	smov.u32 s18  }
0x363: {  	s21 =	sadd.s32 $0x8000, s18;
	s16 =	sshra.s32 s16, $0x2;
	s20 =	sadd.s32 $0x8000, s19  }
0x364: {  	[hbm4b:s17+s6] =	stream.strided.scatter [tilespmem:s20], [sflag:$0x5], $0x400, s12, s6, $0x38;
	[tilespmem:$0x18000] =	vst v63  }
0x365: {  	p0 =	sne.s32 s18, $0x18000;
	s18 =	sadd.s32 $0x8400, s19;
	s20 =	sadd.s32 $0x40, s17  }
0x366: {  	[hbm4b:s20+s6] =	stream.strided.scatter [tilespmem:s18], [sflag:$0x5], $0x400, s12, s6, $0x38;
	[tilespmem:$0x18000] =	vst v63  }
0x367: {  	s18 =	sadd.s32 $0x8800, s19;
	s20 =	sadd.s32 $0x80, s17  }
0x368: {  	[hbm4b:s20+s6] =	stream.strided.scatter [tilespmem:s18], [sflag:$0x5], $0x400, s12, s6, $0x38;
	[tilespmem:$0x18000] =	vst v63  }
0x369: {  	s18 =	sadd.s32 $0x8C00, s19;
	s20 =	sadd.s32 $0xC0, s17  }
0x36a: {  	[hbm4b:s20+s6] =	stream.strided.scatter [tilespmem:s18], [sflag:$0x5], $0x400, s12, s6, $0x38;
	[tilespmem:$0x18000] =	vst v63  }
0x36b: {  	s18 =	sadd.s32 $0x9000, s19;
	s20 =	sadd.s32 $0x100, s17  }
0x36c: {  	[hbm4b:s20+s6] =	stream.strided.scatter [tilespmem:s18], [sflag:$0x5], $0x400, s12, s6, $0x38;
	[tilespmem:$0x18000] =	vst v63  }
.Ltmp18:
0x36d: {  	s18 =	sadd.s32 $0x9400, s19;
	s20 =	sadd.s32 $0x140, s17;
	(pc) =	sbr.rel @p0 .LBB2_38-.Ltmp18, $4  }
0x36e: {  	[hbm4b:s20+s6] =	stream.strided.scatter [tilespmem:s18], [sflag:$0x5], $0x400, s12, s6, $0x38;
	[tilespmem:$0x18000] =	vst v63  }
0x36f: {  	s18 =	sadd.s32 $0x9800, s19;
	s20 =	sadd.s32 $0x180, s17;
	s19 =	sadd.s32 $0x9C00, s19  }
0x370: {  	[hbm4b:s20+s6] =	stream.strided.scatter [tilespmem:s18], [sflag:$0x5], $0x400, s12, s6, $0x38;
	[tilespmem:$0x18000] =	vst v63  }
0x371: {  	s20 =	sadd.s32 $0x1C0, s17;
	s17 =	sadd.s32 $0x1000, s17;
	s18 =	smov.u32 s21  }
0x372: {  	[hbm4b:s20+s6] =	stream.strided.scatter [tilespmem:s19], [sflag:$0x5], $0x400, s12, s6, $0x38;
	[tilespmem:$0x18000] =	vst v63  }
0x373: {  	s18 =	sadd.s32 $0x8000, s16  }
0x374: {  	[hbm4b:s17+s6] =	stream.strided.scatter [tilespmem:s18], [sflag:$0x5], $0x400, s12, s6, $0x38;
	[tilespmem:$0x18000] =	vst v63  }
0x375: {  	s20 =	sadd.s32 $0x8400, s16;
	s21 =	sadd.s32 $0x40, s17  }
0x376: {  	[hbm4b:s21+s6] =	stream.strided.scatter [tilespmem:s20], [sflag:$0x5], $0x400, s12, s6, $0x38;
	[tilespmem:$0x18000] =	vst v63  }
0x377: {  	s20 =	sadd.s32 $0x8800, s16;
	s21 =	sadd.s32 $0x80, s17  }
0x378: {  	[hbm4b:s21+s6] =	stream.strided.scatter [tilespmem:s20], [sflag:$0x5], $0x400, s12, s6, $0x38;
	[tilespmem:$0x18000] =	vst v63  }
0x379: {  	s20 =	sadd.s32 $0x8C00, s16;
	s21 =	sadd.s32 $0xC0, s17  }
0x37a: {  	[hbm4b:s21+s6] =	stream.strided.scatter [tilespmem:s20], [sflag:$0x5], $0x400, s12, s6, $0x38;
	[tilespmem:$0x18000] =	vst v63  }
0x37b: {  	s20 =	sadd.s32 $0x9000, s16;
	s21 =	sadd.s32 $0x100, s17  }
0x37c: {  	[hbm4b:s21+s6] =	stream.strided.scatter [tilespmem:s20], [sflag:$0x5], $0x400, s12, s6, $0x38;
	[tilespmem:$0x18000] =	vst v63  }
0x37d: {  	s20 =	sadd.s32 $0x9400, s16;
	s21 =	sadd.s32 $0x140, s17  }
0x37e: {  	[hbm4b:s21+s6] =	stream.strided.scatter [tilespmem:s20], [sflag:$0x5], $0x400, s12, s6, $0x38;
	[tilespmem:$0x18000] =	vst v63  }
0x37f: {  	s20 =	sadd.s32 $0x9800, s16;
	s21 =	sadd.s32 $0x180, s17  }
0x380: {  	[hbm4b:s21+s6] =	stream.strided.scatter [tilespmem:s20], [sflag:$0x5], $0x400, s12, s6, $0x38;
	[tilespmem:$0x18000] =	vst v63  }
0x381: {  	s20 =	sadd.s32 $0x9C00, s16;
	s21 =	sadd.s32 $0x1C0, s17  }
0x382: {  	[hbm4b:s21+s6] =	stream.strided.scatter [tilespmem:s20], [sflag:$0x5], $0x400, s12, s6, $0x38;
	[tilespmem:$0x18000] =	vst v63  }
0x383: {  	s17 =	simm.s32 $0x8000  }
0x384: {  	[hbm4b:s30+s6] =	stream.strided.scatter [tilespmem:s17], [sflag:$0x5], $0x400, s12, s6, $0x38;
	[tilespmem:$0x18000] =	vst v63  }
0x385: {  	s19 =	sadd.s32 $0x40, s30;
	s18 =	simm.s32 $0x8400  }
0x386: {  	[hbm4b:s19+s6] =	stream.strided.scatter [tilespmem:s18], [sflag:$0x5], $0x400, s12, s6, $0x38;
	[tilespmem:$0x18000] =	vst v63  }
0x387: {  	s20 =	simm.s32 $0x8800;
	s21 =	sadd.s32 $0x80, s30  }
0x388: {  	[hbm4b:s21+s6] =	stream.strided.scatter [tilespmem:s20], [sflag:$0x5], $0x400, s12, s6, $0x38;
	[tilespmem:$0x18000] =	vst v63  }
0x389: {  	s18 =	simm.s32 $0x8C00;
	s19 =	sadd.s32 $0xC0, s30  }
0x38a: {  	[hbm4b:s19+s6] =	stream.strided.scatter [tilespmem:s18], [sflag:$0x5], $0x400, s12, s6, $0x38;
	[tilespmem:$0x18000] =	vst v63  }
0x38b: {  	s20 =	simm.s32 $0x9000;
	s21 =	sadd.s32 $0x100, s30  }
0x38c: {  	[hbm4b:s21+s6] =	stream.strided.scatter [tilespmem:s20], [sflag:$0x5], $0x400, s12, s6, $0x38;
	[tilespmem:$0x18000] =	vst v63  }
0x38d: {  	s16 =	simm.s32 $0x2000;
	s18 =	simm.s32 $0x9400;
	s19 =	sadd.s32 $0x140, s30  }
0x38e: {  	[hbm4b:s19+s6] =	stream.strided.scatter [tilespmem:s18], [sflag:$0x5], $0x400, s12, s6, $0x38;
	[tilespmem:$0x18000] =	vst v63  }
0x38f: {  	s17 =	sadd.s32 $0x1000, s30;
	s20 =	simm.s32 $0x9800;
	s21 =	sadd.s32 $0x180, s30  }
0x390: {  	[hbm4b:s21+s6] =	stream.strided.scatter [tilespmem:s20], [sflag:$0x5], $0x400, s12, s6, $0x38;
	[tilespmem:$0x18000] =	vst v63  }
0x391: {  	s18 =	simm.s32 $0x10000;
	s19 =	simm.s32 $0x9C00;
	s20 =	sadd.s32 $0x1C0, s30  }
.LBB2_40:
0x392: {  	[hbm4b:s20+s6] =	stream.strided.scatter [tilespmem:s19], [sflag:$0x5], $0x400, s12, s6, $0x38;
	[tilespmem:$0x18000] =	vst v63  }
0x393: {  	s19 =	smov.u32 s16;
	s16 =	smov.u32 s18  }
0x394: {  	s21 =	sadd.s32 $0x8000, s18;
	s16 =	sshra.s32 s16, $0x2;
	s20 =	sadd.s32 $0x8000, s19  }
0x395: {  	[hbm4b:s17+s6] =	stream.strided.scatter [tilespmem:s20], [sflag:$0x5], $0x400, s12, s6, $0x38;
	[tilespmem:$0x18000] =	vst v63  }
0x396: {  	p0 =	sne.s32 s18, $0x18000;
	s18 =	sadd.s32 $0x8400, s19;
	s20 =	sadd.s32 $0x40, s17  }
0x397: {  	[hbm4b:s20+s6] =	stream.strided.scatter [tilespmem:s18], [sflag:$0x5], $0x400, s12, s6, $0x38;
	[tilespmem:$0x18000] =	vst v63  }
0x398: {  	s18 =	sadd.s32 $0x8800, s19;
	s20 =	sadd.s32 $0x80, s17  }
0x399: {  	[hbm4b:s20+s6] =	stream.strided.scatter [tilespmem:s18], [sflag:$0x5], $0x400, s12, s6, $0x38;
	[tilespmem:$0x18000] =	vst v63  }
0x39a: {  	s18 =	sadd.s32 $0x8C00, s19;
	s20 =	sadd.s32 $0xC0, s17  }
0x39b: {  	[hbm4b:s20+s6] =	stream.strided.scatter [tilespmem:s18], [sflag:$0x5], $0x400, s12, s6, $0x38;
	[tilespmem:$0x18000] =	vst v63  }
0x39c: {  	s18 =	sadd.s32 $0x9000, s19;
	s20 =	sadd.s32 $0x100, s17  }
0x39d: {  	[hbm4b:s20+s6] =	stream.strided.scatter [tilespmem:s18], [sflag:$0x5], $0x400, s12, s6, $0x38;
	[tilespmem:$0x18000] =	vst v63  }
.Ltmp19:
0x39e: {  	s18 =	sadd.s32 $0x9400, s19;
	s20 =	sadd.s32 $0x140, s17;
	(pc) =	sbr.rel @p0 .LBB2_40-.Ltmp19, $4  }
0x39f: {  	[hbm4b:s20+s6] =	stream.strided.scatter [tilespmem:s18], [sflag:$0x5], $0x400, s12, s6, $0x38;
	[tilespmem:$0x18000] =	vst v63  }
0x3a0: {  	s18 =	sadd.s32 $0x9800, s19;
	s20 =	sadd.s32 $0x180, s17;
	s19 =	sadd.s32 $0x9C00, s19  }
0x3a1: {  	[hbm4b:s20+s6] =	stream.strided.scatter [tilespmem:s18], [sflag:$0x5], $0x400, s12, s6, $0x38;
	[tilespmem:$0x18000] =	vst v63  }
0x3a2: {  	s20 =	sadd.s32 $0x1C0, s17;
	s17 =	sadd.s32 $0x1000, s17;
	s18 =	smov.u32 s21  }
0x3a3: {  	[hbm4b:s20+s6] =	stream.strided.scatter [tilespmem:s19], [sflag:$0x5], $0x400, s12, s6, $0x38;
	[tilespmem:$0x18000] =	vst v63  }
0x3a4: {  	s18 =	sadd.s32 $0x8000, s16  }
0x3a5: {  	[hbm4b:s17+s6] =	stream.strided.scatter [tilespmem:s18], [sflag:$0x5], $0x400, s12, s6, $0x38;
	[tilespmem:$0x18000] =	vst v63  }
0x3a6: {  	s20 =	sadd.s32 $0x8400, s16;
	s21 =	sadd.s32 $0x40, s17  }
0x3a7: {  	[hbm4b:s21+s6] =	stream.strided.scatter [tilespmem:s20], [sflag:$0x5], $0x400, s12, s6, $0x38;
	[tilespmem:$0x18000] =	vst v63  }
0x3a8: {  	s20 =	sadd.s32 $0x8800, s16;
	s21 =	sadd.s32 $0x80, s17  }
0x3a9: {  	[hbm4b:s21+s6] =	stream.strided.scatter [tilespmem:s20], [sflag:$0x5], $0x400, s12, s6, $0x38;
	[tilespmem:$0x18000] =	vst v63  }
0x3aa: {  	s20 =	sadd.s32 $0x8C00, s16;
	s21 =	sadd.s32 $0xC0, s17  }
0x3ab: {  	[hbm4b:s21+s6] =	stream.strided.scatter [tilespmem:s20], [sflag:$0x5], $0x400, s12, s6, $0x38;
	[tilespmem:$0x18000] =	vst v63  }
0x3ac: {  	s20 =	sadd.s32 $0x9000, s16;
	s21 =	sadd.s32 $0x100, s17  }
0x3ad: {  	[hbm4b:s21+s6] =	stream.strided.scatter [tilespmem:s20], [sflag:$0x5], $0x400, s12, s6, $0x38;
	[tilespmem:$0x18000] =	vst v63  }
0x3ae: {  	s20 =	sadd.s32 $0x9400, s16;
	s21 =	sadd.s32 $0x140, s17  }
0x3af: {  	[hbm4b:s21+s6] =	stream.strided.scatter [tilespmem:s20], [sflag:$0x5], $0x400, s12, s6, $0x38;
	[tilespmem:$0x18000] =	vst v63  }
0x3b0: {  	s20 =	sadd.s32 $0x9800, s16;
	s21 =	sadd.s32 $0x180, s17  }
0x3b1: {  	[hbm4b:s21+s6] =	stream.strided.scatter [tilespmem:s20], [sflag:$0x5], $0x400, s12, s6, $0x38;
	[tilespmem:$0x18000] =	vst v63  }
0x3b2: {  	s20 =	sadd.s32 $0x9C00, s16;
	s21 =	sadd.s32 $0x1C0, s17  }
0x3b3: {  	[hbm4b:s21+s6] =	stream.strided.scatter [tilespmem:s20], [sflag:$0x5], $0x400, s12, s6, $0x38;
	[tilespmem:$0x18000] =	vst v63  }
0x3b4: {  	_ =	swait.ge [sflag:s14], $0x8000  }
0x3b5: {  	[sflag:s14] =	ssyncset.done $0x0  }
0x3b6: {  	[sflag:s14] =	ssyncadd.s32 $0xFFFF8000  }
0x3b7: {  	_ =	swait.ge [sflag:s14], $0x8000  }
0x3b8: {  	[sflag:s14] =	ssyncset.done $0x0  }
0x3b9: {  	[sflag:s14] =	ssyncadd.s32 $0xFFFF8000  }
0x3ba: {  	_ =	swait.ge [sflag:s14], $0x8000  }
0x3bb: {  	[sflag:s14] =	ssyncset.done $0x0  }
0x3bc: {  	[sflag:s14] =	ssyncadd.s32 $0xFFFF8000  }
0x3bd: {  	_ =	swait.ge [sflag:s14], $0x8000  }
0x3be: {  	s18 =	simm.s32 $0x0;
	s20 =	simm.s32 $0x8000;
	[sflag:s14] =	ssyncset.done $0x0  }
0x3bf: {  	s21 =	simm.s32 $0x3;
	s19 =	rddreg [dreg:$0xc];
	[sflag:s14] =	ssyncadd.s32 $0xFFFF8000  }
0x3c0: {  	[tilespmem:s20], [sflag:$0x2] =	stream.linear.gather [hbm4b:s19+s18], $0x8000, $0x38;
	[tilespmem:$0x18000] =	vst v63  }
0x3c1: {  	_ =	swait.ge [sflag:s21], $0x8000  }
0x3c2: {  	[sflag:s21] =	ssyncset.done $0x0  }
0x3c3: {  	s17 =	simm.s32 $0x10000;
	[sflag:s21] =	ssyncadd.s32 $0xFFFF8000  }
0x3c4: {  	[hbm4b:s31+s6] =	stream.strided.scatter [tilespmem:s17], [sflag:$0x6], $0x400, s12, s6, $0x38;
	[tilespmem:$0x18000] =	vst v63  }
0x3c5: {  	s18 =	simm.s32 $0x10400;
	s19 =	sadd.s32 $0x40, s31  }
0x3c6: {  	[hbm4b:s19+s6] =	stream.strided.scatter [tilespmem:s18], [sflag:$0x6], $0x400, s12, s6, $0x38;
	[tilespmem:$0x18000] =	vst v63  }
0x3c7: {  	s20 =	simm.s32 $0x10800;
	s21 =	sadd.s32 $0x80, s31  }
0x3c8: {  	[hbm4b:s21+s6] =	stream.strided.scatter [tilespmem:s20], [sflag:$0x6], $0x400, s12, s6, $0x38;
	[tilespmem:$0x18000] =	vst v63  }
0x3c9: {  	s18 =	simm.s32 $0x10C00;
	s19 =	sadd.s32 $0xC0, s31  }
0x3ca: {  	[hbm4b:s19+s6] =	stream.strided.scatter [tilespmem:s18], [sflag:$0x6], $0x400, s12, s6, $0x38;
	[tilespmem:$0x18000] =	vst v63  }
0x3cb: {  	s20 =	simm.s32 $0x11000;
	s21 =	sadd.s32 $0x100, s31  }
0x3cc: {  	[hbm4b:s21+s6] =	stream.strided.scatter [tilespmem:s20], [sflag:$0x6], $0x400, s12, s6, $0x38;
	[tilespmem:$0x18000] =	vst v63  }
0x3cd: {  	s16 =	simm.s32 $0x2000;
	s18 =	simm.s32 $0x11400;
	s19 =	sadd.s32 $0x140, s31  }
0x3ce: {  	[hbm4b:s19+s6] =	stream.strided.scatter [tilespmem:s18], [sflag:$0x6], $0x400, s12, s6, $0x38;
	[tilespmem:$0x18000] =	vst v63  }
0x3cf: {  	s17 =	sadd.s32 $0x1000, s31;
	s20 =	simm.s32 $0x11800;
	s21 =	sadd.s32 $0x180, s31  }
0x3d0: {  	[hbm4b:s21+s6] =	stream.strided.scatter [tilespmem:s20], [sflag:$0x6], $0x400, s12, s6, $0x38;
	[tilespmem:$0x18000] =	vst v63  }
0x3d1: {  	s18 =	simm.s32 $0x10000;
	s19 =	simm.s32 $0x11C00;
	s20 =	sadd.s32 $0x1C0, s31  }
.LBB2_42:
0x3d2: {  	[hbm4b:s20+s6] =	stream.strided.scatter [tilespmem:s19], [sflag:$0x6], $0x400, s12, s6, $0x38;
	[tilespmem:$0x18000] =	vst v63  }
0x3d3: {  	s19 =	smov.u32 s16;
	s16 =	smov.u32 s18  }
0x3d4: {  	s21 =	sadd.s32 $0x8000, s18;
	s16 =	sshra.s32 s16, $0x2;
	s20 =	sadd.s32 $0x10000, s19  }
0x3d5: {  	[hbm4b:s17+s6] =	stream.strided.scatter [tilespmem:s20], [sflag:$0x6], $0x400, s12, s6, $0x38;
	[tilespmem:$0x18000] =	vst v63  }
0x3d6: {  	p0 =	sne.s32 s18, $0x18000;
	s18 =	sadd.s32 $0x10400, s19;
	s20 =	sadd.s32 $0x40, s17  }
0x3d7: {  	[hbm4b:s20+s6] =	stream.strided.scatter [tilespmem:s18], [sflag:$0x6], $0x400, s12, s6, $0x38;
	[tilespmem:$0x18000] =	vst v63  }
0x3d8: {  	s18 =	sadd.s32 $0x10800, s19;
	s20 =	sadd.s32 $0x80, s17  }
0x3d9: {  	[hbm4b:s20+s6] =	stream.strided.scatter [tilespmem:s18], [sflag:$0x6], $0x400, s12, s6, $0x38;
	[tilespmem:$0x18000] =	vst v63  }
0x3da: {  	s18 =	sadd.s32 $0x10C00, s19;
	s20 =	sadd.s32 $0xC0, s17  }
0x3db: {  	[hbm4b:s20+s6] =	stream.strided.scatter [tilespmem:s18], [sflag:$0x6], $0x400, s12, s6, $0x38;
	[tilespmem:$0x18000] =	vst v63  }
0x3dc: {  	s18 =	sadd.s32 $0x11000, s19;
	s20 =	sadd.s32 $0x100, s17  }
0x3dd: {  	[hbm4b:s20+s6] =	stream.strided.scatter [tilespmem:s18], [sflag:$0x6], $0x400, s12, s6, $0x38;
	[tilespmem:$0x18000] =	vst v63  }
.Ltmp20:
0x3de: {  	s18 =	sadd.s32 $0x11400, s19;
	s20 =	sadd.s32 $0x140, s17;
	(pc) =	sbr.rel @p0 .LBB2_42-.Ltmp20, $4  }
0x3df: {  	[hbm4b:s20+s6] =	stream.strided.scatter [tilespmem:s18], [sflag:$0x6], $0x400, s12, s6, $0x38;
	[tilespmem:$0x18000] =	vst v63  }
0x3e0: {  	s18 =	sadd.s32 $0x11800, s19;
	s20 =	sadd.s32 $0x180, s17;
	s19 =	sadd.s32 $0x11C00, s19  }
0x3e1: {  	[hbm4b:s20+s6] =	stream.strided.scatter [tilespmem:s18], [sflag:$0x6], $0x400, s12, s6, $0x38;
	[tilespmem:$0x18000] =	vst v63  }
0x3e2: {  	s20 =	sadd.s32 $0x1C0, s17;
	s17 =	sadd.s32 $0x1000, s17;
	s18 =	smov.u32 s21  }
0x3e3: {  	[hbm4b:s20+s6] =	stream.strided.scatter [tilespmem:s19], [sflag:$0x6], $0x400, s12, s6, $0x38;
	[tilespmem:$0x18000] =	vst v63  }
0x3e4: {  	s18 =	sadd.s32 $0x10000, s16  }
0x3e5: {  	[hbm4b:s17+s6] =	stream.strided.scatter [tilespmem:s18], [sflag:$0x6], $0x400, s12, s6, $0x38;
	[tilespmem:$0x18000] =	vst v63  }
0x3e6: {  	s20 =	sadd.s32 $0x10400, s16;
	s21 =	sadd.s32 $0x40, s17  }
0x3e7: {  	[hbm4b:s21+s6] =	stream.strided.scatter [tilespmem:s20], [sflag:$0x6], $0x400, s12, s6, $0x38;
	[tilespmem:$0x18000] =	vst v63  }
0x3e8: {  	s20 =	sadd.s32 $0x10800, s16;
	s21 =	sadd.s32 $0x80, s17  }
0x3e9: {  	[hbm4b:s21+s6] =	stream.strided.scatter [tilespmem:s20], [sflag:$0x6], $0x400, s12, s6, $0x38;
	[tilespmem:$0x18000] =	vst v63  }
0x3ea: {  	s20 =	sadd.s32 $0x10C00, s16;
	s21 =	sadd.s32 $0xC0, s17  }
0x3eb: {  	[hbm4b:s21+s6] =	stream.strided.scatter [tilespmem:s20], [sflag:$0x6], $0x400, s12, s6, $0x38;
	[tilespmem:$0x18000] =	vst v63  }
0x3ec: {  	s20 =	sadd.s32 $0x11000, s16;
	s21 =	sadd.s32 $0x100, s17  }
0x3ed: {  	[hbm4b:s21+s6] =	stream.strided.scatter [tilespmem:s20], [sflag:$0x6], $0x400, s12, s6, $0x38;
	[tilespmem:$0x18000] =	vst v63  }
0x3ee: {  	s20 =	sadd.s32 $0x11400, s16;
	s21 =	sadd.s32 $0x140, s17  }
0x3ef: {  	[hbm4b:s21+s6] =	stream.strided.scatter [tilespmem:s20], [sflag:$0x6], $0x400, s12, s6, $0x38;
	[tilespmem:$0x18000] =	vst v63  }
0x3f0: {  	s20 =	sadd.s32 $0x11800, s16;
	s21 =	sadd.s32 $0x180, s17  }
0x3f1: {  	[hbm4b:s21+s6] =	stream.strided.scatter [tilespmem:s20], [sflag:$0x6], $0x400, s12, s6, $0x38;
	[tilespmem:$0x18000] =	vst v63  }
0x3f2: {  	s20 =	sadd.s32 $0x11C00, s16;
	s21 =	sadd.s32 $0x1C0, s17  }
0x3f3: {  	[hbm4b:s21+s6] =	stream.strided.scatter [tilespmem:s20], [sflag:$0x6], $0x400, s12, s6, $0x38;
	[tilespmem:$0x18000] =	vst v63  }
0x3f4: {  	s17 =	simm.s32 $0x10000  }
0x3f5: {  	[hbm4b:s0+s6] =	stream.strided.scatter [tilespmem:s17], [sflag:$0x6], $0x400, s12, s6, $0x38;
	[tilespmem:$0x18000] =	vst v63  }
0x3f6: {  	s19 =	sadd.s32 $0x40, s0;
	s18 =	simm.s32 $0x10400  }
0x3f7: {  	[hbm4b:s19+s6] =	stream.strided.scatter [tilespmem:s18], [sflag:$0x6], $0x400, s12, s6, $0x38;
	[tilespmem:$0x18000] =	vst v63  }
0x3f8: {  	s20 =	simm.s32 $0x10800;
	s21 =	sadd.s32 $0x80, s0  }
0x3f9: {  	[hbm4b:s21+s6] =	stream.strided.scatter [tilespmem:s20], [sflag:$0x6], $0x400, s12, s6, $0x38;
	[tilespmem:$0x18000] =	vst v63  }
0x3fa: {  	s18 =	simm.s32 $0x10C00;
	s19 =	sadd.s32 $0xC0, s0  }
0x3fb: {  	[hbm4b:s19+s6] =	stream.strided.scatter [tilespmem:s18], [sflag:$0x6], $0x400, s12, s6, $0x38;
	[tilespmem:$0x18000] =	vst v63  }
0x3fc: {  	s20 =	simm.s32 $0x11000;
	s21 =	sadd.s32 $0x100, s0  }
0x3fd: {  	[hbm4b:s21+s6] =	stream.strided.scatter [tilespmem:s20], [sflag:$0x6], $0x400, s12, s6, $0x38;
	[tilespmem:$0x18000] =	vst v63  }
0x3fe: {  	s16 =	simm.s32 $0x2000;
	s18 =	simm.s32 $0x11400;
	s19 =	sadd.s32 $0x140, s0  }
0x3ff: {  	[hbm4b:s19+s6] =	stream.strided.scatter [tilespmem:s18], [sflag:$0x6], $0x400, s12, s6, $0x38;
	[tilespmem:$0x18000] =	vst v63  }
0x400: {  	s17 =	sadd.s32 $0x1000, s0;
	s20 =	simm.s32 $0x11800;
	s21 =	sadd.s32 $0x180, s0  }
0x401: {  	[hbm4b:s21+s6] =	stream.strided.scatter [tilespmem:s20], [sflag:$0x6], $0x400, s12, s6, $0x38;
	[tilespmem:$0x18000] =	vst v63  }
0x402: {  	s18 =	simm.s32 $0x10000;
	s19 =	simm.s32 $0x11C00;
	s20 =	sadd.s32 $0x1C0, s0  }
.LBB2_44:
0x403: {  	[hbm4b:s20+s6] =	stream.strided.scatter [tilespmem:s19], [sflag:$0x6], $0x400, s12, s6, $0x38;
	[tilespmem:$0x18000] =	vst v63  }
0x404: {  	s19 =	smov.u32 s16;
	s16 =	smov.u32 s18  }
0x405: {  	s21 =	sadd.s32 $0x8000, s18;
	s16 =	sshra.s32 s16, $0x2;
	s20 =	sadd.s32 $0x10000, s19  }
0x406: {  	[hbm4b:s17+s6] =	stream.strided.scatter [tilespmem:s20], [sflag:$0x6], $0x400, s12, s6, $0x38;
	[tilespmem:$0x18000] =	vst v63  }
0x407: {  	p0 =	sne.s32 s18, $0x18000;
	s18 =	sadd.s32 $0x10400, s19;
	s20 =	sadd.s32 $0x40, s17  }
0x408: {  	[hbm4b:s20+s6] =	stream.strided.scatter [tilespmem:s18], [sflag:$0x6], $0x400, s12, s6, $0x38;
	[tilespmem:$0x18000] =	vst v63  }
0x409: {  	s18 =	sadd.s32 $0x10800, s19;
	s20 =	sadd.s32 $0x80, s17  }
0x40a: {  	[hbm4b:s20+s6] =	stream.strided.scatter [tilespmem:s18], [sflag:$0x6], $0x400, s12, s6, $0x38;
	[tilespmem:$0x18000] =	vst v63  }
0x40b: {  	s18 =	sadd.s32 $0x10C00, s19;
	s20 =	sadd.s32 $0xC0, s17  }
0x40c: {  	[hbm4b:s20+s6] =	stream.strided.scatter [tilespmem:s18], [sflag:$0x6], $0x400, s12, s6, $0x38;
	[tilespmem:$0x18000] =	vst v63  }
0x40d: {  	s18 =	sadd.s32 $0x11000, s19;
	s20 =	sadd.s32 $0x100, s17  }
0x40e: {  	[hbm4b:s20+s6] =	stream.strided.scatter [tilespmem:s18], [sflag:$0x6], $0x400, s12, s6, $0x38;
	[tilespmem:$0x18000] =	vst v63  }
.Ltmp21:
0x40f: {  	s18 =	sadd.s32 $0x11400, s19;
	s20 =	sadd.s32 $0x140, s17;
	(pc) =	sbr.rel @p0 .LBB2_44-.Ltmp21, $4  }
0x410: {  	[hbm4b:s20+s6] =	stream.strided.scatter [tilespmem:s18], [sflag:$0x6], $0x400, s12, s6, $0x38;
	[tilespmem:$0x18000] =	vst v63  }
0x411: {  	s18 =	sadd.s32 $0x11800, s19;
	s20 =	sadd.s32 $0x180, s17;
	s19 =	sadd.s32 $0x11C00, s19  }
0x412: {  	[hbm4b:s20+s6] =	stream.strided.scatter [tilespmem:s18], [sflag:$0x6], $0x400, s12, s6, $0x38;
	[tilespmem:$0x18000] =	vst v63  }
0x413: {  	s20 =	sadd.s32 $0x1C0, s17;
	s17 =	sadd.s32 $0x1000, s17;
	s18 =	smov.u32 s21  }
0x414: {  	[hbm4b:s20+s6] =	stream.strided.scatter [tilespmem:s19], [sflag:$0x6], $0x400, s12, s6, $0x38;
	[tilespmem:$0x18000] =	vst v63  }
0x415: {  	s18 =	sadd.s32 $0x10000, s16  }
0x416: {  	[hbm4b:s17+s6] =	stream.strided.scatter [tilespmem:s18], [sflag:$0x6], $0x400, s12, s6, $0x38;
	[tilespmem:$0x18000] =	vst v63  }
0x417: {  	s20 =	sadd.s32 $0x10400, s16;
	s21 =	sadd.s32 $0x40, s17  }
0x418: {  	[hbm4b:s21+s6] =	stream.strided.scatter [tilespmem:s20], [sflag:$0x6], $0x400, s12, s6, $0x38;
	[tilespmem:$0x18000] =	vst v63  }
0x419: {  	s20 =	sadd.s32 $0x10800, s16;
	s21 =	sadd.s32 $0x80, s17  }
0x41a: {  	[hbm4b:s21+s6] =	stream.strided.scatter [tilespmem:s20], [sflag:$0x6], $0x400, s12, s6, $0x38;
	[tilespmem:$0x18000] =	vst v63  }
0x41b: {  	s20 =	sadd.s32 $0x10C00, s16;
	s21 =	sadd.s32 $0xC0, s17  }
0x41c: {  	[hbm4b:s21+s6] =	stream.strided.scatter [tilespmem:s20], [sflag:$0x6], $0x400, s12, s6, $0x38;
	[tilespmem:$0x18000] =	vst v63  }
0x41d: {  	s20 =	sadd.s32 $0x11000, s16;
	s21 =	sadd.s32 $0x100, s17  }
0x41e: {  	[hbm4b:s21+s6] =	stream.strided.scatter [tilespmem:s20], [sflag:$0x6], $0x400, s12, s6, $0x38;
	[tilespmem:$0x18000] =	vst v63  }
0x41f: {  	s20 =	sadd.s32 $0x11400, s16;
	s21 =	sadd.s32 $0x140, s17  }
0x420: {  	[hbm4b:s21+s6] =	stream.strided.scatter [tilespmem:s20], [sflag:$0x6], $0x400, s12, s6, $0x38;
	[tilespmem:$0x18000] =	vst v63  }
0x421: {  	s20 =	sadd.s32 $0x11800, s16;
	s21 =	sadd.s32 $0x180, s17  }
0x422: {  	[hbm4b:s21+s6] =	stream.strided.scatter [tilespmem:s20], [sflag:$0x6], $0x400, s12, s6, $0x38;
	[tilespmem:$0x18000] =	vst v63  }
0x423: {  	s20 =	sadd.s32 $0x11C00, s16;
	s21 =	sadd.s32 $0x1C0, s17  }
0x424: {  	[hbm4b:s21+s6] =	stream.strided.scatter [tilespmem:s20], [sflag:$0x6], $0x400, s12, s6, $0x38;
	[tilespmem:$0x18000] =	vst v63  }
0x425: {  	s17 =	simm.s32 $0x10000  }
0x426: {  	[hbm4b:s2+s6] =	stream.strided.scatter [tilespmem:s17], [sflag:$0x6], $0x400, s12, s6, $0x38;
	[tilespmem:$0x18000] =	vst v63  }
0x427: {  	s19 =	sadd.s32 $0x40, s2;
	s18 =	simm.s32 $0x10400  }
0x428: {  	[hbm4b:s19+s6] =	stream.strided.scatter [tilespmem:s18], [sflag:$0x6], $0x400, s12, s6, $0x38;
	[tilespmem:$0x18000] =	vst v63  }
0x429: {  	s20 =	simm.s32 $0x10800;
	s21 =	sadd.s32 $0x80, s2  }
0x42a: {  	[hbm4b:s21+s6] =	stream.strided.scatter [tilespmem:s20], [sflag:$0x6], $0x400, s12, s6, $0x38;
	[tilespmem:$0x18000] =	vst v63  }
0x42b: {  	s18 =	simm.s32 $0x10C00;
	s19 =	sadd.s32 $0xC0, s2  }
0x42c: {  	[hbm4b:s19+s6] =	stream.strided.scatter [tilespmem:s18], [sflag:$0x6], $0x400, s12, s6, $0x38;
	[tilespmem:$0x18000] =	vst v63  }
0x42d: {  	s20 =	simm.s32 $0x11000;
	s21 =	sadd.s32 $0x100, s2  }
0x42e: {  	[hbm4b:s21+s6] =	stream.strided.scatter [tilespmem:s20], [sflag:$0x6], $0x400, s12, s6, $0x38;
	[tilespmem:$0x18000] =	vst v63  }
0x42f: {  	s16 =	simm.s32 $0x2000;
	s18 =	simm.s32 $0x11400;
	s19 =	sadd.s32 $0x140, s2  }
0x430: {  	[hbm4b:s19+s6] =	stream.strided.scatter [tilespmem:s18], [sflag:$0x6], $0x400, s12, s6, $0x38;
	[tilespmem:$0x18000] =	vst v63  }
0x431: {  	s17 =	sadd.s32 $0x1000, s2;
	s20 =	simm.s32 $0x11800;
	s21 =	sadd.s32 $0x180, s2  }
0x432: {  	[hbm4b:s21+s6] =	stream.strided.scatter [tilespmem:s20], [sflag:$0x6], $0x400, s12, s6, $0x38;
	[tilespmem:$0x18000] =	vst v63  }
0x433: {  	s18 =	simm.s32 $0x10000;
	s19 =	simm.s32 $0x11C00;
	s20 =	sadd.s32 $0x1C0, s2  }
.LBB2_46:
0x434: {  	[hbm4b:s20+s6] =	stream.strided.scatter [tilespmem:s19], [sflag:$0x6], $0x400, s12, s6, $0x38;
	[tilespmem:$0x18000] =	vst v63  }
0x435: {  	s19 =	smov.u32 s16;
	s16 =	smov.u32 s18  }
0x436: {  	s21 =	sadd.s32 $0x8000, s18;
	s16 =	sshra.s32 s16, $0x2;
	s20 =	sadd.s32 $0x10000, s19  }
0x437: {  	[hbm4b:s17+s6] =	stream.strided.scatter [tilespmem:s20], [sflag:$0x6], $0x400, s12, s6, $0x38;
	[tilespmem:$0x18000] =	vst v63  }
0x438: {  	p0 =	sne.s32 s18, $0x18000;
	s18 =	sadd.s32 $0x10400, s19;
	s20 =	sadd.s32 $0x40, s17  }
0x439: {  	[hbm4b:s20+s6] =	stream.strided.scatter [tilespmem:s18], [sflag:$0x6], $0x400, s12, s6, $0x38;
	[tilespmem:$0x18000] =	vst v63  }
0x43a: {  	s18 =	sadd.s32 $0x10800, s19;
	s20 =	sadd.s32 $0x80, s17  }
0x43b: {  	[hbm4b:s20+s6] =	stream.strided.scatter [tilespmem:s18], [sflag:$0x6], $0x400, s12, s6, $0x38;
	[tilespmem:$0x18000] =	vst v63  }
0x43c: {  	s18 =	sadd.s32 $0x10C00, s19;
	s20 =	sadd.s32 $0xC0, s17  }
0x43d: {  	[hbm4b:s20+s6] =	stream.strided.scatter [tilespmem:s18], [sflag:$0x6], $0x400, s12, s6, $0x38;
	[tilespmem:$0x18000] =	vst v63  }
0x43e: {  	s18 =	sadd.s32 $0x11000, s19;
	s20 =	sadd.s32 $0x100, s17  }
0x43f: {  	[hbm4b:s20+s6] =	stream.strided.scatter [tilespmem:s18], [sflag:$0x6], $0x400, s12, s6, $0x38;
	[tilespmem:$0x18000] =	vst v63  }
.Ltmp22:
0x440: {  	s18 =	sadd.s32 $0x11400, s19;
	s20 =	sadd.s32 $0x140, s17;
	(pc) =	sbr.rel @p0 .LBB2_46-.Ltmp22, $4  }
0x441: {  	[hbm4b:s20+s6] =	stream.strided.scatter [tilespmem:s18], [sflag:$0x6], $0x400, s12, s6, $0x38;
	[tilespmem:$0x18000] =	vst v63  }
0x442: {  	s18 =	sadd.s32 $0x11800, s19;
	s20 =	sadd.s32 $0x180, s17;
	s19 =	sadd.s32 $0x11C00, s19  }
0x443: {  	[hbm4b:s20+s6] =	stream.strided.scatter [tilespmem:s18], [sflag:$0x6], $0x400, s12, s6, $0x38;
	[tilespmem:$0x18000] =	vst v63  }
0x444: {  	s20 =	sadd.s32 $0x1C0, s17;
	s17 =	sadd.s32 $0x1000, s17;
	s18 =	smov.u32 s21  }
0x445: {  	[hbm4b:s20+s6] =	stream.strided.scatter [tilespmem:s19], [sflag:$0x6], $0x400, s12, s6, $0x38;
	[tilespmem:$0x18000] =	vst v63  }
0x446: {  	s18 =	sadd.s32 $0x10000, s16  }
0x447: {  	[hbm4b:s17+s6] =	stream.strided.scatter [tilespmem:s18], [sflag:$0x6], $0x400, s12, s6, $0x38;
	[tilespmem:$0x18000] =	vst v63  }
0x448: {  	s20 =	sadd.s32 $0x10400, s16;
	s21 =	sadd.s32 $0x40, s17  }
0x449: {  	[hbm4b:s21+s6] =	stream.strided.scatter [tilespmem:s20], [sflag:$0x6], $0x400, s12, s6, $0x38;
	[tilespmem:$0x18000] =	vst v63  }
0x44a: {  	s20 =	sadd.s32 $0x10800, s16;
	s21 =	sadd.s32 $0x80, s17  }
0x44b: {  	[hbm4b:s21+s6] =	stream.strided.scatter [tilespmem:s20], [sflag:$0x6], $0x400, s12, s6, $0x38;
	[tilespmem:$0x18000] =	vst v63  }
0x44c: {  	s20 =	sadd.s32 $0x10C00, s16;
	s21 =	sadd.s32 $0xC0, s17  }
0x44d: {  	[hbm4b:s21+s6] =	stream.strided.scatter [tilespmem:s20], [sflag:$0x6], $0x400, s12, s6, $0x38;
	[tilespmem:$0x18000] =	vst v63  }
0x44e: {  	s20 =	sadd.s32 $0x11000, s16;
	s21 =	sadd.s32 $0x100, s17  }
0x44f: {  	[hbm4b:s21+s6] =	stream.strided.scatter [tilespmem:s20], [sflag:$0x6], $0x400, s12, s6, $0x38;
	[tilespmem:$0x18000] =	vst v63  }
0x450: {  	s20 =	sadd.s32 $0x11400, s16;
	s21 =	sadd.s32 $0x140, s17  }
0x451: {  	[hbm4b:s21+s6] =	stream.strided.scatter [tilespmem:s20], [sflag:$0x6], $0x400, s12, s6, $0x38;
	[tilespmem:$0x18000] =	vst v63  }
0x452: {  	s20 =	sadd.s32 $0x11800, s16;
	s21 =	sadd.s32 $0x180, s17  }
0x453: {  	[hbm4b:s21+s6] =	stream.strided.scatter [tilespmem:s20], [sflag:$0x6], $0x400, s12, s6, $0x38;
	[tilespmem:$0x18000] =	vst v63  }
0x454: {  	s20 =	sadd.s32 $0x11C00, s16;
	s21 =	sadd.s32 $0x1C0, s17  }
0x455: {  	[hbm4b:s21+s6] =	stream.strided.scatter [tilespmem:s20], [sflag:$0x6], $0x400, s12, s6, $0x38;
	[tilespmem:$0x18000] =	vst v63  }
0x456: {  	s17 =	simm.s32 $0x10000  }
0x457: {  	[hbm4b:s3+s6] =	stream.strided.scatter [tilespmem:s17], [sflag:$0x6], $0x400, s12, s6, $0x38;
	[tilespmem:$0x18000] =	vst v63  }
0x458: {  	s19 =	sadd.s32 $0x40, s3;
	s18 =	simm.s32 $0x10400  }
0x459: {  	[hbm4b:s19+s6] =	stream.strided.scatter [tilespmem:s18], [sflag:$0x6], $0x400, s12, s6, $0x38;
	[tilespmem:$0x18000] =	vst v63  }
0x45a: {  	s20 =	simm.s32 $0x10800;
	s21 =	sadd.s32 $0x80, s3  }
0x45b: {  	[hbm4b:s21+s6] =	stream.strided.scatter [tilespmem:s20], [sflag:$0x6], $0x400, s12, s6, $0x38;
	[tilespmem:$0x18000] =	vst v63  }
0x45c: {  	s18 =	simm.s32 $0x10C00;
	s19 =	sadd.s32 $0xC0, s3  }
0x45d: {  	[hbm4b:s19+s6] =	stream.strided.scatter [tilespmem:s18], [sflag:$0x6], $0x400, s12, s6, $0x38;
	[tilespmem:$0x18000] =	vst v63  }
0x45e: {  	s20 =	simm.s32 $0x11000;
	s21 =	sadd.s32 $0x100, s3  }
0x45f: {  	[hbm4b:s21+s6] =	stream.strided.scatter [tilespmem:s20], [sflag:$0x6], $0x400, s12, s6, $0x38;
	[tilespmem:$0x18000] =	vst v63  }
0x460: {  	s16 =	simm.s32 $0x2000;
	s18 =	simm.s32 $0x11400;
	s19 =	sadd.s32 $0x140, s3  }
0x461: {  	[hbm4b:s19+s6] =	stream.strided.scatter [tilespmem:s18], [sflag:$0x6], $0x400, s12, s6, $0x38;
	[tilespmem:$0x18000] =	vst v63  }
0x462: {  	s17 =	sadd.s32 $0x1000, s3;
	s20 =	simm.s32 $0x11800;
	s21 =	sadd.s32 $0x180, s3  }
0x463: {  	[hbm4b:s21+s6] =	stream.strided.scatter [tilespmem:s20], [sflag:$0x6], $0x400, s12, s6, $0x38;
	[tilespmem:$0x18000] =	vst v63  }
0x464: {  	s18 =	simm.s32 $0x10000;
	s19 =	simm.s32 $0x11C00;
	s20 =	sadd.s32 $0x1C0, s3  }
.LBB2_48:
0x465: {  	[hbm4b:s20+s6] =	stream.strided.scatter [tilespmem:s19], [sflag:$0x6], $0x400, s12, s6, $0x38;
	[tilespmem:$0x18000] =	vst v63  }
0x466: {  	s19 =	smov.u32 s16;
	s16 =	smov.u32 s18  }
0x467: {  	s21 =	sadd.s32 $0x8000, s18;
	s16 =	sshra.s32 s16, $0x2;
	s20 =	sadd.s32 $0x10000, s19  }
0x468: {  	[hbm4b:s17+s6] =	stream.strided.scatter [tilespmem:s20], [sflag:$0x6], $0x400, s12, s6, $0x38;
	[tilespmem:$0x18000] =	vst v63  }
0x469: {  	p0 =	sne.s32 s18, $0x18000;
	s18 =	sadd.s32 $0x10400, s19;
	s20 =	sadd.s32 $0x40, s17  }
0x46a: {  	[hbm4b:s20+s6] =	stream.strided.scatter [tilespmem:s18], [sflag:$0x6], $0x400, s12, s6, $0x38;
	[tilespmem:$0x18000] =	vst v63  }
0x46b: {  	s18 =	sadd.s32 $0x10800, s19;
	s20 =	sadd.s32 $0x80, s17  }
0x46c: {  	[hbm4b:s20+s6] =	stream.strided.scatter [tilespmem:s18], [sflag:$0x6], $0x400, s12, s6, $0x38;
	[tilespmem:$0x18000] =	vst v63  }
0x46d: {  	s18 =	sadd.s32 $0x10C00, s19;
	s20 =	sadd.s32 $0xC0, s17  }
0x46e: {  	[hbm4b:s20+s6] =	stream.strided.scatter [tilespmem:s18], [sflag:$0x6], $0x400, s12, s6, $0x38;
	[tilespmem:$0x18000] =	vst v63  }
0x46f: {  	s18 =	sadd.s32 $0x11000, s19;
	s20 =	sadd.s32 $0x100, s17  }
0x470: {  	[hbm4b:s20+s6] =	stream.strided.scatter [tilespmem:s18], [sflag:$0x6], $0x400, s12, s6, $0x38;
	[tilespmem:$0x18000] =	vst v63  }
.Ltmp23:
0x471: {  	s18 =	sadd.s32 $0x11400, s19;
	s20 =	sadd.s32 $0x140, s17;
	(pc) =	sbr.rel @p0 .LBB2_48-.Ltmp23, $4  }
0x472: {  	[hbm4b:s20+s6] =	stream.strided.scatter [tilespmem:s18], [sflag:$0x6], $0x400, s12, s6, $0x38;
	[tilespmem:$0x18000] =	vst v63  }
0x473: {  	s18 =	sadd.s32 $0x11800, s19;
	s20 =	sadd.s32 $0x180, s17;
	s19 =	sadd.s32 $0x11C00, s19  }
0x474: {  	[hbm4b:s20+s6] =	stream.strided.scatter [tilespmem:s18], [sflag:$0x6], $0x400, s12, s6, $0x38;
	[tilespmem:$0x18000] =	vst v63  }
0x475: {  	s20 =	sadd.s32 $0x1C0, s17;
	s17 =	sadd.s32 $0x1000, s17;
	s18 =	smov.u32 s21  }
0x476: {  	[hbm4b:s20+s6] =	stream.strided.scatter [tilespmem:s19], [sflag:$0x6], $0x400, s12, s6, $0x38;
	[tilespmem:$0x18000] =	vst v63  }
0x477: {  	s18 =	sadd.s32 $0x10000, s16  }
0x478: {  	[hbm4b:s17+s6] =	stream.strided.scatter [tilespmem:s18], [sflag:$0x6], $0x400, s12, s6, $0x38;
	[tilespmem:$0x18000] =	vst v63  }
0x479: {  	s20 =	sadd.s32 $0x10400, s16;
	s21 =	sadd.s32 $0x40, s17  }
0x47a: {  	[hbm4b:s21+s6] =	stream.strided.scatter [tilespmem:s20], [sflag:$0x6], $0x400, s12, s6, $0x38;
	[tilespmem:$0x18000] =	vst v63  }
0x47b: {  	s20 =	sadd.s32 $0x10800, s16;
	s21 =	sadd.s32 $0x80, s17  }
0x47c: {  	[hbm4b:s21+s6] =	stream.strided.scatter [tilespmem:s20], [sflag:$0x6], $0x400, s12, s6, $0x38;
	[tilespmem:$0x18000] =	vst v63  }
0x47d: {  	s20 =	sadd.s32 $0x10C00, s16;
	s21 =	sadd.s32 $0xC0, s17  }
0x47e: {  	[hbm4b:s21+s6] =	stream.strided.scatter [tilespmem:s20], [sflag:$0x6], $0x400, s12, s6, $0x38;
	[tilespmem:$0x18000] =	vst v63  }
0x47f: {  	s20 =	sadd.s32 $0x11000, s16;
	s21 =	sadd.s32 $0x100, s17  }
0x480: {  	[hbm4b:s21+s6] =	stream.strided.scatter [tilespmem:s20], [sflag:$0x6], $0x400, s12, s6, $0x38;
	[tilespmem:$0x18000] =	vst v63  }
0x481: {  	s20 =	sadd.s32 $0x11400, s16;
	s21 =	sadd.s32 $0x140, s17  }
0x482: {  	[hbm4b:s21+s6] =	stream.strided.scatter [tilespmem:s20], [sflag:$0x6], $0x400, s12, s6, $0x38;
	[tilespmem:$0x18000] =	vst v63  }
0x483: {  	s20 =	sadd.s32 $0x11800, s16;
	s21 =	sadd.s32 $0x180, s17  }
0x484: {  	[hbm4b:s21+s6] =	stream.strided.scatter [tilespmem:s20], [sflag:$0x6], $0x400, s12, s6, $0x38;
	[tilespmem:$0x18000] =	vst v63  }
0x485: {  	s19 =	sadd.s32 $0x11C00, s16;
	s20 =	sadd.s32 $0x1C0, s17;
	s21 =	simm.s32 $0x1  }
0x486: {  	[hbm4b:s20+s6] =	stream.strided.scatter [tilespmem:s19], [sflag:$0x6], $0x400, s12, s6, $0x38;
	[tilespmem:$0x18000] =	vst v63  }
0x487: {  	_ =	swait.ge [sflag:s21], $0x8000  }
0x488: {  	[sflag:s21] =	ssyncset.done $0x0  }
0x489: {  	s17 =	simm.s32 $0x0;
	[sflag:s21] =	ssyncadd.s32 $0xFFFF8000  }
0x48a: {  	[hbm4b:s4+s6] =	stream.strided.scatter [tilespmem:s17], [sflag:$0x4], $0x400, s12, s6, $0x38;
	[tilespmem:$0x18000] =	vst v63  }
0x48b: {  	s18 =	simm.s32 $0x400;
	s19 =	sadd.s32 $0x40, s4  }
0x48c: {  	[hbm4b:s19+s6] =	stream.strided.scatter [tilespmem:s18], [sflag:$0x4], $0x400, s12, s6, $0x38;
	[tilespmem:$0x18000] =	vst v63  }
0x48d: {  	s20 =	simm.s32 $0x800;
	s21 =	sadd.s32 $0x80, s4  }
0x48e: {  	[hbm4b:s21+s6] =	stream.strided.scatter [tilespmem:s20], [sflag:$0x4], $0x400, s12, s6, $0x38;
	[tilespmem:$0x18000] =	vst v63  }
0x48f: {  	s16 =	simm.s32 $0x8000;
	s18 =	simm.s32 $0xC00;
	s19 =	sadd.s32 $0xC0, s4  }
0x490: {  	[hbm4b:s19+s6] =	stream.strided.scatter [tilespmem:s18], [sflag:$0x4], $0x400, s12, s6, $0x38;
	[tilespmem:$0x18000] =	vst v63  }
0x491: {  	s17 =	sadd.s32 $0x1000, s4;
	s20 =	simm.s32 $0x1000;
	s21 =	sadd.s32 $0x100, s4  }
0x492: {  	[hbm4b:s21+s6] =	stream.strided.scatter [tilespmem:s20], [sflag:$0x4], $0x400, s12, s6, $0x38;
	[tilespmem:$0x18000] =	vst v63  }
0x493: {  	s18 =	simm.s32 $0x1400;
	s19 =	sadd.s32 $0x140, s4;
	s20 =	simm.s32 $0x1800  }
0x494: {  	[hbm4b:s19+s6] =	stream.strided.scatter [tilespmem:s18], [sflag:$0x4], $0x400, s12, s6, $0x38;
	[tilespmem:$0x18000] =	vst v63  }
0x495: {  	s21 =	sadd.s32 $0x180, s4;
	s18 =	simm.s32 $0x1C00;
	s19 =	sadd.s32 $0x1C0, s4  }
0x496: {  	[hbm4b:s21+s6] =	stream.strided.scatter [tilespmem:s20], [sflag:$0x4], $0x400, s12, s6, $0x38;
	[tilespmem:$0x18000] =	vst v63  }
.LBB2_50:
0x497: {  	[hbm4b:s19+s6] =	stream.strided.scatter [tilespmem:s18], [sflag:$0x4], $0x400, s12, s6, $0x38;
	[tilespmem:$0x18000] =	vst v63  }
0x498: {  	s18 =	sshra.s32 s16, $0x2;
	p0 =	sne.s32 s16, $0x18000;
	s16 =	sadd.s32 $0x8000, s16  }
0x499: {  	[hbm4b:s17+s6] =	stream.strided.scatter [tilespmem:s18], [sflag:$0x4], $0x400, s12, s6, $0x38;
	[tilespmem:$0x18000] =	vst v63  }
0x49a: {  	s20 =	sadd.s32 $0x40, s17;
	s19 =	sadd.s32 $0x400, s18  }
0x49b: {  	[hbm4b:s20+s6] =	stream.strided.scatter [tilespmem:s19], [sflag:$0x4], $0x400, s12, s6, $0x38;
	[tilespmem:$0x18000] =	vst v63  }
0x49c: {  	s19 =	sadd.s32 $0x800, s18;
	s20 =	sadd.s32 $0x80, s17  }
0x49d: {  	[hbm4b:s20+s6] =	stream.strided.scatter [tilespmem:s19], [sflag:$0x4], $0x400, s12, s6, $0x38;
	[tilespmem:$0x18000] =	vst v63  }
0x49e: {  	s19 =	sadd.s32 $0xC00, s18;
	s20 =	sadd.s32 $0xC0, s17  }
0x49f: {  	[hbm4b:s20+s6] =	stream.strided.scatter [tilespmem:s19], [sflag:$0x4], $0x400, s12, s6, $0x38;
	[tilespmem:$0x18000] =	vst v63  }
0x4a0: {  	s19 =	sadd.s32 $0x1000, s18;
	s20 =	sadd.s32 $0x100, s17  }
0x4a1: {  	[hbm4b:s20+s6] =	stream.strided.scatter [tilespmem:s19], [sflag:$0x4], $0x400, s12, s6, $0x38;
	[tilespmem:$0x18000] =	vst v63  }
.Ltmp24:
0x4a2: {  	s19 =	sadd.s32 $0x1400, s18;
	s20 =	sadd.s32 $0x140, s17;
	(pc) =	sbr.rel @p0 .LBB2_50-.Ltmp24, $4  }
0x4a3: {  	[hbm4b:s20+s6] =	stream.strided.scatter [tilespmem:s19], [sflag:$0x4], $0x400, s12, s6, $0x38;
	[tilespmem:$0x18000] =	vst v63  }
0x4a4: {  	s19 =	sadd.s32 $0x1800, s18;
	s20 =	sadd.s32 $0x180, s17  }
0x4a5: {  	[hbm4b:s20+s6] =	stream.strided.scatter [tilespmem:s19], [sflag:$0x4], $0x400, s12, s6, $0x38;
	[tilespmem:$0x18000] =	vst v63  }
0x4a6: {  	s18 =	sadd.s32 $0x1C00, s18;
	s19 =	sadd.s32 $0x1C0, s17;
	s17 =	sadd.s32 $0x1000, s17  }
0x4a7: {  	[hbm4b:s19+s6] =	stream.strided.scatter [tilespmem:s18], [sflag:$0x4], $0x400, s12, s6, $0x38;
	[tilespmem:$0x18000] =	vst v63  }
0x4a8: {  	s16 =	simm.s32 $0x0  }
0x4a9: {  	[hbm4b:s7+s6] =	stream.strided.scatter [tilespmem:s16], [sflag:$0x4], $0x400, s12, s6, $0x38;
	[tilespmem:$0x18000] =	vst v63  }
0x4aa: {  	s19 =	simm.s32 $0x400;
	s17 =	sadd.s32 $0x40, s7  }
0x4ab: {  	[hbm4b:s17+s6] =	stream.strided.scatter [tilespmem:s19], [sflag:$0x4], $0x400, s12, s6, $0x38;
	[tilespmem:$0x18000] =	vst v63  }
0x4ac: {  	s20 =	simm.s32 $0x800;
	s21 =	sadd.s32 $0x80, s7  }
0x4ad: {  	[hbm4b:s21+s6] =	stream.strided.scatter [tilespmem:s20], [sflag:$0x4], $0x400, s12, s6, $0x38;
	[tilespmem:$0x18000] =	vst v63  }
0x4ae: {  	s18 =	simm.s32 $0xC00;
	s16 =	simm.s32 $0x8000;
	s19 =	sadd.s32 $0xC0, s7  }
0x4af: {  	[hbm4b:s19+s6] =	stream.strided.scatter [tilespmem:s18], [sflag:$0x4], $0x400, s12, s6, $0x38;
	[tilespmem:$0x18000] =	vst v63  }
0x4b0: {  	s17 =	sadd.s32 $0x1000, s7;
	s20 =	simm.s32 $0x1000;
	s21 =	sadd.s32 $0x100, s7  }
0x4b1: {  	[hbm4b:s21+s6] =	stream.strided.scatter [tilespmem:s20], [sflag:$0x4], $0x400, s12, s6, $0x38;
	[tilespmem:$0x18000] =	vst v63  }
0x4b2: {  	s18 =	simm.s32 $0x1400;
	s19 =	sadd.s32 $0x140, s7;
	s20 =	simm.s32 $0x1800  }
0x4b3: {  	[hbm4b:s19+s6] =	stream.strided.scatter [tilespmem:s18], [sflag:$0x4], $0x400, s12, s6, $0x38;
	[tilespmem:$0x18000] =	vst v63  }
0x4b4: {  	s21 =	sadd.s32 $0x180, s7;
	s18 =	simm.s32 $0x1C00;
	s19 =	sadd.s32 $0x1C0, s7  }
0x4b5: {  	[hbm4b:s21+s6] =	stream.strided.scatter [tilespmem:s20], [sflag:$0x4], $0x400, s12, s6, $0x38;
	[tilespmem:$0x18000] =	vst v63  }
.LBB2_52:
0x4b6: {  	[hbm4b:s19+s6] =	stream.strided.scatter [tilespmem:s18], [sflag:$0x4], $0x400, s12, s6, $0x38;
	[tilespmem:$0x18000] =	vst v63  }
0x4b7: {  	s18 =	sshra.s32 s16, $0x2;
	p0 =	sne.s32 s16, $0x18000;
	s16 =	sadd.s32 $0x8000, s16  }
0x4b8: {  	[hbm4b:s17+s6] =	stream.strided.scatter [tilespmem:s18], [sflag:$0x4], $0x400, s12, s6, $0x38;
	[tilespmem:$0x18000] =	vst v63  }
0x4b9: {  	s20 =	sadd.s32 $0x40, s17;
	s19 =	sadd.s32 $0x400, s18  }
0x4ba: {  	[hbm4b:s20+s6] =	stream.strided.scatter [tilespmem:s19], [sflag:$0x4], $0x400, s12, s6, $0x38;
	[tilespmem:$0x18000] =	vst v63  }
0x4bb: {  	s19 =	sadd.s32 $0x800, s18;
	s20 =	sadd.s32 $0x80, s17  }
0x4bc: {  	[hbm4b:s20+s6] =	stream.strided.scatter [tilespmem:s19], [sflag:$0x4], $0x400, s12, s6, $0x38;
	[tilespmem:$0x18000] =	vst v63  }
0x4bd: {  	s19 =	sadd.s32 $0xC00, s18;
	s20 =	sadd.s32 $0xC0, s17  }
0x4be: {  	[hbm4b:s20+s6] =	stream.strided.scatter [tilespmem:s19], [sflag:$0x4], $0x400, s12, s6, $0x38;
	[tilespmem:$0x18000] =	vst v63  }
0x4bf: {  	s19 =	sadd.s32 $0x1000, s18;
	s20 =	sadd.s32 $0x100, s17  }
0x4c0: {  	[hbm4b:s20+s6] =	stream.strided.scatter [tilespmem:s19], [sflag:$0x4], $0x400, s12, s6, $0x38;
	[tilespmem:$0x18000] =	vst v63  }
.Ltmp25:
0x4c1: {  	s19 =	sadd.s32 $0x1400, s18;
	s20 =	sadd.s32 $0x140, s17;
	(pc) =	sbr.rel @p0 .LBB2_52-.Ltmp25, $4  }
0x4c2: {  	[hbm4b:s20+s6] =	stream.strided.scatter [tilespmem:s19], [sflag:$0x4], $0x400, s12, s6, $0x38;
	[tilespmem:$0x18000] =	vst v63  }
0x4c3: {  	s19 =	sadd.s32 $0x1800, s18;
	s20 =	sadd.s32 $0x180, s17  }
0x4c4: {  	[hbm4b:s20+s6] =	stream.strided.scatter [tilespmem:s19], [sflag:$0x4], $0x400, s12, s6, $0x38;
	[tilespmem:$0x18000] =	vst v63  }
0x4c5: {  	s18 =	sadd.s32 $0x1C00, s18;
	s19 =	sadd.s32 $0x1C0, s17;
	s17 =	sadd.s32 $0x1000, s17  }
0x4c6: {  	[hbm4b:s19+s6] =	stream.strided.scatter [tilespmem:s18], [sflag:$0x4], $0x400, s12, s6, $0x38;
	[tilespmem:$0x18000] =	vst v63  }
0x4c7: {  	s16 =	simm.s32 $0x0  }
0x4c8: {  	[hbm4b:s8+s6] =	stream.strided.scatter [tilespmem:s16], [sflag:$0x4], $0x400, s12, s6, $0x38;
	[tilespmem:$0x18000] =	vst v63  }
0x4c9: {  	s19 =	simm.s32 $0x400;
	s17 =	sadd.s32 $0x40, s8  }
0x4ca: {  	[hbm4b:s17+s6] =	stream.strided.scatter [tilespmem:s19], [sflag:$0x4], $0x400, s12, s6, $0x38;
	[tilespmem:$0x18000] =	vst v63  }
0x4cb: {  	s20 =	simm.s32 $0x800;
	s21 =	sadd.s32 $0x80, s8  }
0x4cc: {  	[hbm4b:s21+s6] =	stream.strided.scatter [tilespmem:s20], [sflag:$0x4], $0x400, s12, s6, $0x38;
	[tilespmem:$0x18000] =	vst v63  }
0x4cd: {  	s18 =	simm.s32 $0xC00;
	s16 =	simm.s32 $0x8000;
	s19 =	sadd.s32 $0xC0, s8  }
0x4ce: {  	[hbm4b:s19+s6] =	stream.strided.scatter [tilespmem:s18], [sflag:$0x4], $0x400, s12, s6, $0x38;
	[tilespmem:$0x18000] =	vst v63  }
0x4cf: {  	s17 =	sadd.s32 $0x1000, s8;
	s20 =	simm.s32 $0x1000;
	s21 =	sadd.s32 $0x100, s8  }
0x4d0: {  	[hbm4b:s21+s6] =	stream.strided.scatter [tilespmem:s20], [sflag:$0x4], $0x400, s12, s6, $0x38;
	[tilespmem:$0x18000] =	vst v63  }
0x4d1: {  	s18 =	simm.s32 $0x1400;
	s19 =	sadd.s32 $0x140, s8;
	s20 =	simm.s32 $0x1800  }
0x4d2: {  	[hbm4b:s19+s6] =	stream.strided.scatter [tilespmem:s18], [sflag:$0x4], $0x400, s12, s6, $0x38;
	[tilespmem:$0x18000] =	vst v63  }
0x4d3: {  	s21 =	sadd.s32 $0x180, s8;
	s18 =	simm.s32 $0x1C00;
	s19 =	sadd.s32 $0x1C0, s8  }
0x4d4: {  	[hbm4b:s21+s6] =	stream.strided.scatter [tilespmem:s20], [sflag:$0x4], $0x400, s12, s6, $0x38;
	[tilespmem:$0x18000] =	vst v63  }
.LBB2_54:
0x4d5: {  	[hbm4b:s19+s6] =	stream.strided.scatter [tilespmem:s18], [sflag:$0x4], $0x400, s12, s6, $0x38;
	[tilespmem:$0x18000] =	vst v63  }
0x4d6: {  	s18 =	sshra.s32 s16, $0x2;
	p0 =	sne.s32 s16, $0x18000;
	s16 =	sadd.s32 $0x8000, s16  }
0x4d7: {  	[hbm4b:s17+s6] =	stream.strided.scatter [tilespmem:s18], [sflag:$0x4], $0x400, s12, s6, $0x38;
	[tilespmem:$0x18000] =	vst v63  }
0x4d8: {  	s20 =	sadd.s32 $0x40, s17;
	s19 =	sadd.s32 $0x400, s18  }
0x4d9: {  	[hbm4b:s20+s6] =	stream.strided.scatter [tilespmem:s19], [sflag:$0x4], $0x400, s12, s6, $0x38;
	[tilespmem:$0x18000] =	vst v63  }
0x4da: {  	s19 =	sadd.s32 $0x800, s18;
	s20 =	sadd.s32 $0x80, s17  }
0x4db: {  	[hbm4b:s20+s6] =	stream.strided.scatter [tilespmem:s19], [sflag:$0x4], $0x400, s12, s6, $0x38;
	[tilespmem:$0x18000] =	vst v63  }
0x4dc: {  	s19 =	sadd.s32 $0xC00, s18;
	s20 =	sadd.s32 $0xC0, s17  }
0x4dd: {  	[hbm4b:s20+s6] =	stream.strided.scatter [tilespmem:s19], [sflag:$0x4], $0x400, s12, s6, $0x38;
	[tilespmem:$0x18000] =	vst v63  }
0x4de: {  	s19 =	sadd.s32 $0x1000, s18;
	s20 =	sadd.s32 $0x100, s17  }
0x4df: {  	[hbm4b:s20+s6] =	stream.strided.scatter [tilespmem:s19], [sflag:$0x4], $0x400, s12, s6, $0x38;
	[tilespmem:$0x18000] =	vst v63  }
.Ltmp26:
0x4e0: {  	s19 =	sadd.s32 $0x1400, s18;
	s20 =	sadd.s32 $0x140, s17;
	(pc) =	sbr.rel @p0 .LBB2_54-.Ltmp26, $4  }
0x4e1: {  	[hbm4b:s20+s6] =	stream.strided.scatter [tilespmem:s19], [sflag:$0x4], $0x400, s12, s6, $0x38;
	[tilespmem:$0x18000] =	vst v63  }
0x4e2: {  	s19 =	sadd.s32 $0x1800, s18;
	s20 =	sadd.s32 $0x180, s17  }
0x4e3: {  	[hbm4b:s20+s6] =	stream.strided.scatter [tilespmem:s19], [sflag:$0x4], $0x400, s12, s6, $0x38;
	[tilespmem:$0x18000] =	vst v63  }
0x4e4: {  	s18 =	sadd.s32 $0x1C00, s18;
	s19 =	sadd.s32 $0x1C0, s17;
	s17 =	sadd.s32 $0x1000, s17  }
0x4e5: {  	[hbm4b:s19+s6] =	stream.strided.scatter [tilespmem:s18], [sflag:$0x4], $0x400, s12, s6, $0x38;
	[tilespmem:$0x18000] =	vst v63  }
0x4e6: {  	s16 =	simm.s32 $0x0  }
0x4e7: {  	[hbm4b:s9+s6] =	stream.strided.scatter [tilespmem:s16], [sflag:$0x4], $0x400, s12, s6, $0x38;
	[tilespmem:$0x18000] =	vst v63  }
0x4e8: {  	s19 =	simm.s32 $0x400;
	s17 =	sadd.s32 $0x40, s9  }
0x4e9: {  	[hbm4b:s17+s6] =	stream.strided.scatter [tilespmem:s19], [sflag:$0x4], $0x400, s12, s6, $0x38;
	[tilespmem:$0x18000] =	vst v63  }
0x4ea: {  	s20 =	simm.s32 $0x800;
	s21 =	sadd.s32 $0x80, s9  }
0x4eb: {  	[hbm4b:s21+s6] =	stream.strided.scatter [tilespmem:s20], [sflag:$0x4], $0x400, s12, s6, $0x38;
	[tilespmem:$0x18000] =	vst v63  }
0x4ec: {  	s18 =	simm.s32 $0xC00;
	s16 =	simm.s32 $0x8000;
	s19 =	sadd.s32 $0xC0, s9  }
0x4ed: {  	[hbm4b:s19+s6] =	stream.strided.scatter [tilespmem:s18], [sflag:$0x4], $0x400, s12, s6, $0x38;
	[tilespmem:$0x18000] =	vst v63  }
0x4ee: {  	s17 =	sadd.s32 $0x1000, s9;
	s20 =	simm.s32 $0x1000;
	s21 =	sadd.s32 $0x100, s9  }
0x4ef: {  	[hbm4b:s21+s6] =	stream.strided.scatter [tilespmem:s20], [sflag:$0x4], $0x400, s12, s6, $0x38;
	[tilespmem:$0x18000] =	vst v63  }
0x4f0: {  	s18 =	simm.s32 $0x1400;
	s19 =	sadd.s32 $0x140, s9;
	s20 =	simm.s32 $0x1800  }
0x4f1: {  	[hbm4b:s19+s6] =	stream.strided.scatter [tilespmem:s18], [sflag:$0x4], $0x400, s12, s6, $0x38;
	[tilespmem:$0x18000] =	vst v63  }
0x4f2: {  	s21 =	sadd.s32 $0x180, s9;
	s18 =	simm.s32 $0x1C00;
	s19 =	sadd.s32 $0x1C0, s9  }
0x4f3: {  	[hbm4b:s21+s6] =	stream.strided.scatter [tilespmem:s20], [sflag:$0x4], $0x400, s12, s6, $0x38;
	[tilespmem:$0x18000] =	vst v63  }
.LBB2_56:
0x4f4: {  	[hbm4b:s19+s6] =	stream.strided.scatter [tilespmem:s18], [sflag:$0x4], $0x400, s12, s6, $0x38;
	[tilespmem:$0x18000] =	vst v63  }
0x4f5: {  	s18 =	sshra.s32 s16, $0x2;
	p0 =	sne.s32 s16, $0x18000;
	s16 =	sadd.s32 $0x8000, s16  }
0x4f6: {  	[hbm4b:s17+s6] =	stream.strided.scatter [tilespmem:s18], [sflag:$0x4], $0x400, s12, s6, $0x38;
	[tilespmem:$0x18000] =	vst v63  }
0x4f7: {  	s20 =	sadd.s32 $0x40, s17;
	s19 =	sadd.s32 $0x400, s18  }
0x4f8: {  	[hbm4b:s20+s6] =	stream.strided.scatter [tilespmem:s19], [sflag:$0x4], $0x400, s12, s6, $0x38;
	[tilespmem:$0x18000] =	vst v63  }
0x4f9: {  	s19 =	sadd.s32 $0x800, s18;
	s20 =	sadd.s32 $0x80, s17  }
0x4fa: {  	[hbm4b:s20+s6] =	stream.strided.scatter [tilespmem:s19], [sflag:$0x4], $0x400, s12, s6, $0x38;
	[tilespmem:$0x18000] =	vst v63  }
0x4fb: {  	s19 =	sadd.s32 $0xC00, s18;
	s20 =	sadd.s32 $0xC0, s17  }
0x4fc: {  	[hbm4b:s20+s6] =	stream.strided.scatter [tilespmem:s19], [sflag:$0x4], $0x400, s12, s6, $0x38;
	[tilespmem:$0x18000] =	vst v63  }
0x4fd: {  	s19 =	sadd.s32 $0x1000, s18;
	s20 =	sadd.s32 $0x100, s17  }
0x4fe: {  	[hbm4b:s20+s6] =	stream.strided.scatter [tilespmem:s19], [sflag:$0x4], $0x400, s12, s6, $0x38;
	[tilespmem:$0x18000] =	vst v63  }
.Ltmp27:
0x4ff: {  	s19 =	sadd.s32 $0x1400, s18;
	s20 =	sadd.s32 $0x140, s17;
	(pc) =	sbr.rel @p0 .LBB2_56-.Ltmp27, $4  }
0x500: {  	[hbm4b:s20+s6] =	stream.strided.scatter [tilespmem:s19], [sflag:$0x4], $0x400, s12, s6, $0x38;
	[tilespmem:$0x18000] =	vst v63  }
0x501: {  	s19 =	sadd.s32 $0x1800, s18;
	s20 =	sadd.s32 $0x180, s17  }
0x502: {  	[hbm4b:s20+s6] =	stream.strided.scatter [tilespmem:s19], [sflag:$0x4], $0x400, s12, s6, $0x38;
	[tilespmem:$0x18000] =	vst v63  }
0x503: {  	s18 =	sadd.s32 $0x1C00, s18;
	s19 =	sadd.s32 $0x1C0, s17;
	s17 =	sadd.s32 $0x1000, s17  }
0x504: {  	[hbm4b:s19+s6] =	stream.strided.scatter [tilespmem:s18], [sflag:$0x4], $0x400, s12, s6, $0x38;
	[tilespmem:$0x18000] =	vst v63  }
0x505: {  	s16 =	simm.s32 $0x2  }
0x506: {  	_ =	swait.ge [sflag:s16], $0x8000  }
0x507: {  	[sflag:s16] =	ssyncset.done $0x0  }
0x508: {  	s18 =	simm.s32 $0x8000;
	[sflag:s16] =	ssyncadd.s32 $0xFFFF8000  }
0x509: {  	[hbm4b:s10+s6] =	stream.strided.scatter [tilespmem:s18], [sflag:$0x5], $0x400, s12, s6, $0x38;
	[tilespmem:$0x18000] =	vst v63  }
0x50a: {  	s19 =	simm.s32 $0x8400;
	s17 =	sadd.s32 $0x40, s10  }
0x50b: {  	[hbm4b:s17+s6] =	stream.strided.scatter [tilespmem:s19], [sflag:$0x5], $0x400, s12, s6, $0x38;
	[tilespmem:$0x18000] =	vst v63  }
0x50c: {  	s20 =	simm.s32 $0x8800;
	s21 =	sadd.s32 $0x80, s10  }
0x50d: {  	[hbm4b:s21+s6] =	stream.strided.scatter [tilespmem:s20], [sflag:$0x5], $0x400, s12, s6, $0x38;
	[tilespmem:$0x18000] =	vst v63  }
0x50e: {  	s18 =	simm.s32 $0x8C00;
	s19 =	sadd.s32 $0xC0, s10  }
0x50f: {  	[hbm4b:s19+s6] =	stream.strided.scatter [tilespmem:s18], [sflag:$0x5], $0x400, s12, s6, $0x38;
	[tilespmem:$0x18000] =	vst v63  }
0x510: {  	s20 =	simm.s32 $0x9000;
	s21 =	sadd.s32 $0x100, s10  }
0x511: {  	[hbm4b:s21+s6] =	stream.strided.scatter [tilespmem:s20], [sflag:$0x5], $0x400, s12, s6, $0x38;
	[tilespmem:$0x18000] =	vst v63  }
0x512: {  	s16 =	simm.s32 $0x2000;
	s18 =	simm.s32 $0x9400;
	s19 =	sadd.s32 $0x140, s10  }
0x513: {  	[hbm4b:s19+s6] =	stream.strided.scatter [tilespmem:s18], [sflag:$0x5], $0x400, s12, s6, $0x38;
	[tilespmem:$0x18000] =	vst v63  }
0x514: {  	s17 =	sadd.s32 $0x1000, s10;
	s20 =	simm.s32 $0x9800;
	s21 =	sadd.s32 $0x180, s10  }
0x515: {  	[hbm4b:s21+s6] =	stream.strided.scatter [tilespmem:s20], [sflag:$0x5], $0x400, s12, s6, $0x38;
	[tilespmem:$0x18000] =	vst v63  }
0x516: {  	s18 =	simm.s32 $0x10000;
	s19 =	simm.s32 $0x9C00;
	s20 =	sadd.s32 $0x1C0, s10  }
.LBB2_58:
0x517: {  	[hbm4b:s20+s6] =	stream.strided.scatter [tilespmem:s19], [sflag:$0x5], $0x400, s12, s6, $0x38;
	[tilespmem:$0x18000] =	vst v63  }
0x518: {  	s19 =	smov.u32 s16;
	s16 =	smov.u32 s18  }
0x519: {  	s21 =	sadd.s32 $0x8000, s18;
	s16 =	sshra.s32 s16, $0x2;
	s20 =	sadd.s32 $0x8000, s19  }
0x51a: {  	[hbm4b:s17+s6] =	stream.strided.scatter [tilespmem:s20], [sflag:$0x5], $0x400, s12, s6, $0x38;
	[tilespmem:$0x18000] =	vst v63  }
0x51b: {  	p0 =	sne.s32 s18, $0x18000;
	s18 =	sadd.s32 $0x8400, s19;
	s20 =	sadd.s32 $0x40, s17  }
0x51c: {  	[hbm4b:s20+s6] =	stream.strided.scatter [tilespmem:s18], [sflag:$0x5], $0x400, s12, s6, $0x38;
	[tilespmem:$0x18000] =	vst v63  }
0x51d: {  	s18 =	sadd.s32 $0x8800, s19;
	s20 =	sadd.s32 $0x80, s17  }
0x51e: {  	[hbm4b:s20+s6] =	stream.strided.scatter [tilespmem:s18], [sflag:$0x5], $0x400, s12, s6, $0x38;
	[tilespmem:$0x18000] =	vst v63  }
0x51f: {  	s18 =	sadd.s32 $0x8C00, s19;
	s20 =	sadd.s32 $0xC0, s17  }
0x520: {  	[hbm4b:s20+s6] =	stream.strided.scatter [tilespmem:s18], [sflag:$0x5], $0x400, s12, s6, $0x38;
	[tilespmem:$0x18000] =	vst v63  }
0x521: {  	s18 =	sadd.s32 $0x9000, s19;
	s20 =	sadd.s32 $0x100, s17  }
0x522: {  	[hbm4b:s20+s6] =	stream.strided.scatter [tilespmem:s18], [sflag:$0x5], $0x400, s12, s6, $0x38;
	[tilespmem:$0x18000] =	vst v63  }
.Ltmp28:
0x523: {  	s18 =	sadd.s32 $0x9400, s19;
	s20 =	sadd.s32 $0x140, s17;
	(pc) =	sbr.rel @p0 .LBB2_58-.Ltmp28, $4  }
0x524: {  	[hbm4b:s20+s6] =	stream.strided.scatter [tilespmem:s18], [sflag:$0x5], $0x400, s12, s6, $0x38;
	[tilespmem:$0x18000] =	vst v63  }
0x525: {  	s18 =	sadd.s32 $0x9800, s19;
	s20 =	sadd.s32 $0x180, s17;
	s19 =	sadd.s32 $0x9C00, s19  }
0x526: {  	[hbm4b:s20+s6] =	stream.strided.scatter [tilespmem:s18], [sflag:$0x5], $0x400, s12, s6, $0x38;
	[tilespmem:$0x18000] =	vst v63  }
0x527: {  	s20 =	sadd.s32 $0x1C0, s17;
	s17 =	sadd.s32 $0x1000, s17;
	s18 =	smov.u32 s21  }
0x528: {  	[hbm4b:s20+s6] =	stream.strided.scatter [tilespmem:s19], [sflag:$0x5], $0x400, s12, s6, $0x38;
	[tilespmem:$0x18000] =	vst v63  }
0x529: {  	s18 =	sadd.s32 $0x8000, s16  }
0x52a: {  	[hbm4b:s17+s6] =	stream.strided.scatter [tilespmem:s18], [sflag:$0x5], $0x400, s12, s6, $0x38;
	[tilespmem:$0x18000] =	vst v63  }
0x52b: {  	s20 =	sadd.s32 $0x8400, s16;
	s21 =	sadd.s32 $0x40, s17  }
0x52c: {  	[hbm4b:s21+s6] =	stream.strided.scatter [tilespmem:s20], [sflag:$0x5], $0x400, s12, s6, $0x38;
	[tilespmem:$0x18000] =	vst v63  }
0x52d: {  	s20 =	sadd.s32 $0x8800, s16;
	s21 =	sadd.s32 $0x80, s17  }
0x52e: {  	[hbm4b:s21+s6] =	stream.strided.scatter [tilespmem:s20], [sflag:$0x5], $0x400, s12, s6, $0x38;
	[tilespmem:$0x18000] =	vst v63  }
0x52f: {  	s20 =	sadd.s32 $0x8C00, s16;
	s21 =	sadd.s32 $0xC0, s17  }
0x530: {  	[hbm4b:s21+s6] =	stream.strided.scatter [tilespmem:s20], [sflag:$0x5], $0x400, s12, s6, $0x38;
	[tilespmem:$0x18000] =	vst v63  }
0x531: {  	s20 =	sadd.s32 $0x9000, s16;
	s21 =	sadd.s32 $0x100, s17  }
0x532: {  	[hbm4b:s21+s6] =	stream.strided.scatter [tilespmem:s20], [sflag:$0x5], $0x400, s12, s6, $0x38;
	[tilespmem:$0x18000] =	vst v63  }
0x533: {  	s20 =	sadd.s32 $0x9400, s16;
	s21 =	sadd.s32 $0x140, s17  }
0x534: {  	[hbm4b:s21+s6] =	stream.strided.scatter [tilespmem:s20], [sflag:$0x5], $0x400, s12, s6, $0x38;
	[tilespmem:$0x18000] =	vst v63  }
0x535: {  	s20 =	sadd.s32 $0x9800, s16;
	s21 =	sadd.s32 $0x180, s17  }
0x536: {  	[hbm4b:s21+s6] =	stream.strided.scatter [tilespmem:s20], [sflag:$0x5], $0x400, s12, s6, $0x38;
	[tilespmem:$0x18000] =	vst v63  }
0x537: {  	s20 =	sadd.s32 $0x9C00, s16;
	s21 =	sadd.s32 $0x1C0, s17  }
0x538: {  	[hbm4b:s21+s6] =	stream.strided.scatter [tilespmem:s20], [sflag:$0x5], $0x400, s12, s6, $0x38;
	[tilespmem:$0x18000] =	vst v63  }
0x539: {  	s17 =	simm.s32 $0x8000  }
0x53a: {  	[hbm4b:s11+s6] =	stream.strided.scatter [tilespmem:s17], [sflag:$0x5], $0x400, s12, s6, $0x38;
	[tilespmem:$0x18000] =	vst v63  }
0x53b: {  	s19 =	sadd.s32 $0x40, s11;
	s18 =	simm.s32 $0x8400  }
0x53c: {  	[hbm4b:s19+s6] =	stream.strided.scatter [tilespmem:s18], [sflag:$0x5], $0x400, s12, s6, $0x38;
	[tilespmem:$0x18000] =	vst v63  }
0x53d: {  	s20 =	simm.s32 $0x8800;
	s21 =	sadd.s32 $0x80, s11  }
0x53e: {  	[hbm4b:s21+s6] =	stream.strided.scatter [tilespmem:s20], [sflag:$0x5], $0x400, s12, s6, $0x38;
	[tilespmem:$0x18000] =	vst v63  }
0x53f: {  	s18 =	simm.s32 $0x8C00;
	s19 =	sadd.s32 $0xC0, s11  }
0x540: {  	[hbm4b:s19+s6] =	stream.strided.scatter [tilespmem:s18], [sflag:$0x5], $0x400, s12, s6, $0x38;
	[tilespmem:$0x18000] =	vst v63  }
0x541: {  	s20 =	simm.s32 $0x9000;
	s21 =	sadd.s32 $0x100, s11  }
0x542: {  	[hbm4b:s21+s6] =	stream.strided.scatter [tilespmem:s20], [sflag:$0x5], $0x400, s12, s6, $0x38;
	[tilespmem:$0x18000] =	vst v63  }
0x543: {  	s16 =	simm.s32 $0x2000;
	s18 =	simm.s32 $0x9400;
	s19 =	sadd.s32 $0x140, s11  }
0x544: {  	[hbm4b:s19+s6] =	stream.strided.scatter [tilespmem:s18], [sflag:$0x5], $0x400, s12, s6, $0x38;
	[tilespmem:$0x18000] =	vst v63  }
0x545: {  	s17 =	sadd.s32 $0x1000, s11;
	s20 =	simm.s32 $0x9800;
	s21 =	sadd.s32 $0x180, s11  }
0x546: {  	[hbm4b:s21+s6] =	stream.strided.scatter [tilespmem:s20], [sflag:$0x5], $0x400, s12, s6, $0x38;
	[tilespmem:$0x18000] =	vst v63  }
0x547: {  	s18 =	simm.s32 $0x10000;
	s19 =	simm.s32 $0x9C00;
	s20 =	sadd.s32 $0x1C0, s11  }
.LBB2_60:
0x548: {  	[hbm4b:s20+s6] =	stream.strided.scatter [tilespmem:s19], [sflag:$0x5], $0x400, s12, s6, $0x38;
	[tilespmem:$0x18000] =	vst v63  }
0x549: {  	s19 =	smov.u32 s16;
	s16 =	smov.u32 s18  }
0x54a: {  	s21 =	sadd.s32 $0x8000, s18;
	s16 =	sshra.s32 s16, $0x2;
	s20 =	sadd.s32 $0x8000, s19  }
0x54b: {  	[hbm4b:s17+s6] =	stream.strided.scatter [tilespmem:s20], [sflag:$0x5], $0x400, s12, s6, $0x38;
	[tilespmem:$0x18000] =	vst v63  }
0x54c: {  	p0 =	sne.s32 s18, $0x18000;
	s18 =	sadd.s32 $0x8400, s19;
	s20 =	sadd.s32 $0x40, s17  }
0x54d: {  	[hbm4b:s20+s6] =	stream.strided.scatter [tilespmem:s18], [sflag:$0x5], $0x400, s12, s6, $0x38;
	[tilespmem:$0x18000] =	vst v63  }
0x54e: {  	s18 =	sadd.s32 $0x8800, s19;
	s20 =	sadd.s32 $0x80, s17  }
0x54f: {  	[hbm4b:s20+s6] =	stream.strided.scatter [tilespmem:s18], [sflag:$0x5], $0x400, s12, s6, $0x38;
	[tilespmem:$0x18000] =	vst v63  }
0x550: {  	s18 =	sadd.s32 $0x8C00, s19;
	s20 =	sadd.s32 $0xC0, s17  }
0x551: {  	[hbm4b:s20+s6] =	stream.strided.scatter [tilespmem:s18], [sflag:$0x5], $0x400, s12, s6, $0x38;
	[tilespmem:$0x18000] =	vst v63  }
0x552: {  	s18 =	sadd.s32 $0x9000, s19;
	s20 =	sadd.s32 $0x100, s17  }
0x553: {  	[hbm4b:s20+s6] =	stream.strided.scatter [tilespmem:s18], [sflag:$0x5], $0x400, s12, s6, $0x38;
	[tilespmem:$0x18000] =	vst v63  }
.Ltmp29:
0x554: {  	s18 =	sadd.s32 $0x9400, s19;
	s20 =	sadd.s32 $0x140, s17;
	(pc) =	sbr.rel @p0 .LBB2_60-.Ltmp29, $4  }
0x555: {  	[hbm4b:s20+s6] =	stream.strided.scatter [tilespmem:s18], [sflag:$0x5], $0x400, s12, s6, $0x38;
	[tilespmem:$0x18000] =	vst v63  }
0x556: {  	s18 =	sadd.s32 $0x9800, s19;
	s20 =	sadd.s32 $0x180, s17;
	s19 =	sadd.s32 $0x9C00, s19  }
0x557: {  	[hbm4b:s20+s6] =	stream.strided.scatter [tilespmem:s18], [sflag:$0x5], $0x400, s12, s6, $0x38;
	[tilespmem:$0x18000] =	vst v63  }
0x558: {  	s20 =	sadd.s32 $0x1C0, s17;
	s17 =	sadd.s32 $0x1000, s17;
	s18 =	smov.u32 s21  }
0x559: {  	[hbm4b:s20+s6] =	stream.strided.scatter [tilespmem:s19], [sflag:$0x5], $0x400, s12, s6, $0x38;
	[tilespmem:$0x18000] =	vst v63  }
0x55a: {  	s18 =	sadd.s32 $0x8000, s16  }
0x55b: {  	[hbm4b:s17+s6] =	stream.strided.scatter [tilespmem:s18], [sflag:$0x5], $0x400, s12, s6, $0x38;
	[tilespmem:$0x18000] =	vst v63  }
0x55c: {  	s20 =	sadd.s32 $0x8400, s16;
	s21 =	sadd.s32 $0x40, s17  }
0x55d: {  	[hbm4b:s21+s6] =	stream.strided.scatter [tilespmem:s20], [sflag:$0x5], $0x400, s12, s6, $0x38;
	[tilespmem:$0x18000] =	vst v63  }
0x55e: {  	s20 =	sadd.s32 $0x8800, s16;
	s21 =	sadd.s32 $0x80, s17  }
0x55f: {  	[hbm4b:s21+s6] =	stream.strided.scatter [tilespmem:s20], [sflag:$0x5], $0x400, s12, s6, $0x38;
	[tilespmem:$0x18000] =	vst v63  }
0x560: {  	s20 =	sadd.s32 $0x8C00, s16;
	s21 =	sadd.s32 $0xC0, s17  }
0x561: {  	[hbm4b:s21+s6] =	stream.strided.scatter [tilespmem:s20], [sflag:$0x5], $0x400, s12, s6, $0x38;
	[tilespmem:$0x18000] =	vst v63  }
0x562: {  	s20 =	sadd.s32 $0x9000, s16;
	s21 =	sadd.s32 $0x100, s17  }
0x563: {  	[hbm4b:s21+s6] =	stream.strided.scatter [tilespmem:s20], [sflag:$0x5], $0x400, s12, s6, $0x38;
	[tilespmem:$0x18000] =	vst v63  }
0x564: {  	s20 =	sadd.s32 $0x9400, s16;
	s21 =	sadd.s32 $0x140, s17  }
0x565: {  	[hbm4b:s21+s6] =	stream.strided.scatter [tilespmem:s20], [sflag:$0x5], $0x400, s12, s6, $0x38;
	[tilespmem:$0x18000] =	vst v63  }
0x566: {  	s20 =	sadd.s32 $0x9800, s16;
	s21 =	sadd.s32 $0x180, s17  }
0x567: {  	[hbm4b:s21+s6] =	stream.strided.scatter [tilespmem:s20], [sflag:$0x5], $0x400, s12, s6, $0x38;
	[tilespmem:$0x18000] =	vst v63  }
0x568: {  	s20 =	sadd.s32 $0x9C00, s16;
	s21 =	sadd.s32 $0x1C0, s17  }
0x569: {  	[hbm4b:s21+s6] =	stream.strided.scatter [tilespmem:s20], [sflag:$0x5], $0x400, s12, s6, $0x38;
	[tilespmem:$0x18000] =	vst v63  }
0x56a: {  	s17 =	simm.s32 $0x8000  }
0x56b: {  	[hbm4b:s1+s6] =	stream.strided.scatter [tilespmem:s17], [sflag:$0x5], $0x400, s12, s6, $0x38;
	[tilespmem:$0x18000] =	vst v63  }
0x56c: {  	s19 =	sadd.s32 $0x40, s1;
	s18 =	simm.s32 $0x8400  }
0x56d: {  	[hbm4b:s19+s6] =	stream.strided.scatter [tilespmem:s18], [sflag:$0x5], $0x400, s12, s6, $0x38;
	[tilespmem:$0x18000] =	vst v63  }
0x56e: {  	s20 =	simm.s32 $0x8800;
	s21 =	sadd.s32 $0x80, s1  }
0x56f: {  	[hbm4b:s21+s6] =	stream.strided.scatter [tilespmem:s20], [sflag:$0x5], $0x400, s12, s6, $0x38;
	[tilespmem:$0x18000] =	vst v63  }
0x570: {  	s18 =	simm.s32 $0x8C00;
	s19 =	sadd.s32 $0xC0, s1  }
0x571: {  	[hbm4b:s19+s6] =	stream.strided.scatter [tilespmem:s18], [sflag:$0x5], $0x400, s12, s6, $0x38;
	[tilespmem:$0x18000] =	vst v63  }
0x572: {  	s20 =	simm.s32 $0x9000;
	s21 =	sadd.s32 $0x100, s1  }
0x573: {  	[hbm4b:s21+s6] =	stream.strided.scatter [tilespmem:s20], [sflag:$0x5], $0x400, s12, s6, $0x38;
	[tilespmem:$0x18000] =	vst v63  }
0x574: {  	s16 =	simm.s32 $0x2000;
	s18 =	simm.s32 $0x9400;
	s19 =	sadd.s32 $0x140, s1  }
0x575: {  	[hbm4b:s19+s6] =	stream.strided.scatter [tilespmem:s18], [sflag:$0x5], $0x400, s12, s6, $0x38;
	[tilespmem:$0x18000] =	vst v63  }
0x576: {  	s17 =	sadd.s32 $0x1000, s1;
	s20 =	simm.s32 $0x9800;
	s21 =	sadd.s32 $0x180, s1  }
0x577: {  	[hbm4b:s21+s6] =	stream.strided.scatter [tilespmem:s20], [sflag:$0x5], $0x400, s12, s6, $0x38;
	[tilespmem:$0x18000] =	vst v63  }
0x578: {  	s18 =	simm.s32 $0x10000;
	s19 =	simm.s32 $0x9C00;
	s20 =	sadd.s32 $0x1C0, s1  }
.LBB2_62:
0x579: {  	[hbm4b:s20+s6] =	stream.strided.scatter [tilespmem:s19], [sflag:$0x5], $0x400, s12, s6, $0x38;
	[tilespmem:$0x18000] =	vst v63  }
0x57a: {  	s19 =	smov.u32 s16;
	s16 =	smov.u32 s18  }
0x57b: {  	s21 =	sadd.s32 $0x8000, s18;
	s16 =	sshra.s32 s16, $0x2;
	s20 =	sadd.s32 $0x8000, s19  }
0x57c: {  	[hbm4b:s17+s6] =	stream.strided.scatter [tilespmem:s20], [sflag:$0x5], $0x400, s12, s6, $0x38;
	[tilespmem:$0x18000] =	vst v63  }
0x57d: {  	p0 =	sne.s32 s18, $0x18000;
	s18 =	sadd.s32 $0x8400, s19;
	s20 =	sadd.s32 $0x40, s17  }
0x57e: {  	[hbm4b:s20+s6] =	stream.strided.scatter [tilespmem:s18], [sflag:$0x5], $0x400, s12, s6, $0x38;
	[tilespmem:$0x18000] =	vst v63  }
0x57f: {  	s18 =	sadd.s32 $0x8800, s19;
	s20 =	sadd.s32 $0x80, s17  }
0x580: {  	[hbm4b:s20+s6] =	stream.strided.scatter [tilespmem:s18], [sflag:$0x5], $0x400, s12, s6, $0x38;
	[tilespmem:$0x18000] =	vst v63  }
0x581: {  	s18 =	sadd.s32 $0x8C00, s19;
	s20 =	sadd.s32 $0xC0, s17  }
0x582: {  	[hbm4b:s20+s6] =	stream.strided.scatter [tilespmem:s18], [sflag:$0x5], $0x400, s12, s6, $0x38;
	[tilespmem:$0x18000] =	vst v63  }
0x583: {  	s18 =	sadd.s32 $0x9000, s19;
	s20 =	sadd.s32 $0x100, s17  }
0x584: {  	[hbm4b:s20+s6] =	stream.strided.scatter [tilespmem:s18], [sflag:$0x5], $0x400, s12, s6, $0x38;
	[tilespmem:$0x18000] =	vst v63  }
.Ltmp30:
0x585: {  	s18 =	sadd.s32 $0x9400, s19;
	s20 =	sadd.s32 $0x140, s17;
	(pc) =	sbr.rel @p0 .LBB2_62-.Ltmp30, $4  }
0x586: {  	[hbm4b:s20+s6] =	stream.strided.scatter [tilespmem:s18], [sflag:$0x5], $0x400, s12, s6, $0x38;
	[tilespmem:$0x18000] =	vst v63  }
0x587: {  	s18 =	sadd.s32 $0x9800, s19;
	s20 =	sadd.s32 $0x180, s17;
	s19 =	sadd.s32 $0x9C00, s19  }
0x588: {  	[hbm4b:s20+s6] =	stream.strided.scatter [tilespmem:s18], [sflag:$0x5], $0x400, s12, s6, $0x38;
	[tilespmem:$0x18000] =	vst v63  }
0x589: {  	s20 =	sadd.s32 $0x1C0, s17;
	s17 =	sadd.s32 $0x1000, s17;
	s18 =	smov.u32 s21  }
0x58a: {  	[hbm4b:s20+s6] =	stream.strided.scatter [tilespmem:s19], [sflag:$0x5], $0x400, s12, s6, $0x38;
	[tilespmem:$0x18000] =	vst v63  }
0x58b: {  	s18 =	sadd.s32 $0x8000, s16  }
0x58c: {  	[hbm4b:s17+s6] =	stream.strided.scatter [tilespmem:s18], [sflag:$0x5], $0x400, s12, s6, $0x38;
	[tilespmem:$0x18000] =	vst v63  }
0x58d: {  	s20 =	sadd.s32 $0x8400, s16;
	s21 =	sadd.s32 $0x40, s17  }
0x58e: {  	[hbm4b:s21+s6] =	stream.strided.scatter [tilespmem:s20], [sflag:$0x5], $0x400, s12, s6, $0x38;
	[tilespmem:$0x18000] =	vst v63  }
0x58f: {  	s20 =	sadd.s32 $0x8800, s16;
	s21 =	sadd.s32 $0x80, s17  }
0x590: {  	[hbm4b:s21+s6] =	stream.strided.scatter [tilespmem:s20], [sflag:$0x5], $0x400, s12, s6, $0x38;
	[tilespmem:$0x18000] =	vst v63  }
0x591: {  	s20 =	sadd.s32 $0x8C00, s16;
	s21 =	sadd.s32 $0xC0, s17  }
0x592: {  	[hbm4b:s21+s6] =	stream.strided.scatter [tilespmem:s20], [sflag:$0x5], $0x400, s12, s6, $0x38;
	[tilespmem:$0x18000] =	vst v63  }
0x593: {  	s20 =	sadd.s32 $0x9000, s16;
	s21 =	sadd.s32 $0x100, s17  }
0x594: {  	[hbm4b:s21+s6] =	stream.strided.scatter [tilespmem:s20], [sflag:$0x5], $0x400, s12, s6, $0x38;
	[tilespmem:$0x18000] =	vst v63  }
0x595: {  	s20 =	sadd.s32 $0x9400, s16;
	s21 =	sadd.s32 $0x140, s17  }
0x596: {  	[hbm4b:s21+s6] =	stream.strided.scatter [tilespmem:s20], [sflag:$0x5], $0x400, s12, s6, $0x38;
	[tilespmem:$0x18000] =	vst v63  }
0x597: {  	s20 =	sadd.s32 $0x9800, s16;
	s21 =	sadd.s32 $0x180, s17  }
0x598: {  	[hbm4b:s21+s6] =	stream.strided.scatter [tilespmem:s20], [sflag:$0x5], $0x400, s12, s6, $0x38;
	[tilespmem:$0x18000] =	vst v63  }
0x599: {  	s20 =	sadd.s32 $0x9C00, s16;
	s21 =	sadd.s32 $0x1C0, s17  }
0x59a: {  	[hbm4b:s21+s6] =	stream.strided.scatter [tilespmem:s20], [sflag:$0x5], $0x400, s12, s6, $0x38;
	[tilespmem:$0x18000] =	vst v63  }
0x59b: {  	s17 =	simm.s32 $0x8000  }
0x59c: {  	[hbm4b:s5+s6] =	stream.strided.scatter [tilespmem:s17], [sflag:$0x5], $0x400, s12, s6, $0x38;
	[tilespmem:$0x18000] =	vst v63  }
0x59d: {  	s19 =	sadd.s32 $0x40, s5;
	s18 =	simm.s32 $0x8400  }
0x59e: {  	[hbm4b:s19+s6] =	stream.strided.scatter [tilespmem:s18], [sflag:$0x5], $0x400, s12, s6, $0x38;
	[tilespmem:$0x18000] =	vst v63  }
0x59f: {  	s20 =	simm.s32 $0x8800;
	s21 =	sadd.s32 $0x80, s5  }
0x5a0: {  	[hbm4b:s21+s6] =	stream.strided.scatter [tilespmem:s20], [sflag:$0x5], $0x400, s12, s6, $0x38;
	[tilespmem:$0x18000] =	vst v63  }
0x5a1: {  	s18 =	simm.s32 $0x8C00;
	s19 =	sadd.s32 $0xC0, s5  }
0x5a2: {  	[hbm4b:s19+s6] =	stream.strided.scatter [tilespmem:s18], [sflag:$0x5], $0x400, s12, s6, $0x38;
	[tilespmem:$0x18000] =	vst v63  }
0x5a3: {  	s20 =	simm.s32 $0x9000;
	s21 =	sadd.s32 $0x100, s5  }
0x5a4: {  	[hbm4b:s21+s6] =	stream.strided.scatter [tilespmem:s20], [sflag:$0x5], $0x400, s12, s6, $0x38;
	[tilespmem:$0x18000] =	vst v63  }
0x5a5: {  	s16 =	simm.s32 $0x2000;
	s18 =	simm.s32 $0x9400;
	s19 =	sadd.s32 $0x140, s5  }
0x5a6: {  	[hbm4b:s19+s6] =	stream.strided.scatter [tilespmem:s18], [sflag:$0x5], $0x400, s12, s6, $0x38;
	[tilespmem:$0x18000] =	vst v63  }
0x5a7: {  	s17 =	sadd.s32 $0x1000, s5;
	s20 =	simm.s32 $0x9800;
	s21 =	sadd.s32 $0x180, s5  }
0x5a8: {  	[hbm4b:s21+s6] =	stream.strided.scatter [tilespmem:s20], [sflag:$0x5], $0x400, s12, s6, $0x38;
	[tilespmem:$0x18000] =	vst v63  }
0x5a9: {  	s18 =	simm.s32 $0x10000;
	s19 =	simm.s32 $0x9C00;
	s20 =	sadd.s32 $0x1C0, s5  }
.LBB2_64:
0x5aa: {  	[hbm4b:s20+s6] =	stream.strided.scatter [tilespmem:s19], [sflag:$0x5], $0x400, s12, s6, $0x38;
	[tilespmem:$0x18000] =	vst v63  }
0x5ab: {  	s19 =	smov.u32 s16;
	s16 =	smov.u32 s18  }
0x5ac: {  	s21 =	sadd.s32 $0x8000, s18;
	s16 =	sshra.s32 s16, $0x2;
	s20 =	sadd.s32 $0x8000, s19  }
0x5ad: {  	[hbm4b:s17+s6] =	stream.strided.scatter [tilespmem:s20], [sflag:$0x5], $0x400, s12, s6, $0x38;
	[tilespmem:$0x18000] =	vst v63  }
0x5ae: {  	p0 =	sne.s32 s18, $0x18000;
	s18 =	sadd.s32 $0x8400, s19;
	s20 =	sadd.s32 $0x40, s17  }
0x5af: {  	[hbm4b:s20+s6] =	stream.strided.scatter [tilespmem:s18], [sflag:$0x5], $0x400, s12, s6, $0x38;
	[tilespmem:$0x18000] =	vst v63  }
0x5b0: {  	s18 =	sadd.s32 $0x8800, s19;
	s20 =	sadd.s32 $0x80, s17  }
0x5b1: {  	[hbm4b:s20+s6] =	stream.strided.scatter [tilespmem:s18], [sflag:$0x5], $0x400, s12, s6, $0x38;
	[tilespmem:$0x18000] =	vst v63  }
0x5b2: {  	s18 =	sadd.s32 $0x8C00, s19;
	s20 =	sadd.s32 $0xC0, s17  }
0x5b3: {  	[hbm4b:s20+s6] =	stream.strided.scatter [tilespmem:s18], [sflag:$0x5], $0x400, s12, s6, $0x38;
	[tilespmem:$0x18000] =	vst v63  }
0x5b4: {  	s18 =	sadd.s32 $0x9000, s19;
	s20 =	sadd.s32 $0x100, s17  }
0x5b5: {  	[hbm4b:s20+s6] =	stream.strided.scatter [tilespmem:s18], [sflag:$0x5], $0x400, s12, s6, $0x38;
	[tilespmem:$0x18000] =	vst v63  }
.Ltmp31:
0x5b6: {  	s18 =	sadd.s32 $0x9400, s19;
	s20 =	sadd.s32 $0x140, s17;
	(pc) =	sbr.rel @p0 .LBB2_64-.Ltmp31, $4  }
0x5b7: {  	[hbm4b:s20+s6] =	stream.strided.scatter [tilespmem:s18], [sflag:$0x5], $0x400, s12, s6, $0x38;
	[tilespmem:$0x18000] =	vst v63  }
0x5b8: {  	s18 =	sadd.s32 $0x9800, s19;
	s20 =	sadd.s32 $0x180, s17;
	s19 =	sadd.s32 $0x9C00, s19  }
0x5b9: {  	[hbm4b:s20+s6] =	stream.strided.scatter [tilespmem:s18], [sflag:$0x5], $0x400, s12, s6, $0x38;
	[tilespmem:$0x18000] =	vst v63  }
0x5ba: {  	s20 =	sadd.s32 $0x1C0, s17;
	s17 =	sadd.s32 $0x1000, s17;
	s18 =	smov.u32 s21  }
0x5bb: {  	[hbm4b:s20+s6] =	stream.strided.scatter [tilespmem:s19], [sflag:$0x5], $0x400, s12, s6, $0x38;
	[tilespmem:$0x18000] =	vst v63  }
0x5bc: {  	s18 =	sadd.s32 $0x8000, s16  }
0x5bd: {  	[hbm4b:s17+s6] =	stream.strided.scatter [tilespmem:s18], [sflag:$0x5], $0x400, s12, s6, $0x38;
	[tilespmem:$0x18000] =	vst v63  }
0x5be: {  	s20 =	sadd.s32 $0x8400, s16;
	s21 =	sadd.s32 $0x40, s17  }
0x5bf: {  	[hbm4b:s21+s6] =	stream.strided.scatter [tilespmem:s20], [sflag:$0x5], $0x400, s12, s6, $0x38;
	[tilespmem:$0x18000] =	vst v63  }
0x5c0: {  	s20 =	sadd.s32 $0x8800, s16;
	s21 =	sadd.s32 $0x80, s17  }
0x5c1: {  	[hbm4b:s21+s6] =	stream.strided.scatter [tilespmem:s20], [sflag:$0x5], $0x400, s12, s6, $0x38;
	[tilespmem:$0x18000] =	vst v63  }
0x5c2: {  	s20 =	sadd.s32 $0x8C00, s16;
	s21 =	sadd.s32 $0xC0, s17  }
0x5c3: {  	[hbm4b:s21+s6] =	stream.strided.scatter [tilespmem:s20], [sflag:$0x5], $0x400, s12, s6, $0x38;
	[tilespmem:$0x18000] =	vst v63  }
0x5c4: {  	s20 =	sadd.s32 $0x9000, s16;
	s21 =	sadd.s32 $0x100, s17  }
0x5c5: {  	[hbm4b:s21+s6] =	stream.strided.scatter [tilespmem:s20], [sflag:$0x5], $0x400, s12, s6, $0x38;
	[tilespmem:$0x18000] =	vst v63  }
0x5c6: {  	s20 =	sadd.s32 $0x9400, s16;
	s21 =	sadd.s32 $0x140, s17  }
0x5c7: {  	[hbm4b:s21+s6] =	stream.strided.scatter [tilespmem:s20], [sflag:$0x5], $0x400, s12, s6, $0x38;
	[tilespmem:$0x18000] =	vst v63  }
0x5c8: {  	s20 =	sadd.s32 $0x9800, s16;
	s21 =	sadd.s32 $0x180, s17  }
0x5c9: {  	[hbm4b:s21+s6] =	stream.strided.scatter [tilespmem:s20], [sflag:$0x5], $0x400, s12, s6, $0x38;
	[tilespmem:$0x18000] =	vst v63  }
0x5ca: {  	s19 =	sadd.s32 $0x1C0, s17;
	s18 =	sadd.s32 $0x9C00, s16  }
0x5cb: {  	[hbm4b:s19+s6] =	stream.strided.scatter [tilespmem:s18], [sflag:$0x5], $0x400, s12, s6, $0x38;
	[tilespmem:$0x18000] =	vst v63  }
0x5cc: {  	_ =	swait.ge [sflag:s15], $0x8000  }
0x5cd: {  	[sflag:s15] =	ssyncset.done $0x0  }
0x5ce: {  	[sflag:s15] =	ssyncadd.s32 $0xFFFF8000  }
0x5cf: {  	_ =	swait.ge [sflag:s15], $0x8000  }
0x5d0: {  	[sflag:s15] =	ssyncset.done $0x0  }
0x5d1: {  	[sflag:s15] =	ssyncadd.s32 $0xFFFF8000  }
0x5d2: {  	_ =	swait.ge [sflag:s15], $0x8000  }
0x5d3: {  	[sflag:s15] =	ssyncset.done $0x0  }
0x5d4: {  	[sflag:s15] =	ssyncadd.s32 $0xFFFF8000  }
0x5d5: {  	_ =	swait.ge [sflag:s15], $0x8000  }
0x5d6: {  	[sflag:s15] =	ssyncset.done $0x0  }
0x5d7: {  	[sflag:s15] =	ssyncadd.s32 $0xFFFF8000  }
0x5d8: {  	_ =	swait.ge [sflag:s13], $0x8000  }
0x5d9: {  	[sflag:s13] =	ssyncset.done $0x0  }
0x5da: {  	[sflag:s13] =	ssyncadd.s32 $0xFFFF8000  }
0x5db: {  	_ =	swait.ge [sflag:s13], $0x8000  }
0x5dc: {  	[sflag:s13] =	ssyncset.done $0x0  }
0x5dd: {  	[sflag:s13] =	ssyncadd.s32 $0xFFFF8000  }
0x5de: {  	_ =	swait.ge [sflag:s13], $0x8000  }
0x5df: {  	[sflag:s13] =	ssyncset.done $0x0  }
0x5e0: {  	[sflag:s13] =	ssyncadd.s32 $0xFFFF8000  }
0x5e1: {  	_ =	swait.ge [sflag:s13], $0x8000  }
0x5e2: {  	[sflag:s13] =	ssyncset.done $0x0  }
0x5e3: {  	[sflag:s13] =	ssyncadd.s32 $0xFFFF8000  }
0x5e4: {  	_ =	swait.ge [sflag:s14], $0x8000  }
0x5e5: {  	[sflag:s14] =	ssyncset.done $0x0  }
0x5e6: {  	[sflag:s14] =	ssyncadd.s32 $0xFFFF8000  }
0x5e7: {  	_ =	swait.ge [sflag:s14], $0x8000  }
0x5e8: {  	[sflag:s14] =	ssyncset.done $0x0  }
0x5e9: {  	[sflag:s14] =	ssyncadd.s32 $0xFFFF8000  }
0x5ea: {  	_ =	swait.ge [sflag:s14], $0x8000  }
0x5eb: {  	[sflag:s14] =	ssyncset.done $0x0  }
0x5ec: {  	[sflag:s14] =	ssyncadd.s32 $0xFFFF8000  }
0x5ed: {  	_ =	swait.ge [sflag:s14], $0x8000  }
0x5ee: {  	s20 =	rddreg [dreg:$0x18]  }
0x5ef: {  	s21 =	rddreg [dreg:$0x17];
	s17 =	sadd.s32 $0x1, s20  }
0x5f0: {  	p0 =	sne.s32 s17, s21  }
.Ltmp32:
0x5f1: {  	_ = 	snop;
	(pc) =	sbr.rel @p0 .LBB2_1-.Ltmp32, $3  }
0x5f2: {  	_ =	sdelay $0x1  }
0x5f3: {  	[sflag:s14] =	ssyncset.done $0x0  }
0x5f4: {  	[sflag:s14] =	ssyncadd.s32 $0xFFFF8000  }
0x5f5: {  	_ =	sfence.sel $0x180000  }
0x5f6: {  	[bflag:$0x0] =	sbarrier.arrive $0xFFFF  }
0x5f7: {  	_ =	strace $0x90000047  }
0x5f8: {  	s0 =	stileid.u32;
	[bflag:$0x2] =	sbarrier.arrive $0xFFFF  }
0x5f9: {  	p0 =	sne.s32 s0, $0x0;
	s0 =	rddreg [dreg:$0x2]  }
0x5fa: {  	s0 =	sadd.s32 @!p0 $0x100000, s0  }
0x5fb: {  	[sflag:s0] =	ssyncadd.tile.s32 @!p0 $0x1;
	_ =	shalt  }
.Lfunc_end2:
_tile_overlayer_lowered:
.L_overlay_start_2:
0x5fc: {  	(tag) =	ssettag $0x2  }
0x5fd: {  	s0 =	rddreg [dreg:$0x0];
	s2 =	stileid.u32  }
0x5fe: {  	s1 =	rddreg [dreg:$0x1];
	p0 =	sne.s32 s2, $0x0  }
0x5ff: {  	s3 =	rddreg [dreg:$0x2];
	[bflag:$0x3] =	sbarrier.arrive $0xFFFF;
	s2 =	simm.s32 @!p0 $0x1C07  }
0x600: {  	[timem:s3], [sflag:s2] =	dma.local @!p0 [hbm:s0], s1  }
0x601: {  	s0 =	simm.s32 @!p0 $0x7  }
0x602: {  	_ =	swait.ge @!p0 [sflag:s0], s1  }
0x603: {  	s1 =	ssub.s32 @!p0 $0x0, s1;
	[sflag:s0] =	ssyncset.done @!p0 $0x0  }
0x604: {  	[sflag:s0] =	ssyncadd.s32 @!p0 s1  }
0x605: {  	[bflag:$0x3] =	sbarrier.arrive $0xFFFF  }
0x606: {  	_ =	shalt  }

</sc_bundles>
